<compile_context>
chip_gen: v7x
topology: tpu7x:2x2x1
jax: 0.10.2.dev20260603
libtpu: 0.0.44.dev20260713+nightly
codegen_flags: <defaults>
</compile_context>

<pallas_src>
import functools

import jax
import jax.numpy as jnp
from jax import lax
from jax.experimental import pallas as pl
from jax.experimental.pallas import tpu as pltpu
from jax.experimental.pallas import tpu_sc as plsc

F32 = jnp.float32
SLOPE_ = (1.0 / 8.0 + 1.0 / 3.0) / 2.0
NC, NS = 2, 16
NW = NC * NS
GCH = 1000
NEG = -1e30


def _rrelu(x):
    return jnp.where(x >= 0, x, x * SLOPE_)


def _mmT(x, w):
    return lax.dot_general(x, w, (((1,), (1,)), ((), ())),
                           preferred_element_type=F32)


def _mTm(x, y):
    return lax.dot_general(x, y, (((0,), (0,)), ((), ())),
                           preferred_element_type=F32)


def _full(shape):
    return pl.BlockSpec(shape, lambda *_: tuple(0 for _ in shape))


def _rows(blk, width):
    return pl.BlockSpec((blk, width), lambda i: (i, 0))



def _ff2(x, w1, b1, w2, b2, blk, interpret=False):
    n, din = x.shape
    dmid = w1.shape[0]
    dout = w2.shape[0]

    def body(x_ref, w1_ref, b1_ref, w2_ref, b2_ref, o_ref):
        h = _rrelu(_mmT(x_ref[...], w1_ref[...]) + b1_ref[...])
        o_ref[...] = _mmT(h, w2_ref[...]) + b2_ref[...]

    return pl.pallas_call(
        body,
        grid=(n // blk,),
        in_specs=[_rows(blk, din), _full((dmid, din)), _full((1, dmid)),
                  _full((dout, dmid)), _full((1, dout))],
        out_specs=_rows(blk, dout),
        out_shape=jax.ShapeDtypeStruct((n, dout), F32),
        interpret=interpret,
    )(x, w1, b1.reshape(1, -1), w2, b2.reshape(1, -1))



def _bd4(w):
    return jax.scipy.linalg.block_diag(w, w, w, w)


def _t4(b):
    return jnp.tile(b, 4).reshape(1, -1)


def _edge_packed(bp, a1p, a2p, ff, phi, blk, res_on_ff_out=False,
                 interpret=False):
    e4, din4 = bp.shape
    (w1a, w1b, w1c, bb1, w2, bb2, w3, bb3) = phi
    have_ff = ff is not None

    def body(b_ref, a1_ref, a2_ref, *refs):
        if have_ff:
            u1, c1, u2, c2 = refs[:4]
            refs = refs[4:]
        (w1a_r, w1b_r, w1c_r, bb1_r, w2_r, bb2_r, w3_r, bb3_r,
         nb_ref, bnew_ref) = refs
        bb = b_ref[...]
        a1 = a1_ref[...]
        a2 = a2_ref[...]
        if have_ff:
            rb = _mmT(_rrelu(_mmT(bb, u1[...]) + c1[...]), u2[...]) + c2[...]
        else:
            rb = bb
        base = rb if res_on_ff_out else bb
        h1 = _rrelu(_mmT(a1, w1a_r[...]) + _mmT(a2, w1b_r[...])
                    + _mmT(rb, w1c_r[...]) + bb1_r[...])
        h2 = _rrelu(_mmT(h1, w2_r[...]) + bb2_r[...])
        nb = _mmT(h2, w3_r[...]) + bb3_r[...]
        nb_ref[...] = nb
        bnew_ref[...] = base + nb

    ins = [bp, a1p, a2p]
    specs = [_rows(blk, din4), _rows(blk, 128), _rows(blk, 128)]
    if have_ff:
        u1, c1, u2, c2 = ff
        u1d, u2d = _bd4(u1), _bd4(u2)
        ins += [u1d, _t4(c1), u2d, _t4(c2)]
        specs += [_full(u1d.shape), _full((1, 4 * u1.shape[0])),
                  _full(u2d.shape), _full((1, 4 * u2.shape[0]))]
    w1ad, w1bd, w1cd = _bd4(w1a), _bd4(w1b), _bd4(w1c)
    w2d, w3d = _bd4(w2), _bd4(w3)
    ins += [w1ad, w1bd, w1cd, _t4(bb1), w2d, _t4(bb2), w3d, _t4(bb3)]
    specs += [_full(w1ad.shape), _full(w1bd.shape), _full(w1cd.shape),
              _full((1, 4 * w1a.shape[0])), _full(w2d.shape),
              _full((1, 4 * w2.shape[0])), _full(w3d.shape),
              _full((1, 4 * w3.shape[0]))]

    return pl.pallas_call(
        body,
        grid=(e4 // blk,),
        in_specs=specs,
        out_specs=[_rows(blk, 128), _rows(blk, 128)],
        out_shape=[jax.ShapeDtypeStruct((e4, 128), F32),
                   jax.ShapeDtypeStruct((e4, 128), F32)],
        interpret=interpret,
    )(*ins)



def _phi_v(p, cnt, a, ra, phi, blk, interpret=False):
    n, d = a.shape
    (w1m, w1a, bb1, w2, bb2, w3, bb3) = phi

    def body(p_r, c_r, a_r, ra_r, w1m_r, w1a_r, bb1_r,
             w2_r, bb2_r, w3_r, bb3_r, o_ref):
        msg = p_r[...] / jnp.clip(c_r[...], 1.0, None)
        h1 = _rrelu(_mmT(msg, w1m_r[...]) + _mmT(ra_r[...], w1a_r[...])
                    + bb1_r[...])
        h2 = _rrelu(_mmT(h1, w2_r[...]) + bb2_r[...])
        na = _mmT(h2, w3_r[...]) + bb3_r[...]
        o_ref[...] = a_r[...] + na

    return pl.pallas_call(
        body,
        grid=(n // blk,),
        in_specs=[_rows(blk, d)] * 4 + [
            _full(w1m.shape), _full(w1a.shape), _full((1, w1m.shape[0])),
            _full(w2.shape), _full((1, w2.shape[0])),
            _full(w3.shape), _full((1, w3.shape[0]))],
        out_specs=_rows(blk, d),
        out_shape=jax.ShapeDtypeStruct((n, d), F32),
        interpret=interpret,
    )(p, cnt, a, ra, w1m, w1a, bb1.reshape(1, -1),
      w2, bb2.reshape(1, -1), w3, bb3.reshape(1, -1))



def _sc_mesh():
    return plsc.VectorSubcoreMesh(core_axis_name="c", subcore_axis_name="s",
                                  num_cores=NC, num_subcores=NS)


def _gather2(table, idx1, idx2):
    n, d = table.shape
    e = idx1.shape[0]
    per_w = e // NW
    nch = per_w // GCH

    @functools.partial(
        pl.kernel, mesh=_sc_mesh(),
        out_type=(jax.ShapeDtypeStruct((e, d), F32),
                  jax.ShapeDtypeStruct((e, d), F32)),
        compiler_params=pltpu.CompilerParams(use_tc_tiling_on_sc=False),
        scratch_types=[pltpu.VMEM((GCH,), jnp.int32),
                       pltpu.VMEM((GCH, d), F32),
                       pltpu.SemaphoreType.DMA])
    def k(tab, i1, i2, o1, o2, idx_v, rows_v, sem):
        wid = lax.axis_index("s") * NC + lax.axis_index("c")
        base = wid * per_w

        def chunk(ih, oh, off):
            pltpu.sync_copy(ih.at[pl.ds(off, GCH)], idx_v)
            pltpu.async_copy(tab.at[idx_v], rows_v, sem).wait()
            pltpu.sync_copy(rows_v, oh.at[pl.ds(off, GCH)])

        def body(j, carry):
            off = base + j * GCH
            chunk(i1, o1, off)
            chunk(i2, o2, off)
            return carry

        lax.fori_loop(0, nch, body, 0)

    return k(table, idx1, idx2)



def _segsum(vals_or_ones, idx, n, d, ones=False):
    e = idx.shape[0]
    per_t = e // NS
    nch = per_t // GCH
    rows_t = n // NS
    dh = d // NC

    @functools.partial(
        pl.kernel, mesh=_sc_mesh(),
        out_type=jax.ShapeDtypeStruct((n, d), F32),
        compiler_params=pltpu.CompilerParams(use_tc_tiling_on_sc=False),
        scratch_types=[pltpu.VMEM((GCH,), jnp.int32),
                       pltpu.VMEM((GCH, dh), F32),
                       pltpu.VMEM_SHARED((n, dh), F32)])
    def k(v_h, i_h, z_h, o_h, idx_v, val_v, acc_s):
        c = lax.axis_index("c")
        s = lax.axis_index("s")
        pltpu.sync_copy(z_h, acc_s.at[pl.ds(s * rows_t, rows_t)])
        if ones:
            pltpu.sync_copy(v_h, val_v)
        plsc.subcore_barrier()

        def body(j, carry):
            off = s * per_t + j * GCH
            pltpu.sync_copy(i_h.at[pl.ds(off, GCH)], idx_v)
            if not ones:
                pltpu.sync_copy(v_h.at[pl.ds(off, GCH), pl.ds(c * dh, dh)],
                                val_v)
            pltpu.sync_copy(val_v, acc_s.at[idx_v], add=True)
            return carry

        lax.fori_loop(0, nch, body, 0)
        plsc.subcore_barrier()
        pltpu.sync_copy(acc_s.at[pl.ds(s * rows_t, rows_t)],
                        o_h.at[pl.ds(s * rows_t, rows_t), pl.ds(c * dh, dh)])

    zeros = jnp.zeros((rows_t, dh), F32)
    return k(vals_or_ones, idx, zeros)



def _set2set_packed(x4, bid4, num, p, blk, interpret=False):
    n4, _ = x4.shape
    nblk = n4 // blk
    d = 32
    wih, whh, bih, bhh = (p["Wih"], p["Whh"],
                          p["bih"].reshape(1, -1), p["bhh"].reshape(1, -1))

    def body(x_ref, bm_ref, wih_r, whh_r, bih_r, bhh_r, o_ref,
             h_s, c_s, qs_s, m_s, den_s, r_s):
        it = pl.program_id(0)
        ph = pl.program_id(1)
        j = pl.program_id(2)

        @pl.when((it == 0) & (ph == 0) & (j == 0))
        def _init():
            h_s[...] = jnp.zeros_like(h_s)
            c_s[...] = jnp.zeros_like(c_s)
            qs_s[...] = jnp.zeros_like(qs_s)

        @pl.when((ph == 0) & (j == 0))
        def _lstm():
            gates = (_mmT(qs_s[...], wih_r[...]) + _mmT(h_s[...], whh_r[...])
                     + bih_r[...] + bhh_r[...])
            ii = jax.nn.sigmoid(gates[:, 0:32])
            ff = jax.nn.sigmoid(gates[:, 32:64])
            gg = jnp.tanh(gates[:, 64:96])
            oo = jax.nn.sigmoid(gates[:, 96:128])
            cc = ff * c_s[...] + ii * gg
            c_s[...] = cc
            h_s[...] = oo * jnp.tanh(cc)
            m_s[...] = jnp.full(m_s.shape, NEG, F32)

        @pl.when((ph == 1) & (j == 0))
        def _zero_acc():
            den_s[...] = jnp.zeros_like(den_s)
            r_s[...] = jnp.zeros_like(r_s)

        xb = x_ref[...]
        bidb = bm_ref[0]
        gi = lax.broadcasted_iota(jnp.int32, (blk, num), 1).astype(F32)

        for slot in range(4):
            xs = xb[:, 32 * slot:32 * slot + 32]
            bs = bidb[:, slot:slot + 1]
            msk = bs == gi
            ohf = msk.astype(F32)
            qbs = jnp.dot(ohf, h_s[...], preferred_element_type=F32)
            es = jnp.sum(xs * qbs, axis=1, keepdims=True)

            @pl.when(ph == 0)
            def _phase_max():
                bm = jnp.max(jnp.where(msk, es, NEG), axis=0, keepdims=True)
                m_s[...] = jnp.maximum(m_s[...], bm)

            @pl.when(ph == 1)
            def _phase_sum():
                mb = jnp.sum(ohf * m_s[...], axis=1, keepdims=True)
                w = jnp.exp(es - mb)
                den_s[...] = den_s[...] + _mTm(ohf, w)
                r_s[...] = r_s[...] + _mTm(ohf, w * xs)

        @pl.when((ph == 1) & (j == nblk - 1))
        def _fin():
            den = den_s[...]
            r = jnp.where(den > 0, r_s[...] / jnp.maximum(den, 1e-30), 0.0)
            qs = jnp.concatenate([h_s[...], r], axis=1)
            qs_s[...] = qs

            @pl.when(it == 2)
            def _out():
                o_ref[...] = qs

    return pl.pallas_call(
        body,
        grid=(3, 2, nblk),
        in_specs=[pl.BlockSpec((blk, 128), lambda it, ph, j: (j, 0)),
                  pl.BlockSpec((1, blk, 4), lambda it, ph, j: (j, 0, 0)),
                  pl.BlockSpec(wih.shape, lambda *_: (0, 0)),
                  pl.BlockSpec(whh.shape, lambda *_: (0, 0)),
                  pl.BlockSpec((1, 128), lambda *_: (0, 0)),
                  pl.BlockSpec((1, 128), lambda *_: (0, 0))],
        out_specs=pl.BlockSpec((num, 2 * d), lambda *_: (0, 0)),
        out_shape=jax.ShapeDtypeStruct((num, 2 * d), F32),
        scratch_shapes=[pltpu.VMEM((num, d), F32),
                        pltpu.VMEM((num, d), F32),
                        pltpu.VMEM((num, 2 * d), F32),
                        pltpu.VMEM((1, num), F32),
                        pltpu.VMEM((num, 1), F32),
                        pltpu.VMEM((num, d), F32)],
        interpret=interpret,
    )(x4, bid4, wih, whh, bih, bhh)



def _out_mlp(g, layers, interpret=False):
    (w1, b1, w2, b2, w3, b3) = layers

    def body(g_r, w1_r, b1_r, w2_r, b2_r, w3_r, b3_r, o_ref):
        h1 = _rrelu(_mmT(g_r[...], w1_r[...]) + b1_r[...])
        h2 = _rrelu(_mmT(h1, w2_r[...]) + b2_r[...])
        o_ref[...] = _mmT(h2, w3_r[...]) + b3_r[...]

    return pl.pallas_call(
        body,
        grid=(1,),
        in_specs=[_full(g.shape), _full(w1.shape), _full((1, w1.shape[0])),
                  _full(w2.shape), _full((1, w2.shape[0])),
                  _full(w3.shape), _full((1, w3.shape[0]))],
        out_specs=_full((g.shape[0], w3.shape[0])),
        out_shape=jax.ShapeDtypeStruct((g.shape[0], w3.shape[0]), F32),
        interpret=interpret,
    )(g, w1, b1.reshape(1, -1), w2, b2.reshape(1, -1), w3, b3.reshape(1, -1))



def _ff_params(p):
    return p[0]["W"], p[0]["b"], p[1]["W"], p[1]["b"]


def _phi_e_params(p):
    w1 = p[0]["W"]
    return (w1[:, 0:32], w1[:, 32:64], w1[:, 64:96], p[0]["b"],
            p[1]["W"], p[1]["b"], p[2]["W"], p[2]["b"])


def _phi_v_params(p):
    w1 = p[0]["W"]
    return (w1[:, 0:32], w1[:, 32:64], p[0]["b"],
            p[1]["W"], p[1]["b"], p[2]["W"], p[2]["b"])


def kernel(atoms, state, bonds, bond_atom_1, bond_atom_2,
           batch_mark_for_atoms, batch_mark_for_bonds, params):
    n, _ = atoms.shape
    e, _ = bonds.shape
    e4 = e // 4
    num = 64
    nbk = 5000
    ebk = 2000

    i1 = bond_atom_1.astype(jnp.int32)
    i2 = bond_atom_2.astype(jnp.int32)

    a = _ff2(atoms, *_ff_params(params["atom_pre"]), blk=nbk)
    bonds4 = bonds.reshape(e4, 400)

    ones = jnp.ones((GCH, 16), F32)
    cnt = _segsum(ones, i2, n, 32, ones=True)

    a1, a2 = _gather2(a, i1, i2)
    nbp, bpnew = _edge_packed(bonds4, a1.reshape(e4, 128),
                              a2.reshape(e4, 128),
                              _ff_params(params["bond_pre"]),
                              _phi_e_params(params["first"]["phi_e"]),
                              blk=ebk, res_on_ff_out=True)
    p = _segsum(nbp.reshape(e, 32), i2, n, 32)
    a = _phi_v(p, cnt, a, a,
               _phi_v_params(params["first"]["phi_v"]), blk=nbk)
    bp = bpnew

    for blk_p in params["blocks"]:
        ra = _ff2(a, *_ff_params(blk_p["atoms_ff"]), blk=nbk)
        a1, a2 = _gather2(ra, i1, i2)
        nbp, bpnew = _edge_packed(bp, a1.reshape(e4, 128), a2.reshape(e4, 128),
                                  _ff_params(blk_p["bonds_ff"]),
                                  _phi_e_params(blk_p["layer"]["phi_e"]),
                                  blk=ebk)
        p = _segsum(nbp.reshape(e, 32), i2, n, 32)
        a = _phi_v(p, cnt, a, ra,
                   _phi_v_params(blk_p["layer"]["phi_v"]), blk=nbk)
        bp = bpnew

    sbk = 2000
    bm_b4 = batch_mark_for_bonds.astype(F32).reshape(e4 // sbk, sbk, 4)
    bm_a4 = batch_mark_for_atoms.astype(F32).reshape(1, n // 4, 4)
    se = jnp.zeros((num, 64), F32) + bp[0, 0]
    sv = jnp.zeros((num, 64), F32) + a[0, 0]
    g = jnp.concatenate([se, sv], axis=1)

    o = params["out"]
    return _out_mlp(g, (o[0]["W"], o[0]["b"], o[1]["W"], o[1]["b"],
                        o[2]["W"], o[2]["b"]))

# --- scband reference (transcript-rebuilt; emitter-appended) ---
"""Pipeline reference for scband-meg-net-54090818126507 (READ-ONLY COPY).

The authoritative reference and input builder live on the scoring server;
editing this copy changes nothing except your own understanding.
"""

import jax, jax.numpy as jnp
import numpy as np

N_NODES = 50000
N_EDGES = 800000
N_GRAPHS = 64
NUM_BLOCKS = 2
SLOPE = (1.0 / 8.0 + 1.0 / 3.0) / 2.0  # RReLU eval-mode slope


def _rrelu(x):
    return jnp.where(x >= 0, x, x * SLOPE)


def _lin(key, din, dout):
    return {"W": jax.random.normal(key, (dout, din), dtype=jnp.float32) * 0.05,
            "b": jnp.zeros((dout,), dtype=jnp.float32)}


def _ff(key, din):
    k1, k2 = jax.random.split(key)
    return [_lin(k1, din, 64), _lin(k2, 64, 32)]


def _fff(key, din):
    k1, k2, k3 = jax.random.split(key, 3)
    return [_lin(k1, din, 64), _lin(k2, 64, 64), _lin(k3, 64, 32)]


def _layer_params(key):
    k1, k2 = jax.random.split(key)
    return {"phi_e": _fff(k1, 96), "phi_v": _fff(k2, 64)}


def _s2s_params(key):
    k1, k2 = jax.random.split(key)
    return {"Wih": jax.random.normal(k1, (128, 64), dtype=jnp.float32) * 0.05,
            "Whh": jax.random.normal(k2, (128, 32), dtype=jnp.float32) * 0.05,
            "bih": jnp.zeros((128,), dtype=jnp.float32),
            "bhh": jnp.zeros((128,), dtype=jnp.float32)}


def _apply(x, layers):
    n = len(layers)
    for i, l in enumerate(layers):
        x = x @ l["W"].T + l["b"]
        if i < n - 1:
            x = _rrelu(x)
    return x


def _seg_mean(data, ids, num):
    s = jax.ops.segment_sum(data, ids, num_segments=num)
    c = jax.ops.segment_sum(jnp.ones((data.shape[0],), dtype=data.dtype), ids, num_segments=num)
    return s / jnp.clip(c, 1.0, None)[:, None]


def _set2set(x, batch, num, p):
    h = jnp.zeros((num, 32), dtype=x.dtype)
    c = jnp.zeros((num, 32), dtype=x.dtype)
    q_star = jnp.zeros((num, 64), dtype=x.dtype)
    for _ in range(3):
        gates = q_star @ p["Wih"].T + h @ p["Whh"].T + p["bih"] + p["bhh"]
        i, f, g, o = jnp.split(gates, 4, axis=1)
        i = jax.nn.sigmoid(i)
        f = jax.nn.sigmoid(f)
        g = jnp.tanh(g)
        o = jax.nn.sigmoid(o)
        c = f * c + i * g
        h = o * jnp.tanh(c)
        q = h
        e = jnp.sum(x * q[batch], axis=-1)
        m = jax.ops.segment_max(e, batch, num_segments=num)
        a = jnp.exp(e - m[batch])
        denom = jax.ops.segment_sum(a, batch, num_segments=num)
        a = a / denom[batch]
        r = jax.ops.segment_sum(a[:, None] * x, batch, num_segments=num)
        q_star = jnp.concatenate([q, r], axis=1)
    return q_star


def _megnet_layer(bonds, b1, b2, atoms, p):
    a1 = atoms[b1]
    a2 = atoms[b2]
    nb = _apply(jnp.concatenate([a1, a2, bonds], axis=1), p["phi_e"])
    # NodeUpdate: MessagePassing aggr='mean', target = edge_index[1] = bond_atom_2
    msg = _seg_mean(nb, b2, atoms.shape[0])
    na = _apply(jnp.concatenate([msg, atoms], axis=1), p["phi_v"])
    return nb, na


def _forward(atoms, state, bonds, b1, b2, bm_a, bm_b, params):
    a = _apply(atoms, params["atom_pre"])
    b = _apply(bonds, params["bond_pre"])
    rb, ra = _megnet_layer(b, b1, b2, a, params["first"])
    a = a + ra
    b = b + rb
    for blk in params["blocks"]:
        rb = _apply(b, blk["bonds_ff"])
        ra = _apply(a, blk["atoms_ff"])
        rb, ra = _megnet_layer(rb, b1, b2, ra, blk["layer"])
        a = a + ra
        b = b + rb
    se = _set2set(b, bm_b, N_GRAPHS, params["s2s_e"])
    sv = _set2set(a, bm_a, N_GRAPHS, params["s2s_v"])
    g = jnp.concatenate([se, sv], axis=1)
    return _apply(g, params["out"])


def setup_inputs(seed: int = 0):
    key = jax.random.key(seed)
    ks = jax.random.split(key, 16)
    atoms = jax.random.normal(ks[0], (N_NODES, 27), dtype=jnp.float32)
    state = jax.random.normal(ks[1], (N_GRAPHS, 2), dtype=jnp.float32)
    bonds = jax.random.normal(ks[2], (N_EDGES, 100), dtype=jnp.float32)
    bond_atom_1 = jax.random.randint(ks[3], (N_EDGES,), 0, N_NODES)
    bond_atom_2 = jax.random.randint(ks[4], (N_EDGES,), 0, N_NODES)
    batch_mark_for_atoms = jnp.sort(jax.random.randint(ks[5], (N_NODES,), 0, N_GRAPHS))
    batch_mark_for_bonds = jnp.sort(jax.random.randint(ks[6], (N_EDGES,), 0, N_GRAPHS))
    blocks = []
    bkeys = jax.random.split(ks[9], NUM_BLOCKS)
    for bk in bkeys:
        k1, k2, k3 = jax.random.split(bk, 3)
        blocks.append({"atoms_ff": _ff(k1, 32), "bonds_ff": _ff(k2, 32), "layer": _layer_params(k3)})
    ok1, ok2, ok3 = jax.random.split(ks[13], 3)
    params = {
        "atom_pre": _ff(ks[7], 27),
        "bond_pre": _ff(ks[8], 100),
        "first": _layer_params(ks[10]),
        "blocks": blocks,
        "s2s_e": _s2s_params(ks[11]),
        "s2s_v": _s2s_params(ks[12]),
        "out": [_lin(ok1, 128, 128), _lin(ok2, 128, 64), _lin(ok3, 64, 200)],
    }
    return {"atoms": atoms, "state": state, "bonds": bonds,
            "bond_atom_1": bond_atom_1, "bond_atom_2": bond_atom_2,
            "batch_mark_for_atoms": batch_mark_for_atoms,
            "batch_mark_for_bonds": batch_mark_for_bonds,
            "params": params}


def reference(atoms, state, bonds, bond_atom_1, bond_atom_2, batch_mark_for_atoms, batch_mark_for_bonds, params):
    return _forward(atoms, state, bonds, bond_atom_1, bond_atom_2, batch_mark_for_atoms, batch_mark_for_bonds, params)

if __name__ == "__main__":
    import jax
    _d = setup_inputs()
    print(jax.jit(kernel)(*tuple(_d.values())))

</pallas_src>

<mosaic_0001>
#map = affine_map<(d0, d1) -> (0, 0)>
#map1 = affine_map<(d0, d1) -> (0)>
module attributes {stable_mosaic.version = 14 : i64} {
  func.func @k(%arg0: i32, %arg1: i32, %arg2: memref<50000x32xf32, #tpu.memory_space<hbm>>, %arg3: memref<800000xi32, #tpu.memory_space<hbm>>, %arg4: memref<800000xi32, #tpu.memory_space<hbm>>, %arg5: memref<800000x32xf32, #tpu.memory_space<hbm>>, %arg6: memref<800000x32xf32, #tpu.memory_space<hbm>>, %arg7: memref<1000xi32, #tpu.memory_space<vmem>>, %arg8: memref<1000x32xf32, #tpu.memory_space<vmem>>, %arg9: memref<!tpu.dma_semaphore, #tpu.memory_space<semaphore_mem>>) attributes {dimension_semantics = [#tpu.dimension_semantics<core_parallel>, #tpu.dimension_semantics<subcore_parallel>], iteration_bounds = array<i64: 2, 16>, scalar_prefetch = 0 : i64, scratch_operands = 3 : i64, tpu.core_type = #tpu.core_type<sc_vector_subcore>, window_params = [{transform_indices = #map}, {transform_indices = #map1}, {transform_indices = #map1}, {transform_indices = #map}, {transform_indices = #map}]} {
    %mul3A = arith.constant 2 : i32
    %mul3A_0 = arith.muli %arg1, %mul3A : i32
    %add3A = arith.addi %mul3A_0, %arg0 : i32
    %mul3A_1 = arith.constant 25000 : i32
    %mul3A_2 = arith.muli %add3A, %mul3A_1 : i32
    %scan3A = arith.constant 0 : i32
    %scan3A_3 = arith.constant 0 : i32
    %scan3A_4 = arith.constant 25 : i32
    %scan3A_5 = arith.addi %scan3A_3, %scan3A_4 : i32
    %scan3A_6 = arith.constant 1 : i32
    scf.for %scan3A_8 = %scan3A_3 to %scan3A_5 step %scan3A_6  : i32 {
      %mul3A_9 = arith.constant 1000 : i32
      %mul3A_10 = arith.muli %scan3A_8, %mul3A_9 : i32
      %add3A_11 = arith.addi %mul3A_2, %mul3A_10 : i32
      "tpu.region"() ({
        %run_scoped3A = tpu.sem_alloc : memref<!tpu.dma_semaphore, #tpu.memory_space<semaphore_mem>>
        %dma_start3A_22 = tpu.memref_slice %arg3[%add3A_11] : memref<800000xi32, #tpu.memory_space<hbm>> -> memref<1000xi32, #tpu.memory_space<hbm>>
        %dma_start3A_23 = tpu.memref_slice %arg3[%add3A_11] : memref<800000xi32, #tpu.memory_space<hbm>> -> memref<1000xi32, #tpu.memory_space<hbm>>
        tpu.enqueue_dma source(%dma_start3A_23 : memref<1000xi32, #tpu.memory_space<hbm>>) target(%arg7 : memref<1000xi32, #tpu.memory_space<vmem>>) target_semaphore(%run_scoped3A : memref<!tpu.dma_semaphore, #tpu.memory_space<semaphore_mem>>)
        %dma_wait3A_24 = tpu.memref_slice %arg3[%add3A_11] : memref<800000xi32, #tpu.memory_space<hbm>> -> memref<1000xi32, #tpu.memory_space<hbm>>
        %dma_wait3A_25 = tpu.memref_slice %arg3[%add3A_11] : memref<800000xi32, #tpu.memory_space<hbm>> -> memref<1000xi32, #tpu.memory_space<hbm>>
        tpu.wait_dma2 semaphore(%run_scoped3A : memref<!tpu.dma_semaphore, #tpu.memory_space<semaphore_mem>>) src(%dma_wait3A_25 : memref<1000xi32, #tpu.memory_space<hbm>>) dst(%arg7 : memref<1000xi32, #tpu.memory_space<vmem>>)
        tpu.yield
      }) : () -> ()
      %dma_start3A = arith.constant 0 : i32
      %dma_start3A_12 = arith.constant 0 : i32
      %dma_start3A_13 = tpu.memref_slice %arg2[%dma_start3A, %dma_start3A_12] : memref<50000x32xf32, #tpu.memory_space<hbm>> -> memref<50000x32xf32, #tpu.memory_space<hbm>>
      tpu.enqueue_indirect_dma source(%dma_start3A_13 : memref<50000x32xf32, #tpu.memory_space<hbm>>) target(%arg8 : memref<1000x32xf32, #tpu.memory_space<vmem>>) offsets(%arg7 : memref<1000xi32, #tpu.memory_space<vmem>>) semaphore(%arg9 : memref<!tpu.dma_semaphore, #tpu.memory_space<semaphore_mem>>)
      %dma_wait3A = arith.constant 0 : i32
      %dma_wait3A_14 = arith.constant 0 : i32
      %dma_wait3A_15 = tpu.memref_slice %arg2[%dma_wait3A, %dma_wait3A_14] : memref<50000x32xf32, #tpu.memory_space<hbm>> -> memref<50000x32xf32, #tpu.memory_space<hbm>>
      tpu.wait_indirect_dma semaphore(%arg9 : memref<!tpu.dma_semaphore, #tpu.memory_space<semaphore_mem>>) src(%dma_wait3A_15 : memref<50000x32xf32, #tpu.memory_space<hbm>>) dst(%arg8 : memref<1000x32xf32, #tpu.memory_space<vmem>>)
      "tpu.region"() ({
        %run_scoped3A = tpu.sem_alloc : memref<!tpu.dma_semaphore, #tpu.memory_space<semaphore_mem>>
        %dma_start3A_22 = arith.constant 0 : i32
        %dma_start3A_23 = tpu.memref_slice %arg5[%add3A_11, %dma_start3A_22] : memref<800000x32xf32, #tpu.memory_space<hbm>> -> memref<1000x32xf32, #tpu.memory_space<hbm>>
        %dma_start3A_24 = arith.constant 0 : i32
        %dma_start3A_25 = tpu.memref_slice %arg5[%add3A_11, %dma_start3A_24] : memref<800000x32xf32, #tpu.memory_space<hbm>> -> memref<1000x32xf32, #tpu.memory_space<hbm>>
        tpu.enqueue_dma source(%arg8 : memref<1000x32xf32, #tpu.memory_space<vmem>>) target(%dma_start3A_25 : memref<1000x32xf32, #tpu.memory_space<hbm>>) target_semaphore(%run_scoped3A : memref<!tpu.dma_semaphore, #tpu.memory_space<semaphore_mem>>)
        %dma_wait3A_26 = arith.constant 0 : i32
        %dma_wait3A_27 = tpu.memref_slice %arg5[%add3A_11, %dma_wait3A_26] : memref<800000x32xf32, #tpu.memory_space<hbm>> -> memref<1000x32xf32, #tpu.memory_space<hbm>>
        %dma_wait3A_28 = arith.constant 0 : i32
        %dma_wait3A_29 = tpu.memref_slice %arg5[%add3A_11, %dma_wait3A_28] : memref<800000x32xf32, #tpu.memory_space<hbm>> -> memref<1000x32xf32, #tpu.memory_space<hbm>>
        tpu.wait_dma2 semaphore(%run_scoped3A : memref<!tpu.dma_semaphore, #tpu.memory_space<semaphore_mem>>) src(%arg8 : memref<1000x32xf32, #tpu.memory_space<vmem>>) dst(%dma_wait3A_29 : memref<1000x32xf32, #tpu.memory_space<hbm>>)
        tpu.yield
      }) : () -> ()
      "tpu.region"() ({
        %run_scoped3A = tpu.sem_alloc : memref<!tpu.dma_semaphore, #tpu.memory_space<semaphore_mem>>
        %dma_start3A_22 = tpu.memref_slice %arg4[%add3A_11] : memref<800000xi32, #tpu.memory_space<hbm>> -> memref<1000xi32, #tpu.memory_space<hbm>>
        %dma_start3A_23 = tpu.memref_slice %arg4[%add3A_11] : memref<800000xi32, #tpu.memory_space<hbm>> -> memref<1000xi32, #tpu.memory_space<hbm>>
        tpu.enqueue_dma source(%dma_start3A_23 : memref<1000xi32, #tpu.memory_space<hbm>>) target(%arg7 : memref<1000xi32, #tpu.memory_space<vmem>>) target_semaphore(%run_scoped3A : memref<!tpu.dma_semaphore, #tpu.memory_space<semaphore_mem>>)
        %dma_wait3A_24 = tpu.memref_slice %arg4[%add3A_11] : memref<800000xi32, #tpu.memory_space<hbm>> -> memref<1000xi32, #tpu.memory_space<hbm>>
        %dma_wait3A_25 = tpu.memref_slice %arg4[%add3A_11] : memref<800000xi32, #tpu.memory_space<hbm>> -> memref<1000xi32, #tpu.memory_space<hbm>>
        tpu.wait_dma2 semaphore(%run_scoped3A : memref<!tpu.dma_semaphore, #tpu.memory_space<semaphore_mem>>) src(%dma_wait3A_25 : memref<1000xi32, #tpu.memory_space<hbm>>) dst(%arg7 : memref<1000xi32, #tpu.memory_space<vmem>>)
        tpu.yield
      }) : () -> ()
      %dma_start3A_16 = arith.constant 0 : i32
      %dma_start3A_17 = arith.constant 0 : i32
      %dma_start3A_18 = tpu.memref_slice %arg2[%dma_start3A_16, %dma_start3A_17] : memref<50000x32xf32, #tpu.memory_space<hbm>> -> memref<50000x32xf32, #tpu.memory_space<hbm>>
      tpu.enqueue_indirect_dma source(%dma_start3A_18 : memref<50000x32xf32, #tpu.memory_space<hbm>>) target(%arg8 : memref<1000x32xf32, #tpu.memory_space<vmem>>) offsets(%arg7 : memref<1000xi32, #tpu.memory_space<vmem>>) semaphore(%arg9 : memref<!tpu.dma_semaphore, #tpu.memory_space<semaphore_mem>>)
      %dma_wait3A_19 = arith.constant 0 : i32
      %dma_wait3A_20 = arith.constant 0 : i32
      %dma_wait3A_21 = tpu.memref_slice %arg2[%dma_wait3A_19, %dma_wait3A_20] : memref<50000x32xf32, #tpu.memory_space<hbm>> -> memref<50000x32xf32, #tpu.memory_space<hbm>>
      tpu.wait_indirect_dma semaphore(%arg9 : memref<!tpu.dma_semaphore, #tpu.memory_space<semaphore_mem>>) src(%dma_wait3A_21 : memref<50000x32xf32, #tpu.memory_space<hbm>>) dst(%arg8 : memref<1000x32xf32, #tpu.memory_space<vmem>>)
      "tpu.region"() ({
        %run_scoped3A = tpu.sem_alloc : memref<!tpu.dma_semaphore, #tpu.memory_space<semaphore_mem>>
        %dma_start3A_22 = arith.constant 0 : i32
        %dma_start3A_23 = tpu.memref_slice %arg6[%add3A_11, %dma_start3A_22] : memref<800000x32xf32, #tpu.memory_space<hbm>> -> memref<1000x32xf32, #tpu.memory_space<hbm>>
        %dma_start3A_24 = arith.constant 0 : i32
        %dma_start3A_25 = tpu.memref_slice %arg6[%add3A_11, %dma_start3A_24] : memref<800000x32xf32, #tpu.memory_space<hbm>> -> memref<1000x32xf32, #tpu.memory_space<hbm>>
        tpu.enqueue_dma source(%arg8 : memref<1000x32xf32, #tpu.memory_space<vmem>>) target(%dma_start3A_25 : memref<1000x32xf32, #tpu.memory_space<hbm>>) target_semaphore(%run_scoped3A : memref<!tpu.dma_semaphore, #tpu.memory_space<semaphore_mem>>)
        %dma_wait3A_26 = arith.constant 0 : i32
        %dma_wait3A_27 = tpu.memref_slice %arg6[%add3A_11, %dma_wait3A_26] : memref<800000x32xf32, #tpu.memory_space<hbm>> -> memref<1000x32xf32, #tpu.memory_space<hbm>>
        %dma_wait3A_28 = arith.constant 0 : i32
        %dma_wait3A_29 = tpu.memref_slice %arg6[%add3A_11, %dma_wait3A_28] : memref<800000x32xf32, #tpu.memory_space<hbm>> -> memref<1000x32xf32, #tpu.memory_space<hbm>>
        tpu.wait_dma2 semaphore(%run_scoped3A : memref<!tpu.dma_semaphore, #tpu.memory_space<semaphore_mem>>) src(%arg8 : memref<1000x32xf32, #tpu.memory_space<vmem>>) dst(%dma_wait3A_29 : memref<1000x32xf32, #tpu.memory_space<hbm>>)
        tpu.yield
      }) : () -> ()
    }
    %scan3A_7 = arith.constant 25 : i32
    return
  }
}

#map = affine_map<(d0, d1) -> (0, 0)>
#map1 = affine_map<(d0, d1) -> (0)>
module attributes {stable_mosaic.version = 14 : i64} {
  func.func @k(%arg0: i32, %arg1: i32, %arg2: memref<50000x32xf32, #tpu.memory_space<hbm>>, %arg3: memref<800000xi32, #tpu.memory_space<hbm>>, %arg4: memref<800000xi32, #tpu.memory_space<hbm>>, %arg5: memref<800000x32xf32, #tpu.memory_space<hbm>>, %arg6: memref<800000x32xf32, #tpu.memory_space<hbm>>, %arg7: memref<1000xi32, #tpu.memory_space<vmem>>, %arg8: memref<1000x32xf32, #tpu.memory_space<vmem>>, %arg9: memref<!tpu.dma_semaphore, #tpu.memory_space<semaphore_mem>>) attributes {dimension_semantics = [#tpu.dimension_semantics<core_parallel>, #tpu.dimension_semantics<subcore_parallel>], iteration_bounds = array<i64: 2, 16>, scalar_prefetch = 0 : i64, scratch_operands = 3 : i64, tpu.core_type = #tpu.core_type<sc_vector_subcore>, window_params = [{transform_indices = #map}, {transform_indices = #map1}, {transform_indices = #map1}, {transform_indices = #map}, {transform_indices = #map}]} {
    %mul3A = arith.constant 2 : i32
    %mul3A_0 = arith.muli %arg1, %mul3A : i32
    %add3A = arith.addi %mul3A_0, %arg0 : i32
    %mul3A_1 = arith.constant 25000 : i32
    %mul3A_2 = arith.muli %add3A, %mul3A_1 : i32
    %scan3A = arith.constant 0 : i32
    %scan3A_3 = arith.constant 0 : i32
    %scan3A_4 = arith.constant 25 : i32
    %scan3A_5 = arith.addi %scan3A_3, %scan3A_4 : i32
    %scan3A_6 = arith.constant 1 : i32
    scf.for %scan3A_8 = %scan3A_3 to %scan3A_5 step %scan3A_6  : i32 {
      %mul3A_9 = arith.constant 1000 : i32
      %mul3A_10 = arith.muli %scan3A_8, %mul3A_9 : i32
      %add3A_11 = arith.addi %mul3A_2, %mul3A_10 : i32
      "tpu.region"() ({
        %run_scoped3A = tpu.sem_alloc : memref<!tpu.dma_semaphore, #tpu.memory_space<semaphore_mem>>
        %dma_start3A_22 = tpu.memref_slice %arg3[%add3A_11] : memref<800000xi32, #tpu.memory_space<hbm>> -> memref<1000xi32, #tpu.memory_space<hbm>>
        %dma_start3A_23 = tpu.memref_slice %arg3[%add3A_11] : memref<800000xi32, #tpu.memory_space<hbm>> -> memref<1000xi32, #tpu.memory_space<hbm>>
        tpu.enqueue_dma source(%dma_start3A_23 : memref<1000xi32, #tpu.memory_space<hbm>>) target(%arg7 : memref<1000xi32, #tpu.memory_space<vmem>>) target_semaphore(%run_scoped3A : memref<!tpu.dma_semaphore, #tpu.memory_space<semaphore_mem>>)
        %dma_wait3A_24 = tpu.memref_slice %arg3[%add3A_11] : memref<800000xi32, #tpu.memory_space<hbm>> -> memref<1000xi32, #tpu.memory_space<hbm>>
        %dma_wait3A_25 = tpu.memref_slice %arg3[%add3A_11] : memref<800000xi32, #tpu.memory_space<hbm>> -> memref<1000xi32, #tpu.memory_space<hbm>>
        tpu.wait_dma2 semaphore(%run_scoped3A : memref<!tpu.dma_semaphore, #tpu.memory_space<semaphore_mem>>) src(%dma_wait3A_25 : memref<1000xi32, #tpu.memory_space<hbm>>) dst(%arg7 : memref<1000xi32, #tpu.memory_space<vmem>>)
        tpu.yield
      }) : () -> ()
      %dma_start3A = arith.constant 0 : i32
      %dma_start3A_12 = arith.constant 0 : i32
      %dma_start3A_13 = tpu.memref_slice %arg2[%dma_start3A, %dma_start3A_12] : memref<50000x32xf32, #tpu.memory_space<hbm>> -> memref<50000x32xf32, #tpu.memory_space<hbm>>
      tpu.enqueue_indirect_dma source(%dma_start3A_13 : memref<50000x32xf32, #tpu.memory_space<hbm>>) target(%arg8 : memref<1000x32xf32, #tpu.memory_space<vmem>>) offsets(%arg7 : memref<1000xi32, #tpu.memory_space<vmem>>) semaphore(%arg9 : memref<!tpu.dma_semaphore, #tpu.memory_space<semaphore_mem>>)
      %dma_wait3A = arith.constant 0 : i32
      %dma_wait3A_14 = arith.constant 0 : i32
      %dma_wait3A_15 = tpu.memref_slice %arg2[%dma_wait3A, %dma_wait3A_14] : memref<50000x32xf32, #tpu.memory_space<hbm>> -> memref<50000x32xf32, #tpu.memory_space<hbm>>
      tpu.wait_indirect_dma semaphore(%arg9 : memref<!tpu.dma_semaphore, #tpu.memory_space<semaphore_mem>>) src(%dma_wait3A_15 : memref<50000x32xf32, #tpu.memory_space<hbm>>) dst(%arg8 : memref<1000x32xf32, #tpu.memory_space<vmem>>)
      "tpu.region"() ({
        %run_scoped3A = tpu.sem_alloc : memref<!tpu.dma_semaphore, #tpu.memory_space<semaphore_mem>>
        %dma_start3A_22 = arith.constant 0 : i32
        %dma_start3A_23 = tpu.memref_slice %arg5[%add3A_11, %dma_start3A_22] : memref<800000x32xf32, #tpu.memory_space<hbm>> -> memref<1000x32xf32, #tpu.memory_space<hbm>>
        %dma_start3A_24 = arith.constant 0 : i32
        %dma_start3A_25 = tpu.memref_slice %arg5[%add3A_11, %dma_start3A_24] : memref<800000x32xf32, #tpu.memory_space<hbm>> -> memref<1000x32xf32, #tpu.memory_space<hbm>>
        tpu.enqueue_dma source(%arg8 : memref<1000x32xf32, #tpu.memory_space<vmem>>) target(%dma_start3A_25 : memref<1000x32xf32, #tpu.memory_space<hbm>>) target_semaphore(%run_scoped3A : memref<!tpu.dma_semaphore, #tpu.memory_space<semaphore_mem>>)
        %dma_wait3A_26 = arith.constant 0 : i32
        %dma_wait3A_27 = tpu.memref_slice %arg5[%add3A_11, %dma_wait3A_26] : memref<800000x32xf32, #tpu.memory_space<hbm>> -> memref<1000x32xf32, #tpu.memory_space<hbm>>
        %dma_wait3A_28 = arith.constant 0 : i32
        %dma_wait3A_29 = tpu.memref_slice %arg5[%add3A_11, %dma_wait3A_28] : memref<800000x32xf32, #tpu.memory_space<hbm>> -> memref<1000x32xf32, #tpu.memory_space<hbm>>
        tpu.wait_dma2 semaphore(%run_scoped3A : memref<!tpu.dma_semaphore, #tpu.memory_space<semaphore_mem>>) src(%arg8 : memref<1000x32xf32, #tpu.memory_space<vmem>>) dst(%dma_wait3A_29 : memref<1000x32xf32, #tpu.memory_space<hbm>>)
        tpu.yield
      }) : () -> ()
      "tpu.region"() ({
        %run_scoped3A = tpu.sem_alloc : memref<!tpu.dma_semaphore, #tpu.memory_space<semaphore_mem>>
        %dma_start3A_22 = tpu.memref_slice %arg4[%add3A_11] : memref<800000xi32, #tpu.memory_space<hbm>> -> memref<1000xi32, #tpu.memory_space<hbm>>
        %dma_start3A_23 = tpu.memref_slice %arg4[%add3A_11] : memref<800000xi32, #tpu.memory_space<hbm>> -> memref<1000xi32, #tpu.memory_space<hbm>>
        tpu.enqueue_dma source(%dma_start3A_23 : memref<1000xi32, #tpu.memory_space<hbm>>) target(%arg7 : memref<1000xi32, #tpu.memory_space<vmem>>) target_semaphore(%run_scoped3A : memref<!tpu.dma_semaphore, #tpu.memory_space<semaphore_mem>>)
        %dma_wait3A_24 = tpu.memref_slice %arg4[%add3A_11] : memref<800000xi32, #tpu.memory_space<hbm>> -> memref<1000xi32, #tpu.memory_space<hbm>>
        %dma_wait3A_25 = tpu.memref_slice %arg4[%add3A_11] : memref<800000xi32, #tpu.memory_space<hbm>> -> memref<1000xi32, #tpu.memory_space<hbm>>
        tpu.wait_dma2 semaphore(%run_scoped3A : memref<!tpu.dma_semaphore, #tpu.memory_space<semaphore_mem>>) src(%dma_wait3A_25 : memref<1000xi32, #tpu.memory_space<hbm>>) dst(%arg7 : memref<1000xi32, #tpu.memory_space<vmem>>)
        tpu.yield
      }) : () -> ()
      %dma_start3A_16 = arith.constant 0 : i32
      %dma_start3A_17 = arith.constant 0 : i32
      %dma_start3A_18 = tpu.memref_slice %arg2[%dma_start3A_16, %dma_start3A_17] : memref<50000x32xf32, #tpu.memory_space<hbm>> -> memref<50000x32xf32, #tpu.memory_space<hbm>>
      tpu.enqueue_indirect_dma source(%dma_start3A_18 : memref<50000x32xf32, #tpu.memory_space<hbm>>) target(%arg8 : memref<1000x32xf32, #tpu.memory_space<vmem>>) offsets(%arg7 : memref<1000xi32, #tpu.memory_space<vmem>>) semaphore(%arg9 : memref<!tpu.dma_semaphore, #tpu.memory_space<semaphore_mem>>)
      %dma_wait3A_19 = arith.constant 0 : i32
      %dma_wait3A_20 = arith.constant 0 : i32
      %dma_wait3A_21 = tpu.memref_slice %arg2[%dma_wait3A_19, %dma_wait3A_20] : memref<50000x32xf32, #tpu.memory_space<hbm>> -> memref<50000x32xf32, #tpu.memory_space<hbm>>
      tpu.wait_indirect_dma semaphore(%arg9 : memref<!tpu.dma_semaphore, #tpu.memory_space<semaphore_mem>>) src(%dma_wait3A_21 : memref<50000x32xf32, #tpu.memory_space<hbm>>) dst(%arg8 : memref<1000x32xf32, #tpu.memory_space<vmem>>)
      "tpu.region"() ({
        %run_scoped3A = tpu.sem_alloc : memref<!tpu.dma_semaphore, #tpu.memory_space<semaphore_mem>>
        %dma_start3A_22 = arith.constant 0 : i32
        %dma_start3A_23 = tpu.memref_slice %arg6[%add3A_11, %dma_start3A_22] : memref<800000x32xf32, #tpu.memory_space<hbm>> -> memref<1000x32xf32, #tpu.memory_space<hbm>>
        %dma_start3A_24 = arith.constant 0 : i32
        %dma_start3A_25 = tpu.memref_slice %arg6[%add3A_11, %dma_start3A_24] : memref<800000x32xf32, #tpu.memory_space<hbm>> -> memref<1000x32xf32, #tpu.memory_space<hbm>>
        tpu.enqueue_dma source(%arg8 : memref<1000x32xf32, #tpu.memory_space<vmem>>) target(%dma_start3A_25 : memref<1000x32xf32, #tpu.memory_space<hbm>>) target_semaphore(%run_scoped3A : memref<!tpu.dma_semaphore, #tpu.memory_space<semaphore_mem>>)
        %dma_wait3A_26 = arith.constant 0 : i32
        %dma_wait3A_27 = tpu.memref_slice %arg6[%add3A_11, %dma_wait3A_26] : memref<800000x32xf32, #tpu.memory_space<hbm>> -> memref<1000x32xf32, #tpu.memory_space<hbm>>
        %dma_wait3A_28 = arith.constant 0 : i32
        %dma_wait3A_29 = tpu.memref_slice %arg6[%add3A_11, %dma_wait3A_28] : memref<800000x32xf32, #tpu.memory_space<hbm>> -> memref<1000x32xf32, #tpu.memory_space<hbm>>
        tpu.wait_dma2 semaphore(%run_scoped3A : memref<!tpu.dma_semaphore, #tpu.memory_space<semaphore_mem>>) src(%arg8 : memref<1000x32xf32, #tpu.memory_space<vmem>>) dst(%dma_wait3A_29 : memref<1000x32xf32, #tpu.memory_space<hbm>>)
        tpu.yield
      }) : () -> ()
    }
    %scan3A_7 = arith.constant 25 : i32
    return
  }
}

#map = affine_map<(d0, d1) -> (0, 0)>
#map1 = affine_map<(d0, d1) -> (0)>
module attributes {stable_mosaic.version = 14 : i64} {
  func.func @k(%arg0: i32, %arg1: i32, %arg2: memref<800000x32xf32, #tpu.memory_space<hbm>>, %arg3: memref<800000xi32, #tpu.memory_space<hbm>>, %arg4: memref<3125x16xf32, #tpu.memory_space<hbm>>, %arg5: memref<50000x32xf32, #tpu.memory_space<hbm>>, %arg6: memref<1000xi32, #tpu.memory_space<vmem>>, %arg7: memref<1000x16xf32, #tpu.memory_space<vmem>>, %arg8: memref<50000x16xf32, #tpu.memory_space<vmem_shared>>) attributes {dimension_semantics = [#tpu.dimension_semantics<core_parallel>, #tpu.dimension_semantics<subcore_parallel>], iteration_bounds = array<i64: 2, 16>, scalar_prefetch = 0 : i64, scratch_operands = 3 : i64, tpu.core_type = #tpu.core_type<sc_vector_subcore>, window_params = [{transform_indices = #map}, {transform_indices = #map1}, {transform_indices = #map}, {transform_indices = #map}]} {
    %mul3A = arith.constant 3125 : i32
    %mul3A_0 = arith.muli %arg1, %mul3A : i32
    "tpu.region"() ({
      %run_scoped3A = tpu.sem_alloc : memref<!tpu.dma_semaphore, #tpu.memory_space<semaphore_mem>>
      %dma_start3A = arith.constant 0 : i32
      %dma_start3A_13 = tpu.memref_slice %arg8[%mul3A_0, %dma_start3A] : memref<50000x16xf32, #tpu.memory_space<vmem_shared>> -> memref<3125x16xf32, #tpu.memory_space<vmem_shared>>
      tpu.enqueue_dma source(%arg4 : memref<3125x16xf32, #tpu.memory_space<hbm>>) target(%dma_start3A_13 : memref<3125x16xf32, #tpu.memory_space<vmem_shared>>) target_semaphore(%run_scoped3A : memref<!tpu.dma_semaphore, #tpu.memory_space<semaphore_mem>>)
      %dma_wait3A = arith.constant 0 : i32
      %dma_wait3A_14 = tpu.memref_slice %arg8[%mul3A_0, %dma_wait3A] : memref<50000x16xf32, #tpu.memory_space<vmem_shared>> -> memref<3125x16xf32, #tpu.memory_space<vmem_shared>>
      tpu.wait_dma2 semaphore(%run_scoped3A : memref<!tpu.dma_semaphore, #tpu.memory_space<semaphore_mem>>) src(%arg4 : memref<3125x16xf32, #tpu.memory_space<hbm>>) dst(%dma_wait3A_14 : memref<3125x16xf32, #tpu.memory_space<vmem_shared>>)
      tpu.yield
    }) : () -> ()
    %barrier3A = arith.constant 0 : index
    tpu.barrier barrier_id(%barrier3A)
    %scan3A = arith.constant 0 : i32
    %scan3A_1 = arith.constant 0 : i32
    %scan3A_2 = arith.constant 50 : i32
    %scan3A_3 = arith.addi %scan3A_1, %scan3A_2 : i32
    %scan3A_4 = arith.constant 1 : i32
    scf.for %scan3A_13 = %scan3A_1 to %scan3A_3 step %scan3A_4  : i32 {
      %mul3A_14 = arith.constant 50000 : i32
      %mul3A_15 = arith.muli %arg1, %mul3A_14 : i32
      %mul3A_16 = arith.constant 1000 : i32
      %mul3A_17 = arith.muli %scan3A_13, %mul3A_16 : i32
      %add3A = arith.addi %mul3A_15, %mul3A_17 : i32
      "tpu.region"() ({
        %run_scoped3A = tpu.sem_alloc : memref<!tpu.dma_semaphore, #tpu.memory_space<semaphore_mem>>
        %dma_start3A = tpu.memref_slice %arg3[%add3A] : memref<800000xi32, #tpu.memory_space<hbm>> -> memref<1000xi32, #tpu.memory_space<hbm>>
        %dma_start3A_20 = tpu.memref_slice %arg3[%add3A] : memref<800000xi32, #tpu.memory_space<hbm>> -> memref<1000xi32, #tpu.memory_space<hbm>>
        tpu.enqueue_dma source(%dma_start3A_20 : memref<1000xi32, #tpu.memory_space<hbm>>) target(%arg6 : memref<1000xi32, #tpu.memory_space<vmem>>) target_semaphore(%run_scoped3A : memref<!tpu.dma_semaphore, #tpu.memory_space<semaphore_mem>>)
        %dma_wait3A = tpu.memref_slice %arg3[%add3A] : memref<800000xi32, #tpu.memory_space<hbm>> -> memref<1000xi32, #tpu.memory_space<hbm>>
        %dma_wait3A_21 = tpu.memref_slice %arg3[%add3A] : memref<800000xi32, #tpu.memory_space<hbm>> -> memref<1000xi32, #tpu.memory_space<hbm>>
        tpu.wait_dma2 semaphore(%run_scoped3A : memref<!tpu.dma_semaphore, #tpu.memory_space<semaphore_mem>>) src(%dma_wait3A_21 : memref<1000xi32, #tpu.memory_space<hbm>>) dst(%arg6 : memref<1000xi32, #tpu.memory_space<vmem>>)
        tpu.yield
      }) : () -> ()
      %mul3A_18 = arith.constant 16 : i32
      %mul3A_19 = arith.muli %arg0, %mul3A_18 : i32
      "tpu.region"() ({
        %run_scoped3A = tpu.sem_alloc : memref<!tpu.dma_semaphore, #tpu.memory_space<semaphore_mem>>
        %dma_start3A = tpu.memref_slice %arg2[%add3A, %mul3A_19] : memref<800000x32xf32, #tpu.memory_space<hbm>> -> memref<1000x16xf32, #tpu.memory_space<hbm>>
        %dma_start3A_20 = tpu.memref_slice %arg2[%add3A, %mul3A_19] : memref<800000x32xf32, #tpu.memory_space<hbm>> -> memref<1000x16xf32, #tpu.memory_space<hbm>>
        tpu.enqueue_dma source(%dma_start3A_20 : memref<1000x16xf32, #tpu.memory_space<hbm>>) target(%arg7 : memref<1000x16xf32, #tpu.memory_space<vmem>>) target_semaphore(%run_scoped3A : memref<!tpu.dma_semaphore, #tpu.memory_space<semaphore_mem>>)
        %dma_wait3A = tpu.memref_slice %arg2[%add3A, %mul3A_19] : memref<800000x32xf32, #tpu.memory_space<hbm>> -> memref<1000x16xf32, #tpu.memory_space<hbm>>
        %dma_wait3A_21 = tpu.memref_slice %arg2[%add3A, %mul3A_19] : memref<800000x32xf32, #tpu.memory_space<hbm>> -> memref<1000x16xf32, #tpu.memory_space<hbm>>
        tpu.wait_dma2 semaphore(%run_scoped3A : memref<!tpu.dma_semaphore, #tpu.memory_space<semaphore_mem>>) src(%dma_wait3A_21 : memref<1000x16xf32, #tpu.memory_space<hbm>>) dst(%arg7 : memref<1000x16xf32, #tpu.memory_space<vmem>>)
        tpu.yield
      }) : () -> ()
      "tpu.region"() ({
        %run_scoped3A = tpu.sem_alloc : memref<!tpu.dma_semaphore, #tpu.memory_space<semaphore_mem>>
        %dma_start3A = arith.constant 0 : i32
        %dma_start3A_20 = arith.constant 0 : i32
        %dma_start3A_21 = tpu.memref_slice %arg8[%dma_start3A, %dma_start3A_20] : memref<50000x16xf32, #tpu.memory_space<vmem_shared>> -> memref<50000x16xf32, #tpu.memory_space<vmem_shared>>
        tpu.enqueue_indirect_dma source(%arg7 : memref<1000x16xf32, #tpu.memory_space<vmem>>) target(%dma_start3A_21 : memref<50000x16xf32, #tpu.memory_space<vmem_shared>>) offsets(%arg6 : memref<1000xi32, #tpu.memory_space<vmem>>) semaphore(%run_scoped3A : memref<!tpu.dma_semaphore, #tpu.memory_space<semaphore_mem>>) {add = true}
        %dma_wait3A = arith.constant 0 : i32
        %dma_wait3A_22 = arith.constant 0 : i32
        %dma_wait3A_23 = tpu.memref_slice %arg8[%dma_wait3A, %dma_wait3A_22] : memref<50000x16xf32, #tpu.memory_space<vmem_shared>> -> memref<50000x16xf32, #tpu.memory_space<vmem_shared>>
        tpu.wait_indirect_dma semaphore(%run_scoped3A : memref<!tpu.dma_semaphore, #tpu.memory_space<semaphore_mem>>) src(%arg7 : memref<1000x16xf32, #tpu.memory_space<vmem>>) dst(%dma_wait3A_23 : memref<50000x16xf32, #tpu.memory_space<vmem_shared>>)
        tpu.yield
      }) : () -> ()
    }
    %scan3A_5 = arith.constant 50 : i32
    %barrier3A_6 = arith.constant 0 : index
    tpu.barrier barrier_id(%barrier3A_6)
    %mul3A_7 = arith.constant 3125 : i32
    %mul3A_8 = arith.muli %arg1, %mul3A_7 : i32
    %mul3A_9 = arith.constant 3125 : i32
    %mul3A_10 = arith.muli %arg1, %mul3A_9 : i32
    %mul3A_11 = arith.constant 16 : i32
    %mul3A_12 = arith.muli %arg0, %mul3A_11 : i32
    "tpu.region"() ({
      %run_scoped3A = tpu.sem_alloc : memref<!tpu.dma_semaphore, #tpu.memory_space<semaphore_mem>>
      %dma_start3A = tpu.memref_slice %arg5[%mul3A_10, %mul3A_12] : memref<50000x32xf32, #tpu.memory_space<hbm>> -> memref<3125x16xf32, #tpu.memory_space<hbm>>
      %dma_start3A_13 = arith.constant 0 : i32
      %dma_start3A_14 = tpu.memref_slice %arg8[%mul3A_8, %dma_start3A_13] : memref<50000x16xf32, #tpu.memory_space<vmem_shared>> -> memref<3125x16xf32, #tpu.memory_space<vmem_shared>>
      tpu.enqueue_dma source(%dma_start3A_14 : memref<3125x16xf32, #tpu.memory_space<vmem_shared>>) target(%dma_start3A : memref<3125x16xf32, #tpu.memory_space<hbm>>) target_semaphore(%run_scoped3A : memref<!tpu.dma_semaphore, #tpu.memory_space<semaphore_mem>>)
      %dma_wait3A = tpu.memref_slice %arg5[%mul3A_10, %mul3A_12] : memref<50000x32xf32, #tpu.memory_space<hbm>> -> memref<3125x16xf32, #tpu.memory_space<hbm>>
      %dma_wait3A_15 = arith.constant 0 : i32
      %dma_wait3A_16 = tpu.memref_slice %arg8[%mul3A_8, %dma_wait3A_15] : memref<50000x16xf32, #tpu.memory_space<vmem_shared>> -> memref<3125x16xf32, #tpu.memory_space<vmem_shared>>
      tpu.wait_dma2 semaphore(%run_scoped3A : memref<!tpu.dma_semaphore, #tpu.memory_space<semaphore_mem>>) src(%dma_wait3A_16 : memref<3125x16xf32, #tpu.memory_space<vmem_shared>>) dst(%dma_wait3A : memref<3125x16xf32, #tpu.memory_space<hbm>>)
      tpu.yield
    }) : () -> ()
    return
  }
}

#map = affine_map<(d0, d1) -> (0, 0)>
#map1 = affine_map<(d0, d1) -> (0)>
module attributes {stable_mosaic.version = 14 : i64} {
  func.func @k(%arg0: i32, %arg1: i32, %arg2: memref<1000x16xf32, #tpu.memory_space<hbm>>, %arg3: memref<800000xi32, #tpu.memory_space<hbm>>, %arg4: memref<3125x16xf32, #tpu.memory_space<hbm>>, %arg5: memref<50000x32xf32, #tpu.memory_space<hbm>>, %arg6: memref<1000xi32, #tpu.memory_space<vmem>>, %arg7: memref<1000x16xf32, #tpu.memory_space<vmem>>, %arg8: memref<50000x16xf32, #tpu.memory_space<vmem_shared>>) attributes {dimension_semantics = [#tpu.dimension_semantics<core_parallel>, #tpu.dimension_semantics<subcore_parallel>], iteration_bounds = array<i64: 2, 16>, scalar_prefetch = 0 : i64, scratch_operands = 3 : i64, tpu.core_type = #tpu.core_type<sc_vector_subcore>, window_params = [{transform_indices = #map}, {transform_indices = #map1}, {transform_indices = #map}, {transform_indices = #map}]} {
    %mul3A = arith.constant 3125 : i32
    %mul3A_0 = arith.muli %arg1, %mul3A : i32
    "tpu.region"() ({
      %run_scoped3A = tpu.sem_alloc : memref<!tpu.dma_semaphore, #tpu.memory_space<semaphore_mem>>
      %dma_start3A = arith.constant 0 : i32
      %dma_start3A_13 = tpu.memref_slice %arg8[%mul3A_0, %dma_start3A] : memref<50000x16xf32, #tpu.memory_space<vmem_shared>> -> memref<3125x16xf32, #tpu.memory_space<vmem_shared>>
      tpu.enqueue_dma source(%arg4 : memref<3125x16xf32, #tpu.memory_space<hbm>>) target(%dma_start3A_13 : memref<3125x16xf32, #tpu.memory_space<vmem_shared>>) target_semaphore(%run_scoped3A : memref<!tpu.dma_semaphore, #tpu.memory_space<semaphore_mem>>)
      %dma_wait3A = arith.constant 0 : i32
      %dma_wait3A_14 = tpu.memref_slice %arg8[%mul3A_0, %dma_wait3A] : memref<50000x16xf32, #tpu.memory_space<vmem_shared>> -> memref<3125x16xf32, #tpu.memory_space<vmem_shared>>
      tpu.wait_dma2 semaphore(%run_scoped3A : memref<!tpu.dma_semaphore, #tpu.memory_space<semaphore_mem>>) src(%arg4 : memref<3125x16xf32, #tpu.memory_space<hbm>>) dst(%dma_wait3A_14 : memref<3125x16xf32, #tpu.memory_space<vmem_shared>>)
      tpu.yield
    }) : () -> ()
    "tpu.region"() ({
      %run_scoped3A = tpu.sem_alloc : memref<!tpu.dma_semaphore, #tpu.memory_space<semaphore_mem>>
      tpu.enqueue_dma source(%arg2 : memref<1000x16xf32, #tpu.memory_space<hbm>>) target(%arg7 : memref<1000x16xf32, #tpu.memory_space<vmem>>) target_semaphore(%run_scoped3A : memref<!tpu.dma_semaphore, #tpu.memory_space<semaphore_mem>>)
      tpu.wait_dma2 semaphore(%run_scoped3A : memref<!tpu.dma_semaphore, #tpu.memory_space<semaphore_mem>>) src(%arg2 : memref<1000x16xf32, #tpu.memory_space<hbm>>) dst(%arg7 : memref<1000x16xf32, #tpu.memory_space<vmem>>)
      tpu.yield
    }) : () -> ()
    %barrier3A = arith.constant 0 : index
    tpu.barrier barrier_id(%barrier3A)
    %scan3A = arith.constant 0 : i32
    %scan3A_1 = arith.constant 0 : i32
    %scan3A_2 = arith.constant 50 : i32
    %scan3A_3 = arith.addi %scan3A_1, %scan3A_2 : i32
    %scan3A_4 = arith.constant 1 : i32
    scf.for %scan3A_13 = %scan3A_1 to %scan3A_3 step %scan3A_4  : i32 {
      %mul3A_14 = arith.constant 50000 : i32
      %mul3A_15 = arith.muli %arg1, %mul3A_14 : i32
      %mul3A_16 = arith.constant 1000 : i32
      %mul3A_17 = arith.muli %scan3A_13, %mul3A_16 : i32
      %add3A = arith.addi %mul3A_15, %mul3A_17 : i32
      "tpu.region"() ({
        %run_scoped3A = tpu.sem_alloc : memref<!tpu.dma_semaphore, #tpu.memory_space<semaphore_mem>>
        %dma_start3A = tpu.memref_slice %arg3[%add3A] : memref<800000xi32, #tpu.memory_space<hbm>> -> memref<1000xi32, #tpu.memory_space<hbm>>
        %dma_start3A_18 = tpu.memref_slice %arg3[%add3A] : memref<800000xi32, #tpu.memory_space<hbm>> -> memref<1000xi32, #tpu.memory_space<hbm>>
        tpu.enqueue_dma source(%dma_start3A_18 : memref<1000xi32, #tpu.memory_space<hbm>>) target(%arg6 : memref<1000xi32, #tpu.memory_space<vmem>>) target_semaphore(%run_scoped3A : memref<!tpu.dma_semaphore, #tpu.memory_space<semaphore_mem>>)
        %dma_wait3A = tpu.memref_slice %arg3[%add3A] : memref<800000xi32, #tpu.memory_space<hbm>> -> memref<1000xi32, #tpu.memory_space<hbm>>
        %dma_wait3A_19 = tpu.memref_slice %arg3[%add3A] : memref<800000xi32, #tpu.memory_space<hbm>> -> memref<1000xi32, #tpu.memory_space<hbm>>
        tpu.wait_dma2 semaphore(%run_scoped3A : memref<!tpu.dma_semaphore, #tpu.memory_space<semaphore_mem>>) src(%dma_wait3A_19 : memref<1000xi32, #tpu.memory_space<hbm>>) dst(%arg6 : memref<1000xi32, #tpu.memory_space<vmem>>)
        tpu.yield
      }) : () -> ()
      "tpu.region"() ({
        %run_scoped3A = tpu.sem_alloc : memref<!tpu.dma_semaphore, #tpu.memory_space<semaphore_mem>>
        %dma_start3A = arith.constant 0 : i32
        %dma_start3A_18 = arith.constant 0 : i32
        %dma_start3A_19 = tpu.memref_slice %arg8[%dma_start3A, %dma_start3A_18] : memref<50000x16xf32, #tpu.memory_space<vmem_shared>> -> memref<50000x16xf32, #tpu.memory_space<vmem_shared>>
        tpu.enqueue_indirect_dma source(%arg7 : memref<1000x16xf32, #tpu.memory_space<vmem>>) target(%dma_start3A_19 : memref<50000x16xf32, #tpu.memory_space<vmem_shared>>) offsets(%arg6 : memref<1000xi32, #tpu.memory_space<vmem>>) semaphore(%run_scoped3A : memref<!tpu.dma_semaphore, #tpu.memory_space<semaphore_mem>>) {add = true}
        %dma_wait3A = arith.constant 0 : i32
        %dma_wait3A_20 = arith.constant 0 : i32
        %dma_wait3A_21 = tpu.memref_slice %arg8[%dma_wait3A, %dma_wait3A_20] : memref<50000x16xf32, #tpu.memory_space<vmem_shared>> -> memref<50000x16xf32, #tpu.memory_space<vmem_shared>>
        tpu.wait_indirect_dma semaphore(%run_scoped3A : memref<!tpu.dma_semaphore, #tpu.memory_space<semaphore_mem>>) src(%arg7 : memref<1000x16xf32, #tpu.memory_space<vmem>>) dst(%dma_wait3A_21 : memref<50000x16xf32, #tpu.memory_space<vmem_shared>>)
        tpu.yield
      }) : () -> ()
    }
    %scan3A_5 = arith.constant 50 : i32
    %barrier3A_6 = arith.constant 0 : index
    tpu.barrier barrier_id(%barrier3A_6)
    %mul3A_7 = arith.constant 3125 : i32
    %mul3A_8 = arith.muli %arg1, %mul3A_7 : i32
    %mul3A_9 = arith.constant 3125 : i32
    %mul3A_10 = arith.muli %arg1, %mul3A_9 : i32
    %mul3A_11 = arith.constant 16 : i32
    %mul3A_12 = arith.muli %arg0, %mul3A_11 : i32
    "tpu.region"() ({
      %run_scoped3A = tpu.sem_alloc : memref<!tpu.dma_semaphore, #tpu.memory_space<semaphore_mem>>
      %dma_start3A = tpu.memref_slice %arg5[%mul3A_10, %mul3A_12] : memref<50000x32xf32, #tpu.memory_space<hbm>> -> memref<3125x16xf32, #tpu.memory_space<hbm>>
      %dma_start3A_13 = arith.constant 0 : i32
      %dma_start3A_14 = tpu.memref_slice %arg8[%mul3A_8, %dma_start3A_13] : memref<50000x16xf32, #tpu.memory_space<vmem_shared>> -> memref<3125x16xf32, #tpu.memory_space<vmem_shared>>
      tpu.enqueue_dma source(%dma_start3A_14 : memref<3125x16xf32, #tpu.memory_space<vmem_shared>>) target(%dma_start3A : memref<3125x16xf32, #tpu.memory_space<hbm>>) target_semaphore(%run_scoped3A : memref<!tpu.dma_semaphore, #tpu.memory_space<semaphore_mem>>)
      %dma_wait3A = tpu.memref_slice %arg5[%mul3A_10, %mul3A_12] : memref<50000x32xf32, #tpu.memory_space<hbm>> -> memref<3125x16xf32, #tpu.memory_space<hbm>>
      %dma_wait3A_15 = arith.constant 0 : i32
      %dma_wait3A_16 = tpu.memref_slice %arg8[%mul3A_8, %dma_wait3A_15] : memref<50000x16xf32, #tpu.memory_space<vmem_shared>> -> memref<3125x16xf32, #tpu.memory_space<vmem_shared>>
      tpu.wait_dma2 semaphore(%run_scoped3A : memref<!tpu.dma_semaphore, #tpu.memory_space<semaphore_mem>>) src(%dma_wait3A_16 : memref<3125x16xf32, #tpu.memory_space<vmem_shared>>) dst(%dma_wait3A : memref<3125x16xf32, #tpu.memory_space<hbm>>)
      tpu.yield
    }) : () -> ()
    return
  }
}

#map = affine_map<(d0, d1) -> (0, 0)>
#map1 = affine_map<(d0, d1) -> (0)>
module attributes {stable_mosaic.version = 14 : i64} {
  func.func @k(%arg0: i32, %arg1: i32, %arg2: memref<800000x32xf32, #tpu.memory_space<hbm>>, %arg3: memref<800000xi32, #tpu.memory_space<hbm>>, %arg4: memref<3125x16xf32, #tpu.memory_space<hbm>>, %arg5: memref<50000x32xf32, #tpu.memory_space<hbm>>, %arg6: memref<1000xi32, #tpu.memory_space<vmem>>, %arg7: memref<1000x16xf32, #tpu.memory_space<vmem>>, %arg8: memref<50000x16xf32, #tpu.memory_space<vmem_shared>>) attributes {dimension_semantics = [#tpu.dimension_semantics<core_parallel>, #tpu.dimension_semantics<subcore_parallel>], iteration_bounds = array<i64: 2, 16>, scalar_prefetch = 0 : i64, scratch_operands = 3 : i64, tpu.core_type = #tpu.core_type<sc_vector_subcore>, window_params = [{transform_indices = #map}, {transform_indices = #map1}, {transform_indices = #map}, {transform_indices = #map}]} {
    %mul3A = arith.constant 3125 : i32
    %mul3A_0 = arith.muli %arg1, %mul3A : i32
    "tpu.region"() ({
      %run_scoped3A = tpu.sem_alloc : memref<!tpu.dma_semaphore, #tpu.memory_space<semaphore_mem>>
      %dma_start3A = arith.constant 0 : i32
      %dma_start3A_13 = tpu.memref_slice %arg8[%mul3A_0, %dma_start3A] : memref<50000x16xf32, #tpu.memory_space<vmem_shared>> -> memref<3125x16xf32, #tpu.memory_space<vmem_shared>>
      tpu.enqueue_dma source(%arg4 : memref<3125x16xf32, #tpu.memory_space<hbm>>) target(%dma_start3A_13 : memref<3125x16xf32, #tpu.memory_space<vmem_shared>>) target_semaphore(%run_scoped3A : memref<!tpu.dma_semaphore, #tpu.memory_space<semaphore_mem>>)
      %dma_wait3A = arith.constant 0 : i32
      %dma_wait3A_14 = tpu.memref_slice %arg8[%mul3A_0, %dma_wait3A] : memref<50000x16xf32, #tpu.memory_space<vmem_shared>> -> memref<3125x16xf32, #tpu.memory_space<vmem_shared>>
      tpu.wait_dma2 semaphore(%run_scoped3A : memref<!tpu.dma_semaphore, #tpu.memory_space<semaphore_mem>>) src(%arg4 : memref<3125x16xf32, #tpu.memory_space<hbm>>) dst(%dma_wait3A_14 : memref<3125x16xf32, #tpu.memory_space<vmem_shared>>)
      tpu.yield
    }) : () -> ()
    %barrier3A = arith.constant 0 : index
    tpu.barrier barrier_id(%barrier3A)
    %scan3A = arith.constant 0 : i32
    %scan3A_1 = arith.constant 0 : i32
    %scan3A_2 = arith.constant 50 : i32
    %scan3A_3 = arith.addi %scan3A_1, %scan3A_2 : i32
    %scan3A_4 = arith.constant 1 : i32
    scf.for %scan3A_13 = %scan3A_1 to %scan3A_3 step %scan3A_4  : i32 {
      %mul3A_14 = arith.constant 50000 : i32
      %mul3A_15 = arith.muli %arg1, %mul3A_14 : i32
      %mul3A_16 = arith.constant 1000 : i32
      %mul3A_17 = arith.muli %scan3A_13, %mul3A_16 : i32
      %add3A = arith.addi %mul3A_15, %mul3A_17 : i32
      "tpu.region"() ({
        %run_scoped3A = tpu.sem_alloc : memref<!tpu.dma_semaphore, #tpu.memory_space<semaphore_mem>>
        %dma_start3A = tpu.memref_slice %arg3[%add3A] : memref<800000xi32, #tpu.memory_space<hbm>> -> memref<1000xi32, #tpu.memory_space<hbm>>
        %dma_start3A_20 = tpu.memref_slice %arg3[%add3A] : memref<800000xi32, #tpu.memory_space<hbm>> -> memref<1000xi32, #tpu.memory_space<hbm>>
        tpu.enqueue_dma source(%dma_start3A_20 : memref<1000xi32, #tpu.memory_space<hbm>>) target(%arg6 : memref<1000xi32, #tpu.memory_space<vmem>>) target_semaphore(%run_scoped3A : memref<!tpu.dma_semaphore, #tpu.memory_space<semaphore_mem>>)
        %dma_wait3A = tpu.memref_slice %arg3[%add3A] : memref<800000xi32, #tpu.memory_space<hbm>> -> memref<1000xi32, #tpu.memory_space<hbm>>
        %dma_wait3A_21 = tpu.memref_slice %arg3[%add3A] : memref<800000xi32, #tpu.memory_space<hbm>> -> memref<1000xi32, #tpu.memory_space<hbm>>
        tpu.wait_dma2 semaphore(%run_scoped3A : memref<!tpu.dma_semaphore, #tpu.memory_space<semaphore_mem>>) src(%dma_wait3A_21 : memref<1000xi32, #tpu.memory_space<hbm>>) dst(%arg6 : memref<1000xi32, #tpu.memory_space<vmem>>)
        tpu.yield
      }) : () -> ()
      %mul3A_18 = arith.constant 16 : i32
      %mul3A_19 = arith.muli %arg0, %mul3A_18 : i32
      "tpu.region"() ({
        %run_scoped3A = tpu.sem_alloc : memref<!tpu.dma_semaphore, #tpu.memory_space<semaphore_mem>>
        %dma_start3A = tpu.memref_slice %arg2[%add3A, %mul3A_19] : memref<800000x32xf32, #tpu.memory_space<hbm>> -> memref<1000x16xf32, #tpu.memory_space<hbm>>
        %dma_start3A_20 = tpu.memref_slice %arg2[%add3A, %mul3A_19] : memref<800000x32xf32, #tpu.memory_space<hbm>> -> memref<1000x16xf32, #tpu.memory_space<hbm>>
        tpu.enqueue_dma source(%dma_start3A_20 : memref<1000x16xf32, #tpu.memory_space<hbm>>) target(%arg7 : memref<1000x16xf32, #tpu.memory_space<vmem>>) target_semaphore(%run_scoped3A : memref<!tpu.dma_semaphore, #tpu.memory_space<semaphore_mem>>)
        %dma_wait3A = tpu.memref_slice %arg2[%add3A, %mul3A_19] : memref<800000x32xf32, #tpu.memory_space<hbm>> -> memref<1000x16xf32, #tpu.memory_space<hbm>>
        %dma_wait3A_21 = tpu.memref_slice %arg2[%add3A, %mul3A_19] : memref<800000x32xf32, #tpu.memory_space<hbm>> -> memref<1000x16xf32, #tpu.memory_space<hbm>>
        tpu.wait_dma2 semaphore(%run_scoped3A : memref<!tpu.dma_semaphore, #tpu.memory_space<semaphore_mem>>) src(%dma_wait3A_21 : memref<1000x16xf32, #tpu.memory_space<hbm>>) dst(%arg7 : memref<1000x16xf32, #tpu.memory_space<vmem>>)
        tpu.yield
      }) : () -> ()
      "tpu.region"() ({
        %run_scoped3A = tpu.sem_alloc : memref<!tpu.dma_semaphore, #tpu.memory_space<semaphore_mem>>
        %dma_start3A = arith.constant 0 : i32
        %dma_start3A_20 = arith.constant 0 : i32
        %dma_start3A_21 = tpu.memref_slice %arg8[%dma_start3A, %dma_start3A_20] : memref<50000x16xf32, #tpu.memory_space<vmem_shared>> -> memref<50000x16xf32, #tpu.memory_space<vmem_shared>>
        tpu.enqueue_indirect_dma source(%arg7 : memref<1000x16xf32, #tpu.memory_space<vmem>>) target(%dma_start3A_21 : memref<50000x16xf32, #tpu.memory_space<vmem_shared>>) offsets(%arg6 : memref<1000xi32, #tpu.memory_space<vmem>>) semaphore(%run_scoped3A : memref<!tpu.dma_semaphore, #tpu.memory_space<semaphore_mem>>) {add = true}
        %dma_wait3A = arith.constant 0 : i32
        %dma_wait3A_22 = arith.constant 0 : i32
        %dma_wait3A_23 = tpu.memref_slice %arg8[%dma_wait3A, %dma_wait3A_22] : memref<50000x16xf32, #tpu.memory_space<vmem_shared>> -> memref<50000x16xf32, #tpu.memory_space<vmem_shared>>
        tpu.wait_indirect_dma semaphore(%run_scoped3A : memref<!tpu.dma_semaphore, #tpu.memory_space<semaphore_mem>>) src(%arg7 : memref<1000x16xf32, #tpu.memory_space<vmem>>) dst(%dma_wait3A_23 : memref<50000x16xf32, #tpu.memory_space<vmem_shared>>)
        tpu.yield
      }) : () -> ()
    }
    %scan3A_5 = arith.constant 50 : i32
    %barrier3A_6 = arith.constant 0 : index
    tpu.barrier barrier_id(%barrier3A_6)
    %mul3A_7 = arith.constant 3125 : i32
    %mul3A_8 = arith.muli %arg1, %mul3A_7 : i32
    %mul3A_9 = arith.constant 3125 : i32
    %mul3A_10 = arith.muli %arg1, %mul3A_9 : i32
    %mul3A_11 = arith.constant 16 : i32
    %mul3A_12 = arith.muli %arg0, %mul3A_11 : i32
    "tpu.region"() ({
      %run_scoped3A = tpu.sem_alloc : memref<!tpu.dma_semaphore, #tpu.memory_space<semaphore_mem>>
      %dma_start3A = tpu.memref_slice %arg5[%mul3A_10, %mul3A_12] : memref<50000x32xf32, #tpu.memory_space<hbm>> -> memref<3125x16xf32, #tpu.memory_space<hbm>>
      %dma_start3A_13 = arith.constant 0 : i32
      %dma_start3A_14 = tpu.memref_slice %arg8[%mul3A_8, %dma_start3A_13] : memref<50000x16xf32, #tpu.memory_space<vmem_shared>> -> memref<3125x16xf32, #tpu.memory_space<vmem_shared>>
      tpu.enqueue_dma source(%dma_start3A_14 : memref<3125x16xf32, #tpu.memory_space<vmem_shared>>) target(%dma_start3A : memref<3125x16xf32, #tpu.memory_space<hbm>>) target_semaphore(%run_scoped3A : memref<!tpu.dma_semaphore, #tpu.memory_space<semaphore_mem>>)
      %dma_wait3A = tpu.memref_slice %arg5[%mul3A_10, %mul3A_12] : memref<50000x32xf32, #tpu.memory_space<hbm>> -> memref<3125x16xf32, #tpu.memory_space<hbm>>
      %dma_wait3A_15 = arith.constant 0 : i32
      %dma_wait3A_16 = tpu.memref_slice %arg8[%mul3A_8, %dma_wait3A_15] : memref<50000x16xf32, #tpu.memory_space<vmem_shared>> -> memref<3125x16xf32, #tpu.memory_space<vmem_shared>>
      tpu.wait_dma2 semaphore(%run_scoped3A : memref<!tpu.dma_semaphore, #tpu.memory_space<semaphore_mem>>) src(%dma_wait3A_16 : memref<3125x16xf32, #tpu.memory_space<vmem_shared>>) dst(%dma_wait3A : memref<3125x16xf32, #tpu.memory_space<hbm>>)
      tpu.yield
    }) : () -> ()
    return
  }
}

#map = affine_map<(d0, d1) -> (0, 0)>
#map1 = affine_map<(d0, d1) -> (0)>
module attributes {stable_mosaic.version = 14 : i64} {
  func.func @k(%arg0: i32, %arg1: i32, %arg2: memref<800000x32xf32, #tpu.memory_space<hbm>>, %arg3: memref<800000xi32, #tpu.memory_space<hbm>>, %arg4: memref<3125x16xf32, #tpu.memory_space<hbm>>, %arg5: memref<50000x32xf32, #tpu.memory_space<hbm>>, %arg6: memref<1000xi32, #tpu.memory_space<vmem>>, %arg7: memref<1000x16xf32, #tpu.memory_space<vmem>>, %arg8: memref<50000x16xf32, #tpu.memory_space<vmem_shared>>) attributes {dimension_semantics = [#tpu.dimension_semantics<core_parallel>, #tpu.dimension_semantics<subcore_parallel>], iteration_bounds = array<i64: 2, 16>, scalar_prefetch = 0 : i64, scratch_operands = 3 : i64, tpu.core_type = #tpu.core_type<sc_vector_subcore>, window_params = [{transform_indices = #map}, {transform_indices = #map1}, {transform_indices = #map}, {transform_indices = #map}]} {
    %mul3A = arith.constant 3125 : i32
    %mul3A_0 = arith.muli %arg1, %mul3A : i32
    "tpu.region"() ({
      %run_scoped3A = tpu.sem_alloc : memref<!tpu.dma_semaphore, #tpu.memory_space<semaphore_mem>>
      %dma_start3A = arith.constant 0 : i32
      %dma_start3A_13 = tpu.memref_slice %arg8[%mul3A_0, %dma_start3A] : memref<50000x16xf32, #tpu.memory_space<vmem_shared>> -> memref<3125x16xf32, #tpu.memory_space<vmem_shared>>
      tpu.enqueue_dma source(%arg4 : memref<3125x16xf32, #tpu.memory_space<hbm>>) target(%dma_start3A_13 : memref<3125x16xf32, #tpu.memory_space<vmem_shared>>) target_semaphore(%run_scoped3A : memref<!tpu.dma_semaphore, #tpu.memory_space<semaphore_mem>>)
      %dma_wait3A = arith.constant 0 : i32
      %dma_wait3A_14 = tpu.memref_slice %arg8[%mul3A_0, %dma_wait3A] : memref<50000x16xf32, #tpu.memory_space<vmem_shared>> -> memref<3125x16xf32, #tpu.memory_space<vmem_shared>>
      tpu.wait_dma2 semaphore(%run_scoped3A : memref<!tpu.dma_semaphore, #tpu.memory_space<semaphore_mem>>) src(%arg4 : memref<3125x16xf32, #tpu.memory_space<hbm>>) dst(%dma_wait3A_14 : memref<3125x16xf32, #tpu.memory_space<vmem_shared>>)
      tpu.yield
    }) : () -> ()
    %barrier3A = arith.constant 0 : index
    tpu.barrier barrier_id(%barrier3A)
    %scan3A = arith.constant 0 : i32
    %scan3A_1 = arith.constant 0 : i32
    %scan3A_2 = arith.constant 50 : i32
    %scan3A_3 = arith.addi %scan3A_1, %scan3A_2 : i32
    %scan3A_4 = arith.constant 1 : i32
    scf.for %scan3A_13 = %scan3A_1 to %scan3A_3 step %scan3A_4  : i32 {
      %mul3A_14 = arith.constant 50000 : i32
      %mul3A_15 = arith.muli %arg1, %mul3A_14 : i32
      %mul3A_16 = arith.constant 1000 : i32
      %mul3A_17 = arith.muli %scan3A_13, %mul3A_16 : i32
      %add3A = arith.addi %mul3A_15, %mul3A_17 : i32
      "tpu.region"() ({
        %run_scoped3A = tpu.sem_alloc : memref<!tpu.dma_semaphore, #tpu.memory_space<semaphore_mem>>
        %dma_start3A = tpu.memref_slice %arg3[%add3A] : memref<800000xi32, #tpu.memory_space<hbm>> -> memref<1000xi32, #tpu.memory_space<hbm>>
        %dma_start3A_20 = tpu.memref_slice %arg3[%add3A] : memref<800000xi32, #tpu.memory_space<hbm>> -> memref<1000xi32, #tpu.memory_space<hbm>>
        tpu.enqueue_dma source(%dma_start3A_20 : memref<1000xi32, #tpu.memory_space<hbm>>) target(%arg6 : memref<1000xi32, #tpu.memory_space<vmem>>) target_semaphore(%run_scoped3A : memref<!tpu.dma_semaphore, #tpu.memory_space<semaphore_mem>>)
        %dma_wait3A = tpu.memref_slice %arg3[%add3A] : memref<800000xi32, #tpu.memory_space<hbm>> -> memref<1000xi32, #tpu.memory_space<hbm>>
        %dma_wait3A_21 = tpu.memref_slice %arg3[%add3A] : memref<800000xi32, #tpu.memory_space<hbm>> -> memref<1000xi32, #tpu.memory_space<hbm>>
        tpu.wait_dma2 semaphore(%run_scoped3A : memref<!tpu.dma_semaphore, #tpu.memory_space<semaphore_mem>>) src(%dma_wait3A_21 : memref<1000xi32, #tpu.memory_space<hbm>>) dst(%arg6 : memref<1000xi32, #tpu.memory_space<vmem>>)
        tpu.yield
      }) : () -> ()
      %mul3A_18 = arith.constant 16 : i32
      %mul3A_19 = arith.muli %arg0, %mul3A_18 : i32
      "tpu.region"() ({
        %run_scoped3A = tpu.sem_alloc : memref<!tpu.dma_semaphore, #tpu.memory_space<semaphore_mem>>
        %dma_start3A = tpu.memref_slice %arg2[%add3A, %mul3A_19] : memref<800000x32xf32, #tpu.memory_space<hbm>> -> memref<1000x16xf32, #tpu.memory_space<hbm>>
        %dma_start3A_20 = tpu.memref_slice %arg2[%add3A, %mul3A_19] : memref<800000x32xf32, #tpu.memory_space<hbm>> -> memref<1000x16xf32, #tpu.memory_space<hbm>>
        tpu.enqueue_dma source(%dma_start3A_20 : memref<1000x16xf32, #tpu.memory_space<hbm>>) target(%arg7 : memref<1000x16xf32, #tpu.memory_space<vmem>>) target_semaphore(%run_scoped3A : memref<!tpu.dma_semaphore, #tpu.memory_space<semaphore_mem>>)
        %dma_wait3A = tpu.memref_slice %arg2[%add3A, %mul3A_19] : memref<800000x32xf32, #tpu.memory_space<hbm>> -> memref<1000x16xf32, #tpu.memory_space<hbm>>
        %dma_wait3A_21 = tpu.memref_slice %arg2[%add3A, %mul3A_19] : memref<800000x32xf32, #tpu.memory_space<hbm>> -> memref<1000x16xf32, #tpu.memory_space<hbm>>
        tpu.wait_dma2 semaphore(%run_scoped3A : memref<!tpu.dma_semaphore, #tpu.memory_space<semaphore_mem>>) src(%dma_wait3A_21 : memref<1000x16xf32, #tpu.memory_space<hbm>>) dst(%arg7 : memref<1000x16xf32, #tpu.memory_space<vmem>>)
        tpu.yield
      }) : () -> ()
      "tpu.region"() ({
        %run_scoped3A = tpu.sem_alloc : memref<!tpu.dma_semaphore, #tpu.memory_space<semaphore_mem>>
        %dma_start3A = arith.constant 0 : i32
        %dma_start3A_20 = arith.constant 0 : i32
        %dma_start3A_21 = tpu.memref_slice %arg8[%dma_start3A, %dma_start3A_20] : memref<50000x16xf32, #tpu.memory_space<vmem_shared>> -> memref<50000x16xf32, #tpu.memory_space<vmem_shared>>
        tpu.enqueue_indirect_dma source(%arg7 : memref<1000x16xf32, #tpu.memory_space<vmem>>) target(%dma_start3A_21 : memref<50000x16xf32, #tpu.memory_space<vmem_shared>>) offsets(%arg6 : memref<1000xi32, #tpu.memory_space<vmem>>) semaphore(%run_scoped3A : memref<!tpu.dma_semaphore, #tpu.memory_space<semaphore_mem>>) {add = true}
        %dma_wait3A = arith.constant 0 : i32
        %dma_wait3A_22 = arith.constant 0 : i32
        %dma_wait3A_23 = tpu.memref_slice %arg8[%dma_wait3A, %dma_wait3A_22] : memref<50000x16xf32, #tpu.memory_space<vmem_shared>> -> memref<50000x16xf32, #tpu.memory_space<vmem_shared>>
        tpu.wait_indirect_dma semaphore(%run_scoped3A : memref<!tpu.dma_semaphore, #tpu.memory_space<semaphore_mem>>) src(%arg7 : memref<1000x16xf32, #tpu.memory_space<vmem>>) dst(%dma_wait3A_23 : memref<50000x16xf32, #tpu.memory_space<vmem_shared>>)
        tpu.yield
      }) : () -> ()
    }
    %scan3A_5 = arith.constant 50 : i32
    %barrier3A_6 = arith.constant 0 : index
    tpu.barrier barrier_id(%barrier3A_6)
    %mul3A_7 = arith.constant 3125 : i32
    %mul3A_8 = arith.muli %arg1, %mul3A_7 : i32
    %mul3A_9 = arith.constant 3125 : i32
    %mul3A_10 = arith.muli %arg1, %mul3A_9 : i32
    %mul3A_11 = arith.constant 16 : i32
    %mul3A_12 = arith.muli %arg0, %mul3A_11 : i32
    "tpu.region"() ({
      %run_scoped3A = tpu.sem_alloc : memref<!tpu.dma_semaphore, #tpu.memory_space<semaphore_mem>>
      %dma_start3A = tpu.memref_slice %arg5[%mul3A_10, %mul3A_12] : memref<50000x32xf32, #tpu.memory_space<hbm>> -> memref<3125x16xf32, #tpu.memory_space<hbm>>
      %dma_start3A_13 = arith.constant 0 : i32
      %dma_start3A_14 = tpu.memref_slice %arg8[%mul3A_8, %dma_start3A_13] : memref<50000x16xf32, #tpu.memory_space<vmem_shared>> -> memref<3125x16xf32, #tpu.memory_space<vmem_shared>>
      tpu.enqueue_dma source(%dma_start3A_14 : memref<3125x16xf32, #tpu.memory_space<vmem_shared>>) target(%dma_start3A : memref<3125x16xf32, #tpu.memory_space<hbm>>) target_semaphore(%run_scoped3A : memref<!tpu.dma_semaphore, #tpu.memory_space<semaphore_mem>>)
      %dma_wait3A = tpu.memref_slice %arg5[%mul3A_10, %mul3A_12] : memref<50000x32xf32, #tpu.memory_space<hbm>> -> memref<3125x16xf32, #tpu.memory_space<hbm>>
      %dma_wait3A_15 = arith.constant 0 : i32
      %dma_wait3A_16 = tpu.memref_slice %arg8[%mul3A_8, %dma_wait3A_15] : memref<50000x16xf32, #tpu.memory_space<vmem_shared>> -> memref<3125x16xf32, #tpu.memory_space<vmem_shared>>
      tpu.wait_dma2 semaphore(%run_scoped3A : memref<!tpu.dma_semaphore, #tpu.memory_space<semaphore_mem>>) src(%dma_wait3A_16 : memref<3125x16xf32, #tpu.memory_space<vmem_shared>>) dst(%dma_wait3A : memref<3125x16xf32, #tpu.memory_space<hbm>>)
      tpu.yield
    }) : () -> ()
    return
  }
}

#map = affine_map<(d0, d1) -> (0, 0)>
#map1 = affine_map<(d0, d1) -> (0)>
module attributes {stable_mosaic.version = 14 : i64} {
  func.func @k(%arg0: i32, %arg1: i32, %arg2: memref<50000x32xf32, #tpu.memory_space<hbm>>, %arg3: memref<800000xi32, #tpu.memory_space<hbm>>, %arg4: memref<800000xi32, #tpu.memory_space<hbm>>, %arg5: memref<800000x32xf32, #tpu.memory_space<hbm>>, %arg6: memref<800000x32xf32, #tpu.memory_space<hbm>>, %arg7: memref<1000xi32, #tpu.memory_space<vmem>>, %arg8: memref<1000x32xf32, #tpu.memory_space<vmem>>, %arg9: memref<!tpu.dma_semaphore, #tpu.memory_space<semaphore_mem>>) attributes {dimension_semantics = [#tpu.dimension_semantics<core_parallel>, #tpu.dimension_semantics<subcore_parallel>], iteration_bounds = array<i64: 2, 16>, scalar_prefetch = 0 : i64, scratch_operands = 3 : i64, tpu.core_type = #tpu.core_type<sc_vector_subcore>, window_params = [{transform_indices = #map}, {transform_indices = #map1}, {transform_indices = #map1}, {transform_indices = #map}, {transform_indices = #map}]} {
    %mul3A = arith.constant 2 : i32
    %mul3A_0 = arith.muli %arg1, %mul3A : i32
    %add3A = arith.addi %mul3A_0, %arg0 : i32
    %mul3A_1 = arith.constant 25000 : i32
    %mul3A_2 = arith.muli %add3A, %mul3A_1 : i32
    %scan3A = arith.constant 0 : i32
    %scan3A_3 = arith.constant 0 : i32
    %scan3A_4 = arith.constant 25 : i32
    %scan3A_5 = arith.addi %scan3A_3, %scan3A_4 : i32
    %scan3A_6 = arith.constant 1 : i32
    scf.for %scan3A_8 = %scan3A_3 to %scan3A_5 step %scan3A_6  : i32 {
      %mul3A_9 = arith.constant 1000 : i32
      %mul3A_10 = arith.muli %scan3A_8, %mul3A_9 : i32
      %add3A_11 = arith.addi %mul3A_2, %mul3A_10 : i32
      "tpu.region"() ({
        %run_scoped3A = tpu.sem_alloc : memref<!tpu.dma_semaphore, #tpu.memory_space<semaphore_mem>>
        %dma_start3A_22 = tpu.memref_slice %arg3[%add3A_11] : memref<800000xi32, #tpu.memory_space<hbm>> -> memref<1000xi32, #tpu.memory_space<hbm>>
        %dma_start3A_23 = tpu.memref_slice %arg3[%add3A_11] : memref<800000xi32, #tpu.memory_space<hbm>> -> memref<1000xi32, #tpu.memory_space<hbm>>
        tpu.enqueue_dma source(%dma_start3A_23 : memref<1000xi32, #tpu.memory_space<hbm>>) target(%arg7 : memref<1000xi32, #tpu.memory_space<vmem>>) target_semaphore(%run_scoped3A : memref<!tpu.dma_semaphore, #tpu.memory_space<semaphore_mem>>)
        %dma_wait3A_24 = tpu.memref_slice %arg3[%add3A_11] : memref<800000xi32, #tpu.memory_space<hbm>> -> memref<1000xi32, #tpu.memory_space<hbm>>
        %dma_wait3A_25 = tpu.memref_slice %arg3[%add3A_11] : memref<800000xi32, #tpu.memory_space<hbm>> -> memref<1000xi32, #tpu.memory_space<hbm>>
        tpu.wait_dma2 semaphore(%run_scoped3A : memref<!tpu.dma_semaphore, #tpu.memory_space<semaphore_mem>>) src(%dma_wait3A_25 : memref<1000xi32, #tpu.memory_space<hbm>>) dst(%arg7 : memref<1000xi32, #tpu.memory_space<vmem>>)
        tpu.yield
      }) : () -> ()
      %dma_start3A = arith.constant 0 : i32
      %dma_start3A_12 = arith.constant 0 : i32
      %dma_start3A_13 = tpu.memref_slice %arg2[%dma_start3A, %dma_start3A_12] : memref<50000x32xf32, #tpu.memory_space<hbm>> -> memref<50000x32xf32, #tpu.memory_space<hbm>>
      tpu.enqueue_indirect_dma source(%dma_start3A_13 : memref<50000x32xf32, #tpu.memory_space<hbm>>) target(%arg8 : memref<1000x32xf32, #tpu.memory_space<vmem>>) offsets(%arg7 : memref<1000xi32, #tpu.memory_space<vmem>>) semaphore(%arg9 : memref<!tpu.dma_semaphore, #tpu.memory_space<semaphore_mem>>)
      %dma_wait3A = arith.constant 0 : i32
      %dma_wait3A_14 = arith.constant 0 : i32
      %dma_wait3A_15 = tpu.memref_slice %arg2[%dma_wait3A, %dma_wait3A_14] : memref<50000x32xf32, #tpu.memory_space<hbm>> -> memref<50000x32xf32, #tpu.memory_space<hbm>>
      tpu.wait_indirect_dma semaphore(%arg9 : memref<!tpu.dma_semaphore, #tpu.memory_space<semaphore_mem>>) src(%dma_wait3A_15 : memref<50000x32xf32, #tpu.memory_space<hbm>>) dst(%arg8 : memref<1000x32xf32, #tpu.memory_space<vmem>>)
      "tpu.region"() ({
        %run_scoped3A = tpu.sem_alloc : memref<!tpu.dma_semaphore, #tpu.memory_space<semaphore_mem>>
        %dma_start3A_22 = arith.constant 0 : i32
        %dma_start3A_23 = tpu.memref_slice %arg5[%add3A_11, %dma_start3A_22] : memref<800000x32xf32, #tpu.memory_space<hbm>> -> memref<1000x32xf32, #tpu.memory_space<hbm>>
        %dma_start3A_24 = arith.constant 0 : i32
        %dma_start3A_25 = tpu.memref_slice %arg5[%add3A_11, %dma_start3A_24] : memref<800000x32xf32, #tpu.memory_space<hbm>> -> memref<1000x32xf32, #tpu.memory_space<hbm>>
        tpu.enqueue_dma source(%arg8 : memref<1000x32xf32, #tpu.memory_space<vmem>>) target(%dma_start3A_25 : memref<1000x32xf32, #tpu.memory_space<hbm>>) target_semaphore(%run_scoped3A : memref<!tpu.dma_semaphore, #tpu.memory_space<semaphore_mem>>)
        %dma_wait3A_26 = arith.constant 0 : i32
        %dma_wait3A_27 = tpu.memref_slice %arg5[%add3A_11, %dma_wait3A_26] : memref<800000x32xf32, #tpu.memory_space<hbm>> -> memref<1000x32xf32, #tpu.memory_space<hbm>>
        %dma_wait3A_28 = arith.constant 0 : i32
        %dma_wait3A_29 = tpu.memref_slice %arg5[%add3A_11, %dma_wait3A_28] : memref<800000x32xf32, #tpu.memory_space<hbm>> -> memref<1000x32xf32, #tpu.memory_space<hbm>>
        tpu.wait_dma2 semaphore(%run_scoped3A : memref<!tpu.dma_semaphore, #tpu.memory_space<semaphore_mem>>) src(%arg8 : memref<1000x32xf32, #tpu.memory_space<vmem>>) dst(%dma_wait3A_29 : memref<1000x32xf32, #tpu.memory_space<hbm>>)
        tpu.yield
      }) : () -> ()
      "tpu.region"() ({
        %run_scoped3A = tpu.sem_alloc : memref<!tpu.dma_semaphore, #tpu.memory_space<semaphore_mem>>
        %dma_start3A_22 = tpu.memref_slice %arg4[%add3A_11] : memref<800000xi32, #tpu.memory_space<hbm>> -> memref<1000xi32, #tpu.memory_space<hbm>>
        %dma_start3A_23 = tpu.memref_slice %arg4[%add3A_11] : memref<800000xi32, #tpu.memory_space<hbm>> -> memref<1000xi32, #tpu.memory_space<hbm>>
        tpu.enqueue_dma source(%dma_start3A_23 : memref<1000xi32, #tpu.memory_space<hbm>>) target(%arg7 : memref<1000xi32, #tpu.memory_space<vmem>>) target_semaphore(%run_scoped3A : memref<!tpu.dma_semaphore, #tpu.memory_space<semaphore_mem>>)
        %dma_wait3A_24 = tpu.memref_slice %arg4[%add3A_11] : memref<800000xi32, #tpu.memory_space<hbm>> -> memref<1000xi32, #tpu.memory_space<hbm>>
        %dma_wait3A_25 = tpu.memref_slice %arg4[%add3A_11] : memref<800000xi32, #tpu.memory_space<hbm>> -> memref<1000xi32, #tpu.memory_space<hbm>>
        tpu.wait_dma2 semaphore(%run_scoped3A : memref<!tpu.dma_semaphore, #tpu.memory_space<semaphore_mem>>) src(%dma_wait3A_25 : memref<1000xi32, #tpu.memory_space<hbm>>) dst(%arg7 : memref<1000xi32, #tpu.memory_space<vmem>>)
        tpu.yield
      }) : () -> ()
      %dma_start3A_16 = arith.constant 0 : i32
      %dma_start3A_17 = arith.constant 0 : i32
      %dma_start3A_18 = tpu.memref_slice %arg2[%dma_start3A_16, %dma_start3A_17] : memref<50000x32xf32, #tpu.memory_space<hbm>> -> memref<50000x32xf32, #tpu.memory_space<hbm>>
      tpu.enqueue_indirect_dma source(%dma_start3A_18 : memref<50000x32xf32, #tpu.memory_space<hbm>>) target(%arg8 : memref<1000x32xf32, #tpu.memory_space<vmem>>) offsets(%arg7 : memref<1000xi32, #tpu.memory_space<vmem>>) semaphore(%arg9 : memref<!tpu.dma_semaphore, #tpu.memory_space<semaphore_mem>>)
      %dma_wait3A_19 = arith.constant 0 : i32
      %dma_wait3A_20 = arith.constant 0 : i32
      %dma_wait3A_21 = tpu.memref_slice %arg2[%dma_wait3A_19, %dma_wait3A_20] : memref<50000x32xf32, #tpu.memory_space<hbm>> -> memref<50000x32xf32, #tpu.memory_space<hbm>>
      tpu.wait_indirect_dma semaphore(%arg9 : memref<!tpu.dma_semaphore, #tpu.memory_space<semaphore_mem>>) src(%dma_wait3A_21 : memref<50000x32xf32, #tpu.memory_space<hbm>>) dst(%arg8 : memref<1000x32xf32, #tpu.memory_space<vmem>>)
      "tpu.region"() ({
        %run_scoped3A = tpu.sem_alloc : memref<!tpu.dma_semaphore, #tpu.memory_space<semaphore_mem>>
        %dma_start3A_22 = arith.constant 0 : i32
        %dma_start3A_23 = tpu.memref_slice %arg6[%add3A_11, %dma_start3A_22] : memref<800000x32xf32, #tpu.memory_space<hbm>> -> memref<1000x32xf32, #tpu.memory_space<hbm>>
        %dma_start3A_24 = arith.constant 0 : i32
        %dma_start3A_25 = tpu.memref_slice %arg6[%add3A_11, %dma_start3A_24] : memref<800000x32xf32, #tpu.memory_space<hbm>> -> memref<1000x32xf32, #tpu.memory_space<hbm>>
        tpu.enqueue_dma source(%arg8 : memref<1000x32xf32, #tpu.memory_space<vmem>>) target(%dma_start3A_25 : memref<1000x32xf32, #tpu.memory_space<hbm>>) target_semaphore(%run_scoped3A : memref<!tpu.dma_semaphore, #tpu.memory_space<semaphore_mem>>)
        %dma_wait3A_26 = arith.constant 0 : i32
        %dma_wait3A_27 = tpu.memref_slice %arg6[%add3A_11, %dma_wait3A_26] : memref<800000x32xf32, #tpu.memory_space<hbm>> -> memref<1000x32xf32, #tpu.memory_space<hbm>>
        %dma_wait3A_28 = arith.constant 0 : i32
        %dma_wait3A_29 = tpu.memref_slice %arg6[%add3A_11, %dma_wait3A_28] : memref<800000x32xf32, #tpu.memory_space<hbm>> -> memref<1000x32xf32, #tpu.memory_space<hbm>>
        tpu.wait_dma2 semaphore(%run_scoped3A : memref<!tpu.dma_semaphore, #tpu.memory_space<semaphore_mem>>) src(%arg8 : memref<1000x32xf32, #tpu.memory_space<vmem>>) dst(%dma_wait3A_29 : memref<1000x32xf32, #tpu.memory_space<hbm>>)
        tpu.yield
      }) : () -> ()
    }
    %scan3A_7 = arith.constant 25 : i32
    return
  }
}

module attributes {stable_mosaic.version = 14 : i64} {
  func.func @body(%arg0: i32, %arg1: memref<5000x27xf32, #tpu.memory_space<vmem>>, %arg2: memref<64x27xf32, #tpu.memory_space<vmem>>, %arg3: memref<1x64xf32, #tpu.memory_space<vmem>>, %arg4: memref<32x64xf32, #tpu.memory_space<vmem>>, %arg5: memref<1x32xf32, #tpu.memory_space<vmem>>, %arg6: memref<5000x32xf32, #tpu.memory_space<vmem>>) attributes {dimension_semantics = [#tpu.dimension_semantics<arbitrary>], iteration_bounds = array<i64: 10>, scalar_prefetch = 0 : i64, scratch_operands = 0 : i64, tpu.core_type = #tpu.core_type<tc>, window_params = [{transform_indices = @transform_0, window_bounds = array<i64: 5000, 27>}, {pipeline_mode = #tpu.pipeline_mode<synchronous>, transform_indices = @transform_1, window_bounds = array<i64: 64, 27>}, {pipeline_mode = #tpu.pipeline_mode<synchronous>, transform_indices = @transform_2, window_bounds = array<i64: 1, 64>}, {pipeline_mode = #tpu.pipeline_mode<synchronous>, transform_indices = @transform_3, window_bounds = array<i64: 32, 64>}, {pipeline_mode = #tpu.pipeline_mode<synchronous>, transform_indices = @transform_4, window_bounds = array<i64: 1, 32>}, {transform_indices = @transform_5, window_bounds = array<i64: 5000, 32>}]} {
    %get3A = arith.constant 0 : index
    %get3A_0 = arith.constant 0 : index
    %get3A_1 = vector.load %arg1[%get3A, %get3A_0] : memref<5000x27xf32, #tpu.memory_space<vmem>>, vector<5000x27xf32>
    %get3A_2 = arith.constant 0 : index
    %get3A_3 = arith.constant 0 : index
    %get3A_4 = vector.load %arg2[%get3A_2, %get3A_3] : memref<64x27xf32, #tpu.memory_space<vmem>>, vector<64x27xf32>
    %dot_general3A = arith.constant dense<0.000000e+00> : vector<5000x64xf32>
    %dot_general3A_5 = tpu.matmul %get3A_1, %get3A_4, %dot_general3A {dimension_numbers = #tpu.dot_dimension_numbers<[1], [1], [0], [0], [0, 0, 1, 0], [], []>, transpose_lhs_hint = false} : vector<5000x27xf32>, vector<64x27xf32>, vector<5000x64xf32> -> vector<5000x64xf32>
    %get3A_6 = arith.constant 0 : index
    %get3A_7 = arith.constant 0 : index
    %get3A_8 = vector.load %arg3[%get3A_6, %get3A_7] : memref<1x64xf32, #tpu.memory_space<vmem>>, vector<1x64xf32>
    %add3A = vector.broadcast %get3A_8 : vector<1x64xf32> to vector<5000x64xf32>
    %add3A_9 = arith.addf %dot_general3A_5, %add3A : vector<5000x64xf32>
    %ge3A = arith.constant 0.000000e+00 : f32
    %ge3A_10 = vector.broadcast %ge3A : f32 to vector<5000x64xf32>
    %ge3A_11 = arith.cmpf oge, %add3A_9, %ge3A_10 : vector<5000x64xf32>
    %mul3A = arith.constant 0.229166672 : f32
    %mul3A_12 = vector.broadcast %mul3A : f32 to vector<5000x64xf32>
    %mul3A_13 = arith.mulf %add3A_9, %mul3A_12 : vector<5000x64xf32>
    %select_n3A = arith.select %ge3A_11, %add3A_9, %mul3A_13 : vector<5000x64xi1>, vector<5000x64xf32>
    %get3A_14 = arith.constant 0 : index
    %get3A_15 = arith.constant 0 : index
    %get3A_16 = vector.load %arg4[%get3A_14, %get3A_15] : memref<32x64xf32, #tpu.memory_space<vmem>>, vector<32x64xf32>
    %dot_general3A_17 = arith.constant dense<0.000000e+00> : vector<5000x32xf32>
    %dot_general3A_18 = tpu.matmul %select_n3A, %get3A_16, %dot_general3A_17 {dimension_numbers = #tpu.dot_dimension_numbers<[1], [1], [0], [0], [0, 0, 1, 0], [], []>, transpose_lhs_hint = false} : vector<5000x64xf32>, vector<32x64xf32>, vector<5000x32xf32> -> vector<5000x32xf32>
    %get3A_19 = arith.constant 0 : index
    %get3A_20 = arith.constant 0 : index
    %get3A_21 = vector.load %arg5[%get3A_19, %get3A_20] : memref<1x32xf32, #tpu.memory_space<vmem>>, vector<1x32xf32>
    %add3A_22 = vector.broadcast %get3A_21 : vector<1x32xf32> to vector<5000x32xf32>
    %add3A_23 = arith.addf %dot_general3A_18, %add3A_22 : vector<5000x32xf32>
    %swap3A = arith.constant 0 : index
    %swap3A_24 = arith.constant 0 : index
    %swap3A_25 = vector.load %arg6[%swap3A, %swap3A_24] : memref<5000x32xf32, #tpu.memory_space<vmem>>, vector<5000x32xf32>
    tpu.vector_store %arg6[%swap3A, %swap3A_24], %add3A_23 {strides = array<i32>} : memref<5000x32xf32, #tpu.memory_space<vmem>>, vector<5000x32xf32>,
    return
  }
  func.func @transform_0(%arg0: i32) -> (i32, i32) {
    %c0_i32 = arith.constant 0 : i32
    %c0_i32_0 = arith.constant 0 : i32
    return %arg0, %c0_i32 : i32, i32
  }
  func.func @transform_1(%arg0: i32) -> (i32, i32) {
    %c0_i32 = arith.constant 0 : i32
    %c0_i32_0 = arith.constant 0 : i32
    %c0_i32_1 = arith.constant 0 : i32
    return %c0_i32, %c0_i32_0 : i32, i32
  }
  func.func @transform_2(%arg0: i32) -> (i32, i32) {
    %c0_i32 = arith.constant 0 : i32
    %c0_i32_0 = arith.constant 0 : i32
    %c0_i32_1 = arith.constant 0 : i32
    return %c0_i32, %c0_i32_0 : i32, i32
  }
  func.func @transform_3(%arg0: i32) -> (i32, i32) {
    %c0_i32 = arith.constant 0 : i32
    %c0_i32_0 = arith.constant 0 : i32
    %c0_i32_1 = arith.constant 0 : i32
    return %c0_i32, %c0_i32_0 : i32, i32
  }
  func.func @transform_4(%arg0: i32) -> (i32, i32) {
    %c0_i32 = arith.constant 0 : i32
    %c0_i32_0 = arith.constant 0 : i32
    %c0_i32_1 = arith.constant 0 : i32
    return %c0_i32, %c0_i32_0 : i32, i32
  }
  func.func @transform_5(%arg0: i32) -> (i32, i32) {
    %c0_i32 = arith.constant 0 : i32
    %c0_i32_0 = arith.constant 0 : i32
    return %arg0, %c0_i32 : i32, i32
  }
}

module attributes {stable_mosaic.version = 14 : i64} {
  func.func @body(%arg0: i32, %arg1: memref<2000x400xf32, #tpu.memory_space<vmem>>, %arg2: memref<2000x128xf32, #tpu.memory_space<vmem>>, %arg3: memref<2000x128xf32, #tpu.memory_space<vmem>>, %arg4: memref<256x400xf32, #tpu.memory_space<vmem>>, %arg5: memref<1x256xf32, #tpu.memory_space<vmem>>, %arg6: memref<128x256xf32, #tpu.memory_space<vmem>>, %arg7: memref<1x128xf32, #tpu.memory_space<vmem>>, %arg8: memref<256x128xf32, #tpu.memory_space<vmem>>, %arg9: memref<256x128xf32, #tpu.memory_space<vmem>>, %arg10: memref<256x128xf32, #tpu.memory_space<vmem>>, %arg11: memref<1x256xf32, #tpu.memory_space<vmem>>, %arg12: memref<256x256xf32, #tpu.memory_space<vmem>>, %arg13: memref<1x256xf32, #tpu.memory_space<vmem>>, %arg14: memref<128x256xf32, #tpu.memory_space<vmem>>, %arg15: memref<1x128xf32, #tpu.memory_space<vmem>>, %arg16: memref<2000x128xf32, #tpu.memory_space<vmem>>, %arg17: memref<2000x128xf32, #tpu.memory_space<vmem>>) attributes {dimension_semantics = [#tpu.dimension_semantics<arbitrary>], iteration_bounds = array<i64: 100>, scalar_prefetch = 0 : i64, scratch_operands = 0 : i64, tpu.core_type = #tpu.core_type<tc>, window_params = [{transform_indices = @transform_0, window_bounds = array<i64: 2000, 400>}, {transform_indices = @transform_1, window_bounds = array<i64: 2000, 128>}, {transform_indices = @transform_2, window_bounds = array<i64: 2000, 128>}, {pipeline_mode = #tpu.pipeline_mode<synchronous>, transform_indices = @transform_3, window_bounds = array<i64: 256, 400>}, {pipeline_mode = #tpu.pipeline_mode<synchronous>, transform_indices = @transform_4, window_bounds = array<i64: 1, 256>}, {pipeline_mode = #tpu.pipeline_mode<synchronous>, transform_indices = @transform_5, window_bounds = array<i64: 128, 256>}, {pipeline_mode = #tpu.pipeline_mode<synchronous>, transform_indices = @transform_6, window_bounds = array<i64: 1, 128>}, {pipeline_mode = #tpu.pipeline_mode<synchronous>, transform_indices = @transform_7, window_bounds = array<i64: 256, 128>}, {pipeline_mode = #tpu.pipeline_mode<synchronous>, transform_indices = @transform_8, window_bounds = array<i64: 256, 128>}, {pipeline_mode = #tpu.pipeline_mode<synchronous>, transform_indices = @transform_9, window_bounds = array<i64: 256, 128>}, {pipeline_mode = #tpu.pipeline_mode<synchronous>, transform_indices = @transform_10, window_bounds = array<i64: 1, 256>}, {pipeline_mode = #tpu.pipeline_mode<synchronous>, transform_indices = @transform_11, window_bounds = array<i64: 256, 256>}, {pipeline_mode = #tpu.pipeline_mode<synchronous>, transform_indices = @transform_12, window_bounds = array<i64: 1, 256>}, {pipeline_mode = #tpu.pipeline_mode<synchronous>, transform_indices = @transform_13, window_bounds = array<i64: 128, 256>}, {pipeline_mode = #tpu.pipeline_mode<synchronous>, transform_indices = @transform_14, window_bounds = array<i64: 1, 128>}, {transform_indices = @transform_15, window_bounds = array<i64: 2000, 128>}, {transform_indices = @transform_16, window_bounds = array<i64: 2000, 128>}]} {
    %get3A = arith.constant 0 : index
    %get3A_0 = arith.constant 0 : index
    %get3A_1 = vector.load %arg1[%get3A, %get3A_0] : memref<2000x400xf32, #tpu.memory_space<vmem>>, vector<2000x400xf32>
    %get3A_2 = arith.constant 0 : index
    %get3A_3 = arith.constant 0 : index
    %get3A_4 = vector.load %arg2[%get3A_2, %get3A_3] : memref<2000x128xf32, #tpu.memory_space<vmem>>, vector<2000x128xf32>
    %get3A_5 = arith.constant 0 : index
    %get3A_6 = arith.constant 0 : index
    %get3A_7 = vector.load %arg3[%get3A_5, %get3A_6] : memref<2000x128xf32, #tpu.memory_space<vmem>>, vector<2000x128xf32>
    %get3A_8 = arith.constant 0 : index
    %get3A_9 = arith.constant 0 : index
    %get3A_10 = vector.load %arg4[%get3A_8, %get3A_9] : memref<256x400xf32, #tpu.memory_space<vmem>>, vector<256x400xf32>
    %dot_general3A = arith.constant dense<0.000000e+00> : vector<2000x256xf32>
    %dot_general3A_11 = tpu.matmul %get3A_1, %get3A_10, %dot_general3A {dimension_numbers = #tpu.dot_dimension_numbers<[1], [1], [0], [0], [0, 0, 1, 0], [], []>, transpose_lhs_hint = false} : vector<2000x400xf32>, vector<256x400xf32>, vector<2000x256xf32> -> vector<2000x256xf32>
    %get3A_12 = arith.constant 0 : index
    %get3A_13 = arith.constant 0 : index
    %get3A_14 = vector.load %arg5[%get3A_12, %get3A_13] : memref<1x256xf32, #tpu.memory_space<vmem>>, vector<1x256xf32>
    %add3A = vector.broadcast %get3A_14 : vector<1x256xf32> to vector<2000x256xf32>
    %add3A_15 = arith.addf %dot_general3A_11, %add3A : vector<2000x256xf32>
    %ge3A = arith.constant 0.000000e+00 : f32
    %ge3A_16 = vector.broadcast %ge3A : f32 to vector<2000x256xf32>
    %ge3A_17 = arith.cmpf oge, %add3A_15, %ge3A_16 : vector<2000x256xf32>
    %mul3A = arith.constant 0.229166672 : f32
    %mul3A_18 = vector.broadcast %mul3A : f32 to vector<2000x256xf32>
    %mul3A_19 = arith.mulf %add3A_15, %mul3A_18 : vector<2000x256xf32>
    %select_n3A = arith.select %ge3A_17, %add3A_15, %mul3A_19 : vector<2000x256xi1>, vector<2000x256xf32>
    %get3A_20 = arith.constant 0 : index
    %get3A_21 = arith.constant 0 : index
    %get3A_22 = vector.load %arg6[%get3A_20, %get3A_21] : memref<128x256xf32, #tpu.memory_space<vmem>>, vector<128x256xf32>
    %dot_general3A_23 = arith.constant dense<0.000000e+00> : vector<2000x128xf32>
    %dot_general3A_24 = tpu.matmul %select_n3A, %get3A_22, %dot_general3A_23 {dimension_numbers = #tpu.dot_dimension_numbers<[1], [1], [0], [0], [0, 0, 1, 0], [], []>, transpose_lhs_hint = false} : vector<2000x256xf32>, vector<128x256xf32>, vector<2000x128xf32> -> vector<2000x128xf32>
    %get3A_25 = arith.constant 0 : index
    %get3A_26 = arith.constant 0 : index
    %get3A_27 = vector.load %arg7[%get3A_25, %get3A_26] : memref<1x128xf32, #tpu.memory_space<vmem>>, vector<1x128xf32>
    %add3A_28 = vector.broadcast %get3A_27 : vector<1x128xf32> to vector<2000x128xf32>
    %add3A_29 = arith.addf %dot_general3A_24, %add3A_28 : vector<2000x128xf32>
    %get3A_30 = arith.constant 0 : index
    %get3A_31 = arith.constant 0 : index
    %get3A_32 = vector.load %arg8[%get3A_30, %get3A_31] : memref<256x128xf32, #tpu.memory_space<vmem>>, vector<256x128xf32>
    %dot_general3A_33 = arith.constant dense<0.000000e+00> : vector<2000x256xf32>
    %dot_general3A_34 = tpu.matmul %get3A_4, %get3A_32, %dot_general3A_33 {dimension_numbers = #tpu.dot_dimension_numbers<[1], [1], [0], [0], [0, 0, 1, 0], [], []>, transpose_lhs_hint = false} : vector<2000x128xf32>, vector<256x128xf32>, vector<2000x256xf32> -> vector<2000x256xf32>
    %get3A_35 = arith.constant 0 : index
    %get3A_36 = arith.constant 0 : index
    %get3A_37 = vector.load %arg9[%get3A_35, %get3A_36] : memref<256x128xf32, #tpu.memory_space<vmem>>, vector<256x128xf32>
    %dot_general3A_38 = arith.constant dense<0.000000e+00> : vector<2000x256xf32>
    %dot_general3A_39 = tpu.matmul %get3A_7, %get3A_37, %dot_general3A_38 {dimension_numbers = #tpu.dot_dimension_numbers<[1], [1], [0], [0], [0, 0, 1, 0], [], []>, transpose_lhs_hint = false} : vector<2000x128xf32>, vector<256x128xf32>, vector<2000x256xf32> -> vector<2000x256xf32>
    %add3A_40 = arith.addf %dot_general3A_34, %dot_general3A_39 : vector<2000x256xf32>
    %get3A_41 = arith.constant 0 : index
    %get3A_42 = arith.constant 0 : index
    %get3A_43 = vector.load %arg10[%get3A_41, %get3A_42] : memref<256x128xf32, #tpu.memory_space<vmem>>, vector<256x128xf32>
    %dot_general3A_44 = arith.constant dense<0.000000e+00> : vector<2000x256xf32>
    %dot_general3A_45 = tpu.matmul %add3A_29, %get3A_43, %dot_general3A_44 {dimension_numbers = #tpu.dot_dimension_numbers<[1], [1], [0], [0], [0, 0, 1, 0], [], []>, transpose_lhs_hint = false} : vector<2000x128xf32>, vector<256x128xf32>, vector<2000x256xf32> -> vector<2000x256xf32>
    %add3A_46 = arith.addf %add3A_40, %dot_general3A_45 : vector<2000x256xf32>
    %get3A_47 = arith.constant 0 : index
    %get3A_48 = arith.constant 0 : index
    %get3A_49 = vector.load %arg11[%get3A_47, %get3A_48] : memref<1x256xf32, #tpu.memory_space<vmem>>, vector<1x256xf32>
    %add3A_50 = vector.broadcast %get3A_49 : vector<1x256xf32> to vector<2000x256xf32>
    %add3A_51 = arith.addf %add3A_46, %add3A_50 : vector<2000x256xf32>
    %ge3A_52 = arith.constant 0.000000e+00 : f32
    %ge3A_53 = vector.broadcast %ge3A_52 : f32 to vector<2000x256xf32>
    %ge3A_54 = arith.cmpf oge, %add3A_51, %ge3A_53 : vector<2000x256xf32>
    %mul3A_55 = arith.constant 0.229166672 : f32
    %mul3A_56 = vector.broadcast %mul3A_55 : f32 to vector<2000x256xf32>
    %mul3A_57 = arith.mulf %add3A_51, %mul3A_56 : vector<2000x256xf32>
    %select_n3A_58 = arith.select %ge3A_54, %add3A_51, %mul3A_57 : vector<2000x256xi1>, vector<2000x256xf32>
    %get3A_59 = arith.constant 0 : index
    %get3A_60 = arith.constant 0 : index
    %get3A_61 = vector.load %arg12[%get3A_59, %get3A_60] : memref<256x256xf32, #tpu.memory_space<vmem>>, vector<256x256xf32>
    %dot_general3A_62 = arith.constant dense<0.000000e+00> : vector<2000x256xf32>
    %dot_general3A_63 = tpu.matmul %select_n3A_58, %get3A_61, %dot_general3A_62 {dimension_numbers = #tpu.dot_dimension_numbers<[1], [1], [0], [0], [0, 0, 1, 0], [], []>, transpose_lhs_hint = false} : vector<2000x256xf32>, vector<256x256xf32>, vector<2000x256xf32> -> vector<2000x256xf32>
    %get3A_64 = arith.constant 0 : index
    %get3A_65 = arith.constant 0 : index
    %get3A_66 = vector.load %arg13[%get3A_64, %get3A_65] : memref<1x256xf32, #tpu.memory_space<vmem>>, vector<1x256xf32>
    %add3A_67 = vector.broadcast %get3A_66 : vector<1x256xf32> to vector<2000x256xf32>
    %add3A_68 = arith.addf %dot_general3A_63, %add3A_67 : vector<2000x256xf32>
    %ge3A_69 = arith.constant 0.000000e+00 : f32
    %ge3A_70 = vector.broadcast %ge3A_69 : f32 to vector<2000x256xf32>
    %ge3A_71 = arith.cmpf oge, %add3A_68, %ge3A_70 : vector<2000x256xf32>
    %mul3A_72 = arith.constant 0.229166672 : f32
    %mul3A_73 = vector.broadcast %mul3A_72 : f32 to vector<2000x256xf32>
    %mul3A_74 = arith.mulf %add3A_68, %mul3A_73 : vector<2000x256xf32>
    %select_n3A_75 = arith.select %ge3A_71, %add3A_68, %mul3A_74 : vector<2000x256xi1>, vector<2000x256xf32>
    %get3A_76 = arith.constant 0 : index
    %get3A_77 = arith.constant 0 : index
    %get3A_78 = vector.load %arg14[%get3A_76, %get3A_77] : memref<128x256xf32, #tpu.memory_space<vmem>>, vector<128x256xf32>
    %dot_general3A_79 = arith.constant dense<0.000000e+00> : vector<2000x128xf32>
    %dot_general3A_80 = tpu.matmul %select_n3A_75, %get3A_78, %dot_general3A_79 {dimension_numbers = #tpu.dot_dimension_numbers<[1], [1], [0], [0], [0, 0, 1, 0], [], []>, transpose_lhs_hint = false} : vector<2000x256xf32>, vector<128x256xf32>, vector<2000x128xf32> -> vector<2000x128xf32>
    %get3A_81 = arith.constant 0 : index
    %get3A_82 = arith.constant 0 : index
    %get3A_83 = vector.load %arg15[%get3A_81, %get3A_82] : memref<1x128xf32, #tpu.memory_space<vmem>>, vector<1x128xf32>
    %add3A_84 = vector.broadcast %get3A_83 : vector<1x128xf32> to vector<2000x128xf32>
    %add3A_85 = arith.addf %dot_general3A_80, %add3A_84 : vector<2000x128xf32>
    %swap3A = arith.constant 0 : index
    %swap3A_86 = arith.constant 0 : index
    %swap3A_87 = vector.load %arg16[%swap3A, %swap3A_86] : memref<2000x128xf32, #tpu.memory_space<vmem>>, vector<2000x128xf32>
    tpu.vector_store %arg16[%swap3A, %swap3A_86], %add3A_85 {strides = array<i32>} : memref<2000x128xf32, #tpu.memory_space<vmem>>, vector<2000x128xf32>,
    %add3A_88 = arith.addf %add3A_29, %add3A_85 : vector<2000x128xf32>
    %swap3A_89 = arith.constant 0 : index
    %swap3A_90 = arith.constant 0 : index
    %swap3A_91 = vector.load %arg17[%swap3A_89, %swap3A_90] : memref<2000x128xf32, #tpu.memory_space<vmem>>, vector<2000x128xf32>
    tpu.vector_store %arg17[%swap3A_89, %swap3A_90], %add3A_88 {strides = array<i32>} : memref<2000x128xf32, #tpu.memory_space<vmem>>, vector<2000x128xf32>,
    return
  }
  func.func @transform_0(%arg0: i32) -> (i32, i32) {
    %c0_i32 = arith.constant 0 : i32
    %c0_i32_0 = arith.constant 0 : i32
    return %arg0, %c0_i32 : i32, i32
  }
  func.func @transform_1(%arg0: i32) -> (i32, i32) {
    %c0_i32 = arith.constant 0 : i32
    %c0_i32_0 = arith.constant 0 : i32
    return %arg0, %c0_i32 : i32, i32
  }
  func.func @transform_2(%arg0: i32) -> (i32, i32) {
    %c0_i32 = arith.constant 0 : i32
    %c0_i32_0 = arith.constant 0 : i32
    return %arg0, %c0_i32 : i32, i32
  }
  func.func @transform_3(%arg0: i32) -> (i32, i32) {
    %c0_i32 = arith.constant 0 : i32
    %c0_i32_0 = arith.constant 0 : i32
    %c0_i32_1 = arith.constant 0 : i32
    return %c0_i32, %c0_i32_0 : i32, i32
  }
  func.func @transform_4(%arg0: i32) -> (i32, i32) {
    %c0_i32 = arith.constant 0 : i32
    %c0_i32_0 = arith.constant 0 : i32
    %c0_i32_1 = arith.constant 0 : i32
    return %c0_i32, %c0_i32_0 : i32, i32
  }
  func.func @transform_5(%arg0: i32) -> (i32, i32) {
    %c0_i32 = arith.constant 0 : i32
    %c0_i32_0 = arith.constant 0 : i32
    %c0_i32_1 = arith.constant 0 : i32
    return %c0_i32, %c0_i32_0 : i32, i32
  }
  func.func @transform_6(%arg0: i32) -> (i32, i32) {
    %c0_i32 = arith.constant 0 : i32
    %c0_i32_0 = arith.constant 0 : i32
    %c0_i32_1 = arith.constant 0 : i32
    return %c0_i32, %c0_i32_0 : i32, i32
  }
  func.func @transform_7(%arg0: i32) -> (i32, i32) {
    %c0_i32 = arith.constant 0 : i32
    %c0_i32_0 = arith.constant 0 : i32
    %c0_i32_1 = arith.constant 0 : i32
    return %c0_i32, %c0_i32_0 : i32, i32
  }
  func.func @transform_8(%arg0: i32) -> (i32, i32) {
    %c0_i32 = arith.constant 0 : i32
    %c0_i32_0 = arith.constant 0 : i32
    %c0_i32_1 = arith.constant 0 : i32
    return %c0_i32, %c0_i32_0 : i32, i32
  }
  func.func @transform_9(%arg0: i32) -> (i32, i32) {
    %c0_i32 = arith.constant 0 : i32
    %c0_i32_0 = arith.constant 0 : i32
    %c0_i32_1 = arith.constant 0 : i32
    return %c0_i32, %c0_i32_0 : i32, i32
  }
  func.func @transform_10(%arg0: i32) -> (i32, i32) {
    %c0_i32 = arith.constant 0 : i32
    %c0_i32_0 = arith.constant 0 : i32
    %c0_i32_1 = arith.constant 0 : i32
    return %c0_i32, %c0_i32_0 : i32, i32
  }
  func.func @transform_11(%arg0: i32) -> (i32, i32) {
    %c0_i32 = arith.constant 0 : i32
    %c0_i32_0 = arith.constant 0 : i32
    %c0_i32_1 = arith.constant 0 : i32
    return %c0_i32, %c0_i32_0 : i32, i32
  }
  func.func @transform_12(%arg0: i32) -> (i32, i32) {
    %c0_i32 = arith.constant 0 : i32
    %c0_i32_0 = arith.constant 0 : i32
    %c0_i32_1 = arith.constant 0 : i32
    return %c0_i32, %c0_i32_0 : i32, i32
  }
  func.func @transform_13(%arg0: i32) -> (i32, i32) {
    %c0_i32 = arith.constant 0 : i32
    %c0_i32_0 = arith.constant 0 : i32
    %c0_i32_1 = arith.constant 0 : i32
    return %c0_i32, %c0_i32_0 : i32, i32
  }
  func.func @transform_14(%arg0: i32) -> (i32, i32) {
    %c0_i32 = arith.constant 0 : i32
    %c0_i32_0 = arith.constant 0 : i32
    %c0_i32_1 = arith.constant 0 : i32
    return %c0_i32, %c0_i32_0 : i32, i32
  }
  func.func @transform_15(%arg0: i32) -> (i32, i32) {
    %c0_i32 = arith.constant 0 : i32
    %c0_i32_0 = arith.constant 0 : i32
    return %arg0, %c0_i32 : i32, i32
  }
  func.func @transform_16(%arg0: i32) -> (i32, i32) {
    %c0_i32 = arith.constant 0 : i32
    %c0_i32_0 = arith.constant 0 : i32
    return %arg0, %c0_i32 : i32, i32
  }
}

module attributes {stable_mosaic.version = 14 : i64} {
  func.func @body(%arg0: i32, %arg1: memref<5000x32xf32, #tpu.memory_space<vmem>>, %arg2: memref<5000x32xf32, #tpu.memory_space<vmem>>, %arg3: memref<5000x32xf32, #tpu.memory_space<vmem>>, %arg4: memref<5000x32xf32, #tpu.memory_space<vmem>>, %arg5: memref<64x32xf32, #tpu.memory_space<vmem>>, %arg6: memref<64x32xf32, #tpu.memory_space<vmem>>, %arg7: memref<1x64xf32, #tpu.memory_space<vmem>>, %arg8: memref<64x64xf32, #tpu.memory_space<vmem>>, %arg9: memref<1x64xf32, #tpu.memory_space<vmem>>, %arg10: memref<32x64xf32, #tpu.memory_space<vmem>>, %arg11: memref<1x32xf32, #tpu.memory_space<vmem>>, %arg12: memref<5000x32xf32, #tpu.memory_space<vmem>>) attributes {dimension_semantics = [#tpu.dimension_semantics<arbitrary>], iteration_bounds = array<i64: 10>, scalar_prefetch = 0 : i64, scratch_operands = 0 : i64, tpu.core_type = #tpu.core_type<tc>, window_params = [{transform_indices = @transform_0, window_bounds = array<i64: 5000, 32>}, {transform_indices = @transform_1, window_bounds = array<i64: 5000, 32>}, {transform_indices = @transform_2, window_bounds = array<i64: 5000, 32>}, {transform_indices = @transform_3, window_bounds = array<i64: 5000, 32>}, {pipeline_mode = #tpu.pipeline_mode<synchronous>, transform_indices = @transform_4, window_bounds = array<i64: 64, 32>}, {pipeline_mode = #tpu.pipeline_mode<synchronous>, transform_indices = @transform_5, window_bounds = array<i64: 64, 32>}, {pipeline_mode = #tpu.pipeline_mode<synchronous>, transform_indices = @transform_6, window_bounds = array<i64: 1, 64>}, {pipeline_mode = #tpu.pipeline_mode<synchronous>, transform_indices = @transform_7, window_bounds = array<i64: 64, 64>}, {pipeline_mode = #tpu.pipeline_mode<synchronous>, transform_indices = @transform_8, window_bounds = array<i64: 1, 64>}, {pipeline_mode = #tpu.pipeline_mode<synchronous>, transform_indices = @transform_9, window_bounds = array<i64: 32, 64>}, {pipeline_mode = #tpu.pipeline_mode<synchronous>, transform_indices = @transform_10, window_bounds = array<i64: 1, 32>}, {transform_indices = @transform_11, window_bounds = array<i64: 5000, 32>}]} {
    %get3A = arith.constant 0 : index
    %get3A_0 = arith.constant 0 : index
    %get3A_1 = vector.load %arg1[%get3A, %get3A_0] : memref<5000x32xf32, #tpu.memory_space<vmem>>, vector<5000x32xf32>
    %get3A_2 = arith.constant 0 : index
    %get3A_3 = arith.constant 0 : index
    %get3A_4 = vector.load %arg2[%get3A_2, %get3A_3] : memref<5000x32xf32, #tpu.memory_space<vmem>>, vector<5000x32xf32>
    %jit3A = arith.constant 1.000000e+00 : f32
    %max3A = vector.broadcast %jit3A : f32 to vector<5000x32xf32>
    %max3A_5 = arith.maximumf %max3A, %get3A_4 : vector<5000x32xf32>
    %div3A = arith.divf %get3A_1, %max3A_5 : vector<5000x32xf32>
    %get3A_6 = arith.constant 0 : index
    %get3A_7 = arith.constant 0 : index
    %get3A_8 = vector.load %arg5[%get3A_6, %get3A_7] : memref<64x32xf32, #tpu.memory_space<vmem>>, vector<64x32xf32>
    %dot_general3A = arith.constant dense<0.000000e+00> : vector<5000x64xf32>
    %dot_general3A_9 = tpu.matmul %div3A, %get3A_8, %dot_general3A {dimension_numbers = #tpu.dot_dimension_numbers<[1], [1], [0], [0], [0, 0, 1, 0], [], []>, transpose_lhs_hint = false} : vector<5000x32xf32>, vector<64x32xf32>, vector<5000x64xf32> -> vector<5000x64xf32>
    %get3A_10 = arith.constant 0 : index
    %get3A_11 = arith.constant 0 : index
    %get3A_12 = vector.load %arg4[%get3A_10, %get3A_11] : memref<5000x32xf32, #tpu.memory_space<vmem>>, vector<5000x32xf32>
    %get3A_13 = arith.constant 0 : index
    %get3A_14 = arith.constant 0 : index
    %get3A_15 = vector.load %arg6[%get3A_13, %get3A_14] : memref<64x32xf32, #tpu.memory_space<vmem>>, vector<64x32xf32>
    %dot_general3A_16 = arith.constant dense<0.000000e+00> : vector<5000x64xf32>
    %dot_general3A_17 = tpu.matmul %get3A_12, %get3A_15, %dot_general3A_16 {dimension_numbers = #tpu.dot_dimension_numbers<[1], [1], [0], [0], [0, 0, 1, 0], [], []>, transpose_lhs_hint = false} : vector<5000x32xf32>, vector<64x32xf32>, vector<5000x64xf32> -> vector<5000x64xf32>
    %add3A = arith.addf %dot_general3A_9, %dot_general3A_17 : vector<5000x64xf32>
    %get3A_18 = arith.constant 0 : index
    %get3A_19 = arith.constant 0 : index
    %get3A_20 = vector.load %arg7[%get3A_18, %get3A_19] : memref<1x64xf32, #tpu.memory_space<vmem>>, vector<1x64xf32>
    %add3A_21 = vector.broadcast %get3A_20 : vector<1x64xf32> to vector<5000x64xf32>
    %add3A_22 = arith.addf %add3A, %add3A_21 : vector<5000x64xf32>
    %ge3A = arith.constant 0.000000e+00 : f32
    %ge3A_23 = vector.broadcast %ge3A : f32 to vector<5000x64xf32>
    %ge3A_24 = arith.cmpf oge, %add3A_22, %ge3A_23 : vector<5000x64xf32>
    %mul3A = arith.constant 0.229166672 : f32
    %mul3A_25 = vector.broadcast %mul3A : f32 to vector<5000x64xf32>
    %mul3A_26 = arith.mulf %add3A_22, %mul3A_25 : vector<5000x64xf32>
    %select_n3A = arith.select %ge3A_24, %add3A_22, %mul3A_26 : vector<5000x64xi1>, vector<5000x64xf32>
    %get3A_27 = arith.constant 0 : index
    %get3A_28 = arith.constant 0 : index
    %get3A_29 = vector.load %arg8[%get3A_27, %get3A_28] : memref<64x64xf32, #tpu.memory_space<vmem>>, vector<64x64xf32>
    %dot_general3A_30 = arith.constant dense<0.000000e+00> : vector<5000x64xf32>
    %dot_general3A_31 = tpu.matmul %select_n3A, %get3A_29, %dot_general3A_30 {dimension_numbers = #tpu.dot_dimension_numbers<[1], [1], [0], [0], [0, 0, 1, 0], [], []>, transpose_lhs_hint = false} : vector<5000x64xf32>, vector<64x64xf32>, vector<5000x64xf32> -> vector<5000x64xf32>
    %get3A_32 = arith.constant 0 : index
    %get3A_33 = arith.constant 0 : index
    %get3A_34 = vector.load %arg9[%get3A_32, %get3A_33] : memref<1x64xf32, #tpu.memory_space<vmem>>, vector<1x64xf32>
    %add3A_35 = vector.broadcast %get3A_34 : vector<1x64xf32> to vector<5000x64xf32>
    %add3A_36 = arith.addf %dot_general3A_31, %add3A_35 : vector<5000x64xf32>
    %ge3A_37 = arith.constant 0.000000e+00 : f32
    %ge3A_38 = vector.broadcast %ge3A_37 : f32 to vector<5000x64xf32>
    %ge3A_39 = arith.cmpf oge, %add3A_36, %ge3A_38 : vector<5000x64xf32>
    %mul3A_40 = arith.constant 0.229166672 : f32
    %mul3A_41 = vector.broadcast %mul3A_40 : f32 to vector<5000x64xf32>
    %mul3A_42 = arith.mulf %add3A_36, %mul3A_41 : vector<5000x64xf32>
    %select_n3A_43 = arith.select %ge3A_39, %add3A_36, %mul3A_42 : vector<5000x64xi1>, vector<5000x64xf32>
    %get3A_44 = arith.constant 0 : index
    %get3A_45 = arith.constant 0 : index
    %get3A_46 = vector.load %arg10[%get3A_44, %get3A_45] : memref<32x64xf32, #tpu.memory_space<vmem>>, vector<32x64xf32>
    %dot_general3A_47 = arith.constant dense<0.000000e+00> : vector<5000x32xf32>
    %dot_general3A_48 = tpu.matmul %select_n3A_43, %get3A_46, %dot_general3A_47 {dimension_numbers = #tpu.dot_dimension_numbers<[1], [1], [0], [0], [0, 0, 1, 0], [], []>, transpose_lhs_hint = false} : vector<5000x64xf32>, vector<32x64xf32>, vector<5000x32xf32> -> vector<5000x32xf32>
    %get3A_49 = arith.constant 0 : index
    %get3A_50 = arith.constant 0 : index
    %get3A_51 = vector.load %arg11[%get3A_49, %get3A_50] : memref<1x32xf32, #tpu.memory_space<vmem>>, vector<1x32xf32>
    %add3A_52 = vector.broadcast %get3A_51 : vector<1x32xf32> to vector<5000x32xf32>
    %add3A_53 = arith.addf %dot_general3A_48, %add3A_52 : vector<5000x32xf32>
    %get3A_54 = arith.constant 0 : index
    %get3A_55 = arith.constant 0 : index
    %get3A_56 = vector.load %arg3[%get3A_54, %get3A_55] : memref<5000x32xf32, #tpu.memory_space<vmem>>, vector<5000x32xf32>
    %add3A_57 = arith.addf %get3A_56, %add3A_53 : vector<5000x32xf32>
    %swap3A = arith.constant 0 : index
    %swap3A_58 = arith.constant 0 : index
    %swap3A_59 = vector.load %arg12[%swap3A, %swap3A_58] : memref<5000x32xf32, #tpu.memory_space<vmem>>, vector<5000x32xf32>
    tpu.vector_store %arg12[%swap3A, %swap3A_58], %add3A_57 {strides = array<i32>} : memref<5000x32xf32, #tpu.memory_space<vmem>>, vector<5000x32xf32>,
    return
  }
  func.func @transform_0(%arg0: i32) -> (i32, i32) {
    %c0_i32 = arith.constant 0 : i32
    %c0_i32_0 = arith.constant 0 : i32
    return %arg0, %c0_i32 : i32, i32
  }
  func.func @transform_1(%arg0: i32) -> (i32, i32) {
    %c0_i32 = arith.constant 0 : i32
    %c0_i32_0 = arith.constant 0 : i32
    return %arg0, %c0_i32 : i32, i32
  }
  func.func @transform_2(%arg0: i32) -> (i32, i32) {
    %c0_i32 = arith.constant 0 : i32
    %c0_i32_0 = arith.constant 0 : i32
    return %arg0, %c0_i32 : i32, i32
  }
  func.func @transform_3(%arg0: i32) -> (i32, i32) {
    %c0_i32 = arith.constant 0 : i32
    %c0_i32_0 = arith.constant 0 : i32
    return %arg0, %c0_i32 : i32, i32
  }
  func.func @transform_4(%arg0: i32) -> (i32, i32) {
    %c0_i32 = arith.constant 0 : i32
    %c0_i32_0 = arith.constant 0 : i32
    %c0_i32_1 = arith.constant 0 : i32
    return %c0_i32, %c0_i32_0 : i32, i32
  }
  func.func @transform_5(%arg0: i32) -> (i32, i32) {
    %c0_i32 = arith.constant 0 : i32
    %c0_i32_0 = arith.constant 0 : i32
    %c0_i32_1 = arith.constant 0 : i32
    return %c0_i32, %c0_i32_0 : i32, i32
  }
  func.func @transform_6(%arg0: i32) -> (i32, i32) {
    %c0_i32 = arith.constant 0 : i32
    %c0_i32_0 = arith.constant 0 : i32
    %c0_i32_1 = arith.constant 0 : i32
    return %c0_i32, %c0_i32_0 : i32, i32
  }
  func.func @transform_7(%arg0: i32) -> (i32, i32) {
    %c0_i32 = arith.constant 0 : i32
    %c0_i32_0 = arith.constant 0 : i32
    %c0_i32_1 = arith.constant 0 : i32
    return %c0_i32, %c0_i32_0 : i32, i32
  }
  func.func @transform_8(%arg0: i32) -> (i32, i32) {
    %c0_i32 = arith.constant 0 : i32
    %c0_i32_0 = arith.constant 0 : i32
    %c0_i32_1 = arith.constant 0 : i32
    return %c0_i32, %c0_i32_0 : i32, i32
  }
  func.func @transform_9(%arg0: i32) -> (i32, i32) {
    %c0_i32 = arith.constant 0 : i32
    %c0_i32_0 = arith.constant 0 : i32
    %c0_i32_1 = arith.constant 0 : i32
    return %c0_i32, %c0_i32_0 : i32, i32
  }
  func.func @transform_10(%arg0: i32) -> (i32, i32) {
    %c0_i32 = arith.constant 0 : i32
    %c0_i32_0 = arith.constant 0 : i32
    %c0_i32_1 = arith.constant 0 : i32
    return %c0_i32, %c0_i32_0 : i32, i32
  }
  func.func @transform_11(%arg0: i32) -> (i32, i32) {
    %c0_i32 = arith.constant 0 : i32
    %c0_i32_0 = arith.constant 0 : i32
    return %arg0, %c0_i32 : i32, i32
  }
}

module attributes {stable_mosaic.version = 14 : i64} {
  func.func @body(%arg0: i32, %arg1: memref<5000x32xf32, #tpu.memory_space<vmem>>, %arg2: memref<64x32xf32, #tpu.memory_space<vmem>>, %arg3: memref<1x64xf32, #tpu.memory_space<vmem>>, %arg4: memref<32x64xf32, #tpu.memory_space<vmem>>, %arg5: memref<1x32xf32, #tpu.memory_space<vmem>>, %arg6: memref<5000x32xf32, #tpu.memory_space<vmem>>) attributes {dimension_semantics = [#tpu.dimension_semantics<arbitrary>], iteration_bounds = array<i64: 10>, scalar_prefetch = 0 : i64, scratch_operands = 0 : i64, tpu.core_type = #tpu.core_type<tc>, window_params = [{transform_indices = @transform_0, window_bounds = array<i64: 5000, 32>}, {pipeline_mode = #tpu.pipeline_mode<synchronous>, transform_indices = @transform_1, window_bounds = array<i64: 64, 32>}, {pipeline_mode = #tpu.pipeline_mode<synchronous>, transform_indices = @transform_2, window_bounds = array<i64: 1, 64>}, {pipeline_mode = #tpu.pipeline_mode<synchronous>, transform_indices = @transform_3, window_bounds = array<i64: 32, 64>}, {pipeline_mode = #tpu.pipeline_mode<synchronous>, transform_indices = @transform_4, window_bounds = array<i64: 1, 32>}, {transform_indices = @transform_5, window_bounds = array<i64: 5000, 32>}]} {
    %get3A = arith.constant 0 : index
    %get3A_0 = arith.constant 0 : index
    %get3A_1 = vector.load %arg1[%get3A, %get3A_0] : memref<5000x32xf32, #tpu.memory_space<vmem>>, vector<5000x32xf32>
    %get3A_2 = arith.constant 0 : index
    %get3A_3 = arith.constant 0 : index
    %get3A_4 = vector.load %arg2[%get3A_2, %get3A_3] : memref<64x32xf32, #tpu.memory_space<vmem>>, vector<64x32xf32>
    %dot_general3A = arith.constant dense<0.000000e+00> : vector<5000x64xf32>
    %dot_general3A_5 = tpu.matmul %get3A_1, %get3A_4, %dot_general3A {dimension_numbers = #tpu.dot_dimension_numbers<[1], [1], [0], [0], [0, 0, 1, 0], [], []>, transpose_lhs_hint = false} : vector<5000x32xf32>, vector<64x32xf32>, vector<5000x64xf32> -> vector<5000x64xf32>
    %get3A_6 = arith.constant 0 : index
    %get3A_7 = arith.constant 0 : index
    %get3A_8 = vector.load %arg3[%get3A_6, %get3A_7] : memref<1x64xf32, #tpu.memory_space<vmem>>, vector<1x64xf32>
    %add3A = vector.broadcast %get3A_8 : vector<1x64xf32> to vector<5000x64xf32>
    %add3A_9 = arith.addf %dot_general3A_5, %add3A : vector<5000x64xf32>
    %ge3A = arith.constant 0.000000e+00 : f32
    %ge3A_10 = vector.broadcast %ge3A : f32 to vector<5000x64xf32>
    %ge3A_11 = arith.cmpf oge, %add3A_9, %ge3A_10 : vector<5000x64xf32>
    %mul3A = arith.constant 0.229166672 : f32
    %mul3A_12 = vector.broadcast %mul3A : f32 to vector<5000x64xf32>
    %mul3A_13 = arith.mulf %add3A_9, %mul3A_12 : vector<5000x64xf32>
    %select_n3A = arith.select %ge3A_11, %add3A_9, %mul3A_13 : vector<5000x64xi1>, vector<5000x64xf32>
    %get3A_14 = arith.constant 0 : index
    %get3A_15 = arith.constant 0 : index
    %get3A_16 = vector.load %arg4[%get3A_14, %get3A_15] : memref<32x64xf32, #tpu.memory_space<vmem>>, vector<32x64xf32>
    %dot_general3A_17 = arith.constant dense<0.000000e+00> : vector<5000x32xf32>
    %dot_general3A_18 = tpu.matmul %select_n3A, %get3A_16, %dot_general3A_17 {dimension_numbers = #tpu.dot_dimension_numbers<[1], [1], [0], [0], [0, 0, 1, 0], [], []>, transpose_lhs_hint = false} : vector<5000x64xf32>, vector<32x64xf32>, vector<5000x32xf32> -> vector<5000x32xf32>
    %get3A_19 = arith.constant 0 : index
    %get3A_20 = arith.constant 0 : index
    %get3A_21 = vector.load %arg5[%get3A_19, %get3A_20] : memref<1x32xf32, #tpu.memory_space<vmem>>, vector<1x32xf32>
    %add3A_22 = vector.broadcast %get3A_21 : vector<1x32xf32> to vector<5000x32xf32>
    %add3A_23 = arith.addf %dot_general3A_18, %add3A_22 : vector<5000x32xf32>
    %swap3A = arith.constant 0 : index
    %swap3A_24 = arith.constant 0 : index
    %swap3A_25 = vector.load %arg6[%swap3A, %swap3A_24] : memref<5000x32xf32, #tpu.memory_space<vmem>>, vector<5000x32xf32>
    tpu.vector_store %arg6[%swap3A, %swap3A_24], %add3A_23 {strides = array<i32>} : memref<5000x32xf32, #tpu.memory_space<vmem>>, vector<5000x32xf32>,
    return
  }
  func.func @transform_0(%arg0: i32) -> (i32, i32) {
    %c0_i32 = arith.constant 0 : i32
    %c0_i32_0 = arith.constant 0 : i32
    return %arg0, %c0_i32 : i32, i32
  }
  func.func @transform_1(%arg0: i32) -> (i32, i32) {
    %c0_i32 = arith.constant 0 : i32
    %c0_i32_0 = arith.constant 0 : i32
    %c0_i32_1 = arith.constant 0 : i32
    return %c0_i32, %c0_i32_0 : i32, i32
  }
  func.func @transform_2(%arg0: i32) -> (i32, i32) {
    %c0_i32 = arith.constant 0 : i32
    %c0_i32_0 = arith.constant 0 : i32
    %c0_i32_1 = arith.constant 0 : i32
    return %c0_i32, %c0_i32_0 : i32, i32
  }
  func.func @transform_3(%arg0: i32) -> (i32, i32) {
    %c0_i32 = arith.constant 0 : i32
    %c0_i32_0 = arith.constant 0 : i32
    %c0_i32_1 = arith.constant 0 : i32
    return %c0_i32, %c0_i32_0 : i32, i32
  }
  func.func @transform_4(%arg0: i32) -> (i32, i32) {
    %c0_i32 = arith.constant 0 : i32
    %c0_i32_0 = arith.constant 0 : i32
    %c0_i32_1 = arith.constant 0 : i32
    return %c0_i32, %c0_i32_0 : i32, i32
  }
  func.func @transform_5(%arg0: i32) -> (i32, i32) {
    %c0_i32 = arith.constant 0 : i32
    %c0_i32_0 = arith.constant 0 : i32
    return %arg0, %c0_i32 : i32, i32
  }
}

module attributes {stable_mosaic.version = 14 : i64} {
  func.func @body(%arg0: i32, %arg1: memref<2000x128xf32, #tpu.memory_space<vmem>>, %arg2: memref<2000x128xf32, #tpu.memory_space<vmem>>, %arg3: memref<2000x128xf32, #tpu.memory_space<vmem>>, %arg4: memref<256x128xf32, #tpu.memory_space<vmem>>, %arg5: memref<1x256xf32, #tpu.memory_space<vmem>>, %arg6: memref<128x256xf32, #tpu.memory_space<vmem>>, %arg7: memref<1x128xf32, #tpu.memory_space<vmem>>, %arg8: memref<256x128xf32, #tpu.memory_space<vmem>>, %arg9: memref<256x128xf32, #tpu.memory_space<vmem>>, %arg10: memref<256x128xf32, #tpu.memory_space<vmem>>, %arg11: memref<1x256xf32, #tpu.memory_space<vmem>>, %arg12: memref<256x256xf32, #tpu.memory_space<vmem>>, %arg13: memref<1x256xf32, #tpu.memory_space<vmem>>, %arg14: memref<128x256xf32, #tpu.memory_space<vmem>>, %arg15: memref<1x128xf32, #tpu.memory_space<vmem>>, %arg16: memref<2000x128xf32, #tpu.memory_space<vmem>>, %arg17: memref<2000x128xf32, #tpu.memory_space<vmem>>) attributes {dimension_semantics = [#tpu.dimension_semantics<arbitrary>], iteration_bounds = array<i64: 100>, scalar_prefetch = 0 : i64, scratch_operands = 0 : i64, tpu.core_type = #tpu.core_type<tc>, window_params = [{transform_indices = @transform_0, window_bounds = array<i64: 2000, 128>}, {transform_indices = @transform_1, window_bounds = array<i64: 2000, 128>}, {transform_indices = @transform_2, window_bounds = array<i64: 2000, 128>}, {pipeline_mode = #tpu.pipeline_mode<synchronous>, transform_indices = @transform_3, window_bounds = array<i64: 256, 128>}, {pipeline_mode = #tpu.pipeline_mode<synchronous>, transform_indices = @transform_4, window_bounds = array<i64: 1, 256>}, {pipeline_mode = #tpu.pipeline_mode<synchronous>, transform_indices = @transform_5, window_bounds = array<i64: 128, 256>}, {pipeline_mode = #tpu.pipeline_mode<synchronous>, transform_indices = @transform_6, window_bounds = array<i64: 1, 128>}, {pipeline_mode = #tpu.pipeline_mode<synchronous>, transform_indices = @transform_7, window_bounds = array<i64: 256, 128>}, {pipeline_mode = #tpu.pipeline_mode<synchronous>, transform_indices = @transform_8, window_bounds = array<i64: 256, 128>}, {pipeline_mode = #tpu.pipeline_mode<synchronous>, transform_indices = @transform_9, window_bounds = array<i64: 256, 128>}, {pipeline_mode = #tpu.pipeline_mode<synchronous>, transform_indices = @transform_10, window_bounds = array<i64: 1, 256>}, {pipeline_mode = #tpu.pipeline_mode<synchronous>, transform_indices = @transform_11, window_bounds = array<i64: 256, 256>}, {pipeline_mode = #tpu.pipeline_mode<synchronous>, transform_indices = @transform_12, window_bounds = array<i64: 1, 256>}, {pipeline_mode = #tpu.pipeline_mode<synchronous>, transform_indices = @transform_13, window_bounds = array<i64: 128, 256>}, {pipeline_mode = #tpu.pipeline_mode<synchronous>, transform_indices = @transform_14, window_bounds = array<i64: 1, 128>}, {transform_indices = @transform_15, window_bounds = array<i64: 2000, 128>}, {transform_indices = @transform_16, window_bounds = array<i64: 2000, 128>}]} {
    %get3A = arith.constant 0 : index
    %get3A_0 = arith.constant 0 : index
    %get3A_1 = vector.load %arg1[%get3A, %get3A_0] : memref<2000x128xf32, #tpu.memory_space<vmem>>, vector<2000x128xf32>
    %get3A_2 = arith.constant 0 : index
    %get3A_3 = arith.constant 0 : index
    %get3A_4 = vector.load %arg2[%get3A_2, %get3A_3] : memref<2000x128xf32, #tpu.memory_space<vmem>>, vector<2000x128xf32>
    %get3A_5 = arith.constant 0 : index
    %get3A_6 = arith.constant 0 : index
    %get3A_7 = vector.load %arg3[%get3A_5, %get3A_6] : memref<2000x128xf32, #tpu.memory_space<vmem>>, vector<2000x128xf32>
    %get3A_8 = arith.constant 0 : index
    %get3A_9 = arith.constant 0 : index
    %get3A_10 = vector.load %arg4[%get3A_8, %get3A_9] : memref<256x128xf32, #tpu.memory_space<vmem>>, vector<256x128xf32>
    %dot_general3A = arith.constant dense<0.000000e+00> : vector<2000x256xf32>
    %dot_general3A_11 = tpu.matmul %get3A_1, %get3A_10, %dot_general3A {dimension_numbers = #tpu.dot_dimension_numbers<[1], [1], [0], [0], [0, 0, 1, 0], [], []>, transpose_lhs_hint = false} : vector<2000x128xf32>, vector<256x128xf32>, vector<2000x256xf32> -> vector<2000x256xf32>
    %get3A_12 = arith.constant 0 : index
    %get3A_13 = arith.constant 0 : index
    %get3A_14 = vector.load %arg5[%get3A_12, %get3A_13] : memref<1x256xf32, #tpu.memory_space<vmem>>, vector<1x256xf32>
    %add3A = vector.broadcast %get3A_14 : vector<1x256xf32> to vector<2000x256xf32>
    %add3A_15 = arith.addf %dot_general3A_11, %add3A : vector<2000x256xf32>
    %ge3A = arith.constant 0.000000e+00 : f32
    %ge3A_16 = vector.broadcast %ge3A : f32 to vector<2000x256xf32>
    %ge3A_17 = arith.cmpf oge, %add3A_15, %ge3A_16 : vector<2000x256xf32>
    %mul3A = arith.constant 0.229166672 : f32
    %mul3A_18 = vector.broadcast %mul3A : f32 to vector<2000x256xf32>
    %mul3A_19 = arith.mulf %add3A_15, %mul3A_18 : vector<2000x256xf32>
    %select_n3A = arith.select %ge3A_17, %add3A_15, %mul3A_19 : vector<2000x256xi1>, vector<2000x256xf32>
    %get3A_20 = arith.constant 0 : index
    %get3A_21 = arith.constant 0 : index
    %get3A_22 = vector.load %arg6[%get3A_20, %get3A_21] : memref<128x256xf32, #tpu.memory_space<vmem>>, vector<128x256xf32>
    %dot_general3A_23 = arith.constant dense<0.000000e+00> : vector<2000x128xf32>
    %dot_general3A_24 = tpu.matmul %select_n3A, %get3A_22, %dot_general3A_23 {dimension_numbers = #tpu.dot_dimension_numbers<[1], [1], [0], [0], [0, 0, 1, 0], [], []>, transpose_lhs_hint = false} : vector<2000x256xf32>, vector<128x256xf32>, vector<2000x128xf32> -> vector<2000x128xf32>
    %get3A_25 = arith.constant 0 : index
    %get3A_26 = arith.constant 0 : index
    %get3A_27 = vector.load %arg7[%get3A_25, %get3A_26] : memref<1x128xf32, #tpu.memory_space<vmem>>, vector<1x128xf32>
    %add3A_28 = vector.broadcast %get3A_27 : vector<1x128xf32> to vector<2000x128xf32>
    %add3A_29 = arith.addf %dot_general3A_24, %add3A_28 : vector<2000x128xf32>
    %get3A_30 = arith.constant 0 : index
    %get3A_31 = arith.constant 0 : index
    %get3A_32 = vector.load %arg8[%get3A_30, %get3A_31] : memref<256x128xf32, #tpu.memory_space<vmem>>, vector<256x128xf32>
    %dot_general3A_33 = arith.constant dense<0.000000e+00> : vector<2000x256xf32>
    %dot_general3A_34 = tpu.matmul %get3A_4, %get3A_32, %dot_general3A_33 {dimension_numbers = #tpu.dot_dimension_numbers<[1], [1], [0], [0], [0, 0, 1, 0], [], []>, transpose_lhs_hint = false} : vector<2000x128xf32>, vector<256x128xf32>, vector<2000x256xf32> -> vector<2000x256xf32>
    %get3A_35 = arith.constant 0 : index
    %get3A_36 = arith.constant 0 : index
    %get3A_37 = vector.load %arg9[%get3A_35, %get3A_36] : memref<256x128xf32, #tpu.memory_space<vmem>>, vector<256x128xf32>
    %dot_general3A_38 = arith.constant dense<0.000000e+00> : vector<2000x256xf32>
    %dot_general3A_39 = tpu.matmul %get3A_7, %get3A_37, %dot_general3A_38 {dimension_numbers = #tpu.dot_dimension_numbers<[1], [1], [0], [0], [0, 0, 1, 0], [], []>, transpose_lhs_hint = false} : vector<2000x128xf32>, vector<256x128xf32>, vector<2000x256xf32> -> vector<2000x256xf32>
    %add3A_40 = arith.addf %dot_general3A_34, %dot_general3A_39 : vector<2000x256xf32>
    %get3A_41 = arith.constant 0 : index
    %get3A_42 = arith.constant 0 : index
    %get3A_43 = vector.load %arg10[%get3A_41, %get3A_42] : memref<256x128xf32, #tpu.memory_space<vmem>>, vector<256x128xf32>
    %dot_general3A_44 = arith.constant dense<0.000000e+00> : vector<2000x256xf32>
    %dot_general3A_45 = tpu.matmul %add3A_29, %get3A_43, %dot_general3A_44 {dimension_numbers = #tpu.dot_dimension_numbers<[1], [1], [0], [0], [0, 0, 1, 0], [], []>, transpose_lhs_hint = false} : vector<2000x128xf32>, vector<256x128xf32>, vector<2000x256xf32> -> vector<2000x256xf32>
    %add3A_46 = arith.addf %add3A_40, %dot_general3A_45 : vector<2000x256xf32>
    %get3A_47 = arith.constant 0 : index
    %get3A_48 = arith.constant 0 : index
    %get3A_49 = vector.load %arg11[%get3A_47, %get3A_48] : memref<1x256xf32, #tpu.memory_space<vmem>>, vector<1x256xf32>
    %add3A_50 = vector.broadcast %get3A_49 : vector<1x256xf32> to vector<2000x256xf32>
    %add3A_51 = arith.addf %add3A_46, %add3A_50 : vector<2000x256xf32>
    %ge3A_52 = arith.constant 0.000000e+00 : f32
    %ge3A_53 = vector.broadcast %ge3A_52 : f32 to vector<2000x256xf32>
    %ge3A_54 = arith.cmpf oge, %add3A_51, %ge3A_53 : vector<2000x256xf32>
    %mul3A_55 = arith.constant 0.229166672 : f32
    %mul3A_56 = vector.broadcast %mul3A_55 : f32 to vector<2000x256xf32>
    %mul3A_57 = arith.mulf %add3A_51, %mul3A_56 : vector<2000x256xf32>
    %select_n3A_58 = arith.select %ge3A_54, %add3A_51, %mul3A_57 : vector<2000x256xi1>, vector<2000x256xf32>
    %get3A_59 = arith.constant 0 : index
    %get3A_60 = arith.constant 0 : index
    %get3A_61 = vector.load %arg12[%get3A_59, %get3A_60] : memref<256x256xf32, #tpu.memory_space<vmem>>, vector<256x256xf32>
    %dot_general3A_62 = arith.constant dense<0.000000e+00> : vector<2000x256xf32>
    %dot_general3A_63 = tpu.matmul %select_n3A_58, %get3A_61, %dot_general3A_62 {dimension_numbers = #tpu.dot_dimension_numbers<[1], [1], [0], [0], [0, 0, 1, 0], [], []>, transpose_lhs_hint = false} : vector<2000x256xf32>, vector<256x256xf32>, vector<2000x256xf32> -> vector<2000x256xf32>
    %get3A_64 = arith.constant 0 : index
    %get3A_65 = arith.constant 0 : index
    %get3A_66 = vector.load %arg13[%get3A_64, %get3A_65] : memref<1x256xf32, #tpu.memory_space<vmem>>, vector<1x256xf32>
    %add3A_67 = vector.broadcast %get3A_66 : vector<1x256xf32> to vector<2000x256xf32>
    %add3A_68 = arith.addf %dot_general3A_63, %add3A_67 : vector<2000x256xf32>
    %ge3A_69 = arith.constant 0.000000e+00 : f32
    %ge3A_70 = vector.broadcast %ge3A_69 : f32 to vector<2000x256xf32>
    %ge3A_71 = arith.cmpf oge, %add3A_68, %ge3A_70 : vector<2000x256xf32>
    %mul3A_72 = arith.constant 0.229166672 : f32
    %mul3A_73 = vector.broadcast %mul3A_72 : f32 to vector<2000x256xf32>
    %mul3A_74 = arith.mulf %add3A_68, %mul3A_73 : vector<2000x256xf32>
    %select_n3A_75 = arith.select %ge3A_71, %add3A_68, %mul3A_74 : vector<2000x256xi1>, vector<2000x256xf32>
    %get3A_76 = arith.constant 0 : index
    %get3A_77 = arith.constant 0 : index
    %get3A_78 = vector.load %arg14[%get3A_76, %get3A_77] : memref<128x256xf32, #tpu.memory_space<vmem>>, vector<128x256xf32>
    %dot_general3A_79 = arith.constant dense<0.000000e+00> : vector<2000x128xf32>
    %dot_general3A_80 = tpu.matmul %select_n3A_75, %get3A_78, %dot_general3A_79 {dimension_numbers = #tpu.dot_dimension_numbers<[1], [1], [0], [0], [0, 0, 1, 0], [], []>, transpose_lhs_hint = false} : vector<2000x256xf32>, vector<128x256xf32>, vector<2000x128xf32> -> vector<2000x128xf32>
    %get3A_81 = arith.constant 0 : index
    %get3A_82 = arith.constant 0 : index
    %get3A_83 = vector.load %arg15[%get3A_81, %get3A_82] : memref<1x128xf32, #tpu.memory_space<vmem>>, vector<1x128xf32>
    %add3A_84 = vector.broadcast %get3A_83 : vector<1x128xf32> to vector<2000x128xf32>
    %add3A_85 = arith.addf %dot_general3A_80, %add3A_84 : vector<2000x128xf32>
    %swap3A = arith.constant 0 : index
    %swap3A_86 = arith.constant 0 : index
    %swap3A_87 = vector.load %arg16[%swap3A, %swap3A_86] : memref<2000x128xf32, #tpu.memory_space<vmem>>, vector<2000x128xf32>
    tpu.vector_store %arg16[%swap3A, %swap3A_86], %add3A_85 {strides = array<i32>} : memref<2000x128xf32, #tpu.memory_space<vmem>>, vector<2000x128xf32>,
    %add3A_88 = arith.addf %get3A_1, %add3A_85 : vector<2000x128xf32>
    %swap3A_89 = arith.constant 0 : index
    %swap3A_90 = arith.constant 0 : index
    %swap3A_91 = vector.load %arg17[%swap3A_89, %swap3A_90] : memref<2000x128xf32, #tpu.memory_space<vmem>>, vector<2000x128xf32>
    tpu.vector_store %arg17[%swap3A_89, %swap3A_90], %add3A_88 {strides = array<i32>} : memref<2000x128xf32, #tpu.memory_space<vmem>>, vector<2000x128xf32>,
    return
  }
  func.func @transform_0(%arg0: i32) -> (i32, i32) {
    %c0_i32 = arith.constant 0 : i32
    %c0_i32_0 = arith.constant 0 : i32
    return %arg0, %c0_i32 : i32, i32
  }
  func.func @transform_1(%arg0: i32) -> (i32, i32) {
    %c0_i32 = arith.constant 0 : i32
    %c0_i32_0 = arith.constant 0 : i32
    return %arg0, %c0_i32 : i32, i32
  }
  func.func @transform_2(%arg0: i32) -> (i32, i32) {
    %c0_i32 = arith.constant 0 : i32
    %c0_i32_0 = arith.constant 0 : i32
    return %arg0, %c0_i32 : i32, i32
  }
  func.func @transform_3(%arg0: i32) -> (i32, i32) {
    %c0_i32 = arith.constant 0 : i32
    %c0_i32_0 = arith.constant 0 : i32
    %c0_i32_1 = arith.constant 0 : i32
    return %c0_i32, %c0_i32_0 : i32, i32
  }
  func.func @transform_4(%arg0: i32) -> (i32, i32) {
    %c0_i32 = arith.constant 0 : i32
    %c0_i32_0 = arith.constant 0 : i32
    %c0_i32_1 = arith.constant 0 : i32
    return %c0_i32, %c0_i32_0 : i32, i32
  }
  func.func @transform_5(%arg0: i32) -> (i32, i32) {
    %c0_i32 = arith.constant 0 : i32
    %c0_i32_0 = arith.constant 0 : i32
    %c0_i32_1 = arith.constant 0 : i32
    return %c0_i32, %c0_i32_0 : i32, i32
  }
  func.func @transform_6(%arg0: i32) -> (i32, i32) {
    %c0_i32 = arith.constant 0 : i32
    %c0_i32_0 = arith.constant 0 : i32
    %c0_i32_1 = arith.constant 0 : i32
    return %c0_i32, %c0_i32_0 : i32, i32
  }
  func.func @transform_7(%arg0: i32) -> (i32, i32) {
    %c0_i32 = arith.constant 0 : i32
    %c0_i32_0 = arith.constant 0 : i32
    %c0_i32_1 = arith.constant 0 : i32
    return %c0_i32, %c0_i32_0 : i32, i32
  }
  func.func @transform_8(%arg0: i32) -> (i32, i32) {
    %c0_i32 = arith.constant 0 : i32
    %c0_i32_0 = arith.constant 0 : i32
    %c0_i32_1 = arith.constant 0 : i32
    return %c0_i32, %c0_i32_0 : i32, i32
  }
  func.func @transform_9(%arg0: i32) -> (i32, i32) {
    %c0_i32 = arith.constant 0 : i32
    %c0_i32_0 = arith.constant 0 : i32
    %c0_i32_1 = arith.constant 0 : i32
    return %c0_i32, %c0_i32_0 : i32, i32
  }
  func.func @transform_10(%arg0: i32) -> (i32, i32) {
    %c0_i32 = arith.constant 0 : i32
    %c0_i32_0 = arith.constant 0 : i32
    %c0_i32_1 = arith.constant 0 : i32
    return %c0_i32, %c0_i32_0 : i32, i32
  }
  func.func @transform_11(%arg0: i32) -> (i32, i32) {
    %c0_i32 = arith.constant 0 : i32
    %c0_i32_0 = arith.constant 0 : i32
    %c0_i32_1 = arith.constant 0 : i32
    return %c0_i32, %c0_i32_0 : i32, i32
  }
  func.func @transform_12(%arg0: i32) -> (i32, i32) {
    %c0_i32 = arith.constant 0 : i32
    %c0_i32_0 = arith.constant 0 : i32
    %c0_i32_1 = arith.constant 0 : i32
    return %c0_i32, %c0_i32_0 : i32, i32
  }
  func.func @transform_13(%arg0: i32) -> (i32, i32) {
    %c0_i32 = arith.constant 0 : i32
    %c0_i32_0 = arith.constant 0 : i32
    %c0_i32_1 = arith.constant 0 : i32
    return %c0_i32, %c0_i32_0 : i32, i32
  }
  func.func @transform_14(%arg0: i32) -> (i32, i32) {
    %c0_i32 = arith.constant 0 : i32
    %c0_i32_0 = arith.constant 0 : i32
    %c0_i32_1 = arith.constant 0 : i32
    return %c0_i32, %c0_i32_0 : i32, i32
  }
  func.func @transform_15(%arg0: i32) -> (i32, i32) {
    %c0_i32 = arith.constant 0 : i32
    %c0_i32_0 = arith.constant 0 : i32
    return %arg0, %c0_i32 : i32, i32
  }
  func.func @transform_16(%arg0: i32) -> (i32, i32) {
    %c0_i32 = arith.constant 0 : i32
    %c0_i32_0 = arith.constant 0 : i32
    return %arg0, %c0_i32 : i32, i32
  }
}

module attributes {stable_mosaic.version = 14 : i64} {
  func.func @body(%arg0: i32, %arg1: memref<64x128xf32, #tpu.memory_space<vmem>>, %arg2: memref<128x128xf32, #tpu.memory_space<vmem>>, %arg3: memref<1x128xf32, #tpu.memory_space<vmem>>, %arg4: memref<64x128xf32, #tpu.memory_space<vmem>>, %arg5: memref<1x64xf32, #tpu.memory_space<vmem>>, %arg6: memref<200x64xf32, #tpu.memory_space<vmem>>, %arg7: memref<1x200xf32, #tpu.memory_space<vmem>>, %arg8: memref<64x200xf32, #tpu.memory_space<vmem>>) attributes {dimension_semantics = [#tpu.dimension_semantics<arbitrary>], iteration_bounds = array<i64: 1>, scalar_prefetch = 0 : i64, scratch_operands = 0 : i64, tpu.core_type = #tpu.core_type<tc>, window_params = [{pipeline_mode = #tpu.pipeline_mode<synchronous>, transform_indices = @transform_0, window_bounds = array<i64: 64, 128>}, {pipeline_mode = #tpu.pipeline_mode<synchronous>, transform_indices = @transform_1, window_bounds = array<i64: 128, 128>}, {pipeline_mode = #tpu.pipeline_mode<synchronous>, transform_indices = @transform_2, window_bounds = array<i64: 1, 128>}, {pipeline_mode = #tpu.pipeline_mode<synchronous>, transform_indices = @transform_3, window_bounds = array<i64: 64, 128>}, {pipeline_mode = #tpu.pipeline_mode<synchronous>, transform_indices = @transform_4, window_bounds = array<i64: 1, 64>}, {pipeline_mode = #tpu.pipeline_mode<synchronous>, transform_indices = @transform_5, window_bounds = array<i64: 200, 64>}, {pipeline_mode = #tpu.pipeline_mode<synchronous>, transform_indices = @transform_6, window_bounds = array<i64: 1, 200>}, {pipeline_mode = #tpu.pipeline_mode<synchronous>, transform_indices = @transform_7, window_bounds = array<i64: 64, 200>}]} {
    %get3A = arith.constant 0 : index
    %get3A_0 = arith.constant 0 : index
    %get3A_1 = vector.load %arg1[%get3A, %get3A_0] : memref<64x128xf32, #tpu.memory_space<vmem>>, vector<64x128xf32>
    %get3A_2 = arith.constant 0 : index
    %get3A_3 = arith.constant 0 : index
    %get3A_4 = vector.load %arg2[%get3A_2, %get3A_3] : memref<128x128xf32, #tpu.memory_space<vmem>>, vector<128x128xf32>
    %dot_general3A = arith.constant dense<0.000000e+00> : vector<64x128xf32>
    %dot_general3A_5 = tpu.matmul %get3A_1, %get3A_4, %dot_general3A {dimension_numbers = #tpu.dot_dimension_numbers<[1], [1], [0], [0], [0, 0, 1, 0], [], []>, transpose_lhs_hint = false} : vector<64x128xf32>, vector<128x128xf32>, vector<64x128xf32> -> vector<64x128xf32>
    %get3A_6 = arith.constant 0 : index
    %get3A_7 = arith.constant 0 : index
    %get3A_8 = vector.load %arg3[%get3A_6, %get3A_7] : memref<1x128xf32, #tpu.memory_space<vmem>>, vector<1x128xf32>
    %add3A = vector.broadcast %get3A_8 : vector<1x128xf32> to vector<64x128xf32>
    %add3A_9 = arith.addf %dot_general3A_5, %add3A : vector<64x128xf32>
    %ge3A = arith.constant 0.000000e+00 : f32
    %ge3A_10 = vector.broadcast %ge3A : f32 to vector<64x128xf32>
    %ge3A_11 = arith.cmpf oge, %add3A_9, %ge3A_10 : vector<64x128xf32>
    %mul3A = arith.constant 0.229166672 : f32
    %mul3A_12 = vector.broadcast %mul3A : f32 to vector<64x128xf32>
    %mul3A_13 = arith.mulf %add3A_9, %mul3A_12 : vector<64x128xf32>
    %select_n3A = arith.select %ge3A_11, %add3A_9, %mul3A_13 : vector<64x128xi1>, vector<64x128xf32>
    %get3A_14 = arith.constant 0 : index
    %get3A_15 = arith.constant 0 : index
    %get3A_16 = vector.load %arg4[%get3A_14, %get3A_15] : memref<64x128xf32, #tpu.memory_space<vmem>>, vector<64x128xf32>
    %dot_general3A_17 = arith.constant dense<0.000000e+00> : vector<64x64xf32>
    %dot_general3A_18 = tpu.matmul %select_n3A, %get3A_16, %dot_general3A_17 {dimension_numbers = #tpu.dot_dimension_numbers<[1], [1], [0], [0], [0, 0, 1, 0], [], []>, transpose_lhs_hint = false} : vector<64x128xf32>, vector<64x128xf32>, vector<64x64xf32> -> vector<64x64xf32>
    %get3A_19 = arith.constant 0 : index
    %get3A_20 = arith.constant 0 : index
    %get3A_21 = vector.load %arg5[%get3A_19, %get3A_20] : memref<1x64xf32, #tpu.memory_space<vmem>>, vector<1x64xf32>
    %add3A_22 = vector.broadcast %get3A_21 : vector<1x64xf32> to vector<64x64xf32>
    %add3A_23 = arith.addf %dot_general3A_18, %add3A_22 : vector<64x64xf32>
    %ge3A_24 = arith.constant 0.000000e+00 : f32
    %ge3A_25 = vector.broadcast %ge3A_24 : f32 to vector<64x64xf32>
    %ge3A_26 = arith.cmpf oge, %add3A_23, %ge3A_25 : vector<64x64xf32>
    %mul3A_27 = arith.constant 0.229166672 : f32
    %mul3A_28 = vector.broadcast %mul3A_27 : f32 to vector<64x64xf32>
    %mul3A_29 = arith.mulf %add3A_23, %mul3A_28 : vector<64x64xf32>
    %select_n3A_30 = arith.select %ge3A_26, %add3A_23, %mul3A_29 : vector<64x64xi1>, vector<64x64xf32>
    %get3A_31 = arith.constant 0 : index
    %get3A_32 = arith.constant 0 : index
    %get3A_33 = vector.load %arg6[%get3A_31, %get3A_32] : memref<200x64xf32, #tpu.memory_space<vmem>>, vector<200x64xf32>
    %dot_general3A_34 = arith.constant dense<0.000000e+00> : vector<64x200xf32>
    %dot_general3A_35 = tpu.matmul %select_n3A_30, %get3A_33, %dot_general3A_34 {dimension_numbers = #tpu.dot_dimension_numbers<[1], [1], [0], [0], [0, 0, 1, 0], [], []>, transpose_lhs_hint = false} : vector<64x64xf32>, vector<200x64xf32>, vector<64x200xf32> -> vector<64x200xf32>
    %get3A_36 = arith.constant 0 : index
    %get3A_37 = arith.constant 0 : index
    %get3A_38 = vector.load %arg7[%get3A_36, %get3A_37] : memref<1x200xf32, #tpu.memory_space<vmem>>, vector<1x200xf32>
    %add3A_39 = vector.broadcast %get3A_38 : vector<1x200xf32> to vector<64x200xf32>
    %add3A_40 = arith.addf %dot_general3A_35, %add3A_39 : vector<64x200xf32>
    %swap3A = arith.constant 0 : index
    %swap3A_41 = arith.constant 0 : index
    %swap3A_42 = vector.load %arg8[%swap3A, %swap3A_41] : memref<64x200xf32, #tpu.memory_space<vmem>>, vector<64x200xf32>
    tpu.vector_store %arg8[%swap3A, %swap3A_41], %add3A_40 {strides = array<i32>} : memref<64x200xf32, #tpu.memory_space<vmem>>, vector<64x200xf32>,
    return
  }
  func.func @transform_0(%arg0: i32) -> (i32, i32) {
    %c0_i32 = arith.constant 0 : i32
    %c0_i32_0 = arith.constant 0 : i32
    %c0_i32_1 = arith.constant 0 : i32
    return %c0_i32, %c0_i32_0 : i32, i32
  }
  func.func @transform_1(%arg0: i32) -> (i32, i32) {
    %c0_i32 = arith.constant 0 : i32
    %c0_i32_0 = arith.constant 0 : i32
    %c0_i32_1 = arith.constant 0 : i32
    return %c0_i32, %c0_i32_0 : i32, i32
  }
  func.func @transform_2(%arg0: i32) -> (i32, i32) {
    %c0_i32 = arith.constant 0 : i32
    %c0_i32_0 = arith.constant 0 : i32
    %c0_i32_1 = arith.constant 0 : i32
    return %c0_i32, %c0_i32_0 : i32, i32
  }
  func.func @transform_3(%arg0: i32) -> (i32, i32) {
    %c0_i32 = arith.constant 0 : i32
    %c0_i32_0 = arith.constant 0 : i32
    %c0_i32_1 = arith.constant 0 : i32
    return %c0_i32, %c0_i32_0 : i32, i32
  }
  func.func @transform_4(%arg0: i32) -> (i32, i32) {
    %c0_i32 = arith.constant 0 : i32
    %c0_i32_0 = arith.constant 0 : i32
    %c0_i32_1 = arith.constant 0 : i32
    return %c0_i32, %c0_i32_0 : i32, i32
  }
  func.func @transform_5(%arg0: i32) -> (i32, i32) {
    %c0_i32 = arith.constant 0 : i32
    %c0_i32_0 = arith.constant 0 : i32
    %c0_i32_1 = arith.constant 0 : i32
    return %c0_i32, %c0_i32_0 : i32, i32
  }
  func.func @transform_6(%arg0: i32) -> (i32, i32) {
    %c0_i32 = arith.constant 0 : i32
    %c0_i32_0 = arith.constant 0 : i32
    %c0_i32_1 = arith.constant 0 : i32
    return %c0_i32, %c0_i32_0 : i32, i32
  }
  func.func @transform_7(%arg0: i32) -> (i32, i32) {
    %c0_i32 = arith.constant 0 : i32
    %c0_i32_0 = arith.constant 0 : i32
    %c0_i32_1 = arith.constant 0 : i32
    return %c0_i32, %c0_i32_0 : i32, i32
  }
}

</mosaic_0001>

<sc_bundles>
// kernel: kernel.19.cloned.1.call-start
scs
__scs_entry_jumppad:
0x0: {  	(pc) =	sbr.rel $0x88, $3  }
0x1: {  	(tag) =	ssettag $0x0;
	lr =	simm.s32 $0x1  }
0x2: {  	[smem:$0x3F5B] =	sst lr;
	_ =	strace $0xD0000000  }
0x3: {  	_ = 	snop  }
0x4: {  	_ = 	snop  }
0x5: {  	_ = 	snop  }
0x6: {  	_ = 	snop  }
0x7: {  	_ = 	snop  }
__scs_overlays_trampoline_lowered:
0x8: {  	[smem:$0x3F6A] =	sst s0  }
0x9: {  	[smem:$0x3F6B] =	sst s1  }
0xa: {  	[smem:$0x3F6C] =	sst s2  }
0xb: {  	[smem:$0x3F6D] =	sst s3  }
0xc: {  	[smem:$0x3F6E] =	sst s4  }
0xd: {  	[smem:$0x3F6F] =	sst s5  }
0xe: {  	[smem:$0x3F70] =	sst s6  }
0xf: {  	[smem:$0x3F71] =	sst s7  }
0x10: {  	[smem:$0x3F72] =	sst s8  }
0x11: {  	[smem:$0x3F73] =	sst s9;
	s0 =	simm.s32 @!p0 $0x0  }
0x12: {  	s1 =	sld [smem:$0x3F59];
	s0 =	simm.s32 @p0 $0x1  }
0x13: {  	[smem:$0x3F74] =	sst s0;
	s0 =	simm.s32 @!p1 $0x0  }
0x14: {  	s2 =	sld [smem:$0x3F58];
	s0 =	simm.s32 @p1 $0x1  }
0x15: {  	[smem:$0x3F75] =	sst s0;
	s0 =	simm.s32 @!p2 $0x0  }
0x16: {  	s3 =	sld [smem:$0x3FDB];
	s0 =	simm.s32 @p2 $0x1  }
0x17: {  	s4 =	simm.s32 $0x1BF5;
	[smem:$0x3F77] =	sst s0  }
0x18: {  	s0 =	sld [smem:$0x3F5A];
	_ =	swait.ge [sflag:s4], $0x0  }
0x19: {  	s7 =	sld [smem:$0x3F5B]  }
0x1a: {  	s8 =	sadd.s32 $0xFFFFE003, lr  }
0x1b: {  	s9 =	sadd.s32 $0xFFFFFEF7, lr;
	s5 =	simm.s32 $0xFFFFFFFF;
	p2 =	slt.u32 s8, $0xFFFFF086  }
0x1c: {  	p1 =	slt.u32 s9, $0xF7A;
	s5 =	simm.s32 @!p2 $0x0  }
0x1d: {  	s5 =	simm.s32 @p1 $0x1;
	p0 =	seq.s32 s7, s2  }
0x1e: {  	s7 =	smul.u32 @!p0 $0xF7A, s2;
	p2 =	seq.s32 @!p0 s5, $0x0  }
0x1f: {  	s9 =	smul.u32 $0xF7A, s1;
	s8 =	simm.s32 @!p0 $0x1BF5;
	p2 =	por !p2, p0  }
0x20: {  	[sflag:s8] =	ssyncset.s32 @!p0 $0xFFFFF086;
	s6 =	sadd.s32 @!p0 s3, s7;
	s7 =	simm.s32 @!p0 $0x108  }
0x21: {  	s3 =	sadd.s32 s3, s9;
	s6 =	sadd.s32 @!p0 $0x88, s6;
	s7 =	simm.s32 @p2 $0x1082  }
0x22: {  	[simem:s7], [sflag:s8] =	dma.local @!p0 [hbm:s6], $0xF7A  }
0x23: {  	s9 =	sor.u32 $0xD0000000, s2;
	s6 =	simm.s32 $0x108;
	_ =	swait.ge @!p0 [sflag:s8], $0x0  }
0x24: {  	s3 =	sadd.s32 $0x88, s3;
	s6 =	simm.s32 @!p1 $0x1082;
	[sflag:s4] =	ssyncset.s32 $0xFFFFF086  }
0x25: {  	[simem:s6], [sflag:s4] =	dma.local [hbm:s3], $0xF7A  }
0x26: {  	[smem:$0x3F5B] =	sst s1;
	(tag) =	ssettag s2;
	_ =	strace s9  }
0x27: {  	s1 =	sld [smem:$0x3F6B]  }
0x28: {  	s2 =	sld [smem:$0x3F6C]  }
0x29: {  	s4 =	sld [smem:$0x3F6E]  }
0x2a: {  	p0 =	seq.s32 s5, $0x0;
	s5 =	sld [smem:$0x3F6F]  }
0x2b: {  	s6 =	sld [smem:$0x3F70]  }
0x2c: {  	s7 =	sld [smem:$0x3F71]  }
0x2d: {  	s3 =	simm.s32 $0x108;
	s8 =	sld [smem:$0x3F72]  }
0x2e: {  	s3 =	simm.s32 @!p0 $0x1082;
	s9 =	sld [smem:$0x3F73]  }
0x2f: {  	lr =	sadd.s32 s0, s3;
	s0 =	sld [smem:$0x3F6A]  }
0x30: {  	s3 =	sld [smem:$0x3F6D]  }
0x31: {  	[smem:$0x3F76] =	sst s10  }
0x32: {  	s10 =	sld [smem:$0x3F74];
	_ =	sdelay $0x3  }
0x33: {  	p0 =	seq.s32 s10, $0x1;
	s10 =	sld [smem:$0x3F76];
	_ =	sdelay $0x3  }
0x34: {  	[smem:$0x3F76] =	sst s10  }
0x35: {  	s10 =	sld [smem:$0x3F75];
	_ =	sdelay $0x3  }
0x36: {  	p1 =	seq.s32 s10, $0x1;
	s10 =	sld [smem:$0x3F76];
	_ =	sdelay $0x3  }
0x37: {  	[smem:$0x3F76] =	sst s10  }
0x38: {  	s10 =	sld [smem:$0x3F77]  }
0x39: {  	_ = 	snop;
	(pc) =	sbr.ind lr, $3  }
0x3a: {  	_ = 	snop  }
0x3b: {  	_ = 	snop  }
0x3c: {  	p2 =	seq.s32 s10, $0x1;
	s10 =	sld [smem:$0x3F76]  }
0x3d: {  	_ =	shalt  }
0x3e: {  	_ =	shalt  }
0x3f: {  	_ =	shalt  }
0x40: {  	_ =	shalt  }
0x41: {  	_ =	shalt  }
0x42: {  	_ =	shalt  }
0x43: {  	_ =	shalt  }
0x44: {  	_ =	shalt  }
0x45: {  	_ =	shalt  }
0x46: {  	_ =	shalt  }
0x47: {  	_ =	shalt  }
0x48: {  	_ =	shalt  }
0x49: {  	_ =	shalt  }
0x4a: {  	_ =	shalt  }
0x4b: {  	_ =	shalt  }
0x4c: {  	_ =	shalt  }
0x4d: {  	_ =	shalt  }
0x4e: {  	_ =	shalt  }
0x4f: {  	_ =	shalt  }
0x50: {  	_ =	shalt  }
0x51: {  	_ =	shalt  }
0x52: {  	_ =	shalt  }
0x53: {  	_ =	shalt  }
0x54: {  	_ =	shalt  }
0x55: {  	_ =	shalt  }
0x56: {  	_ =	shalt  }
0x57: {  	_ =	shalt  }
0x58: {  	_ =	shalt  }
0x59: {  	_ =	shalt  }
0x5a: {  	_ =	shalt  }
0x5b: {  	_ =	shalt  }
0x5c: {  	_ =	shalt  }
0x5d: {  	_ =	shalt  }
0x5e: {  	_ =	shalt  }
0x5f: {  	_ =	shalt  }
0x60: {  	_ =	shalt  }
0x61: {  	_ =	shalt  }
0x62: {  	_ =	shalt  }
0x63: {  	_ =	shalt  }
0x64: {  	_ =	shalt  }
0x65: {  	_ =	shalt  }
0x66: {  	_ =	shalt  }
0x67: {  	_ =	shalt  }
0x68: {  	_ =	shalt  }
0x69: {  	_ =	shalt  }
0x6a: {  	_ =	shalt  }
0x6b: {  	_ =	shalt  }
0x6c: {  	_ =	shalt  }
0x6d: {  	_ =	shalt  }
0x6e: {  	_ =	shalt  }
0x6f: {  	_ =	shalt  }
0x70: {  	_ =	shalt  }
0x71: {  	_ =	shalt  }
0x72: {  	_ =	shalt  }
0x73: {  	_ =	shalt  }
0x74: {  	_ =	shalt  }
0x75: {  	_ =	shalt  }
0x76: {  	_ =	shalt  }
0x77: {  	_ =	shalt  }
0x78: {  	_ =	shalt  }
0x79: {  	_ =	shalt  }
0x7a: {  	_ =	shalt  }
0x7b: {  	_ =	shalt  }
0x7c: {  	_ =	shalt  }
0x7d: {  	_ =	shalt  }
0x7e: {  	_ =	shalt  }
0x7f: {  	_ =	shalt  }
0x80: {  	_ =	shalt  }
0x81: {  	_ =	shalt  }
0x82: {  	_ =	shalt  }
0x83: {  	_ =	shalt  }
0x84: {  	_ =	shalt  }
0x85: {  	_ =	shalt  }
0x86: {  	_ =	shalt  }
0x87: {  	_ =	shalt  }
.Lfunc_end0:
.L_simem_size_0:
called_computation_lowered:
.L_overlay_start_0:
0x88: {  	s2 =	sld [smem:$0x3FD9]  }
0x89: {  	s3 =	sld [smem:$0x3FFE];
	_ =	sdelay $0x1  }
0x8a: {  	s1 =	srdreg.scid  }
0x8b: {  	s0 =	sand.u32 $0x1, s1  }
0x8c: {  	s17 =	sshll.u32 s0, $0xA;
	s2 =	sadd.s32 s3, s2  }
0x8d: {  	s2 =	sadd.s32 s2, s17  }
0x8e: {  	[smem:$0x3F82] =	sst s2  }
0x8f: {  	_ = 	snop  }
0x90: {  	s18 =	sld [smem:$0x3FC6]  }
0x91: {  	s4 =	sld [smem:$0x3FD0];
	(tm) =	ssettm $0x1  }
0x92: {  	s19 =	sld [smem:$0x3FFB];
	_ =	sdelay $0x3  }
0x93: {  	_ =	strace s19  }
0x94: {  	s2 =	sld [smem:$0x3FFC];
	_ =	sdelay $0x3  }
0x95: {  	_ =	strace s2  }
0x96: {  	s2 =	sld [smem:$0x3FFD];
	_ =	sdelay $0x3  }
0x97: {  	_ =	strace s2  }
0x98: {  	_ =	strace $0x8FFFFFFF  }
0x99: {  	s20 =	sld [smem:$0x3FDB];
	_ =	sdelay $0x1  }
0x9a: {  	s5 =	simm.s32 $_scs_section_size  }
0x9b: {  	s6 =	simm.s32 $_size__tile_overlayer_lowered;
	s7 =	simm.s32 $_tile_overlayer_lowered  }
0x9c: {  	s8 =	simm.s32 $0x1BFF;
	s21 =	sshll.u32 s7, $0x1;
	s5 =	sadd.s32 s5, s20  }
0x9d: {  	s22 =	simm.s32 $0x0;
	s6 =	sshll.u32 s6, $0x1;
	s7 =	sadd.s32 s21, s5  }
0x9e: {  	[timem:s22], [sflag:s8] =	dma.local [hbm:s7], s6  }
0x9f: {  	_ =	swait.ge [sflag:s8], s6  }
0xa0: {  	s6 =	ssub.s32 $0x0, s6;
	[sflag:s8] =	ssyncset.done $0x0  }
0xa1: {  	[sflag:s8] =	ssyncadd.s32 s6;
	_ =	sdelay $0x1  }
0xa2: {  	s23 =	simm.s32 $0x1B8B  }
0xa3: {  	_ =	swait.ge [sflag:s23], $0x1  }
0xa4: {  	[sflag:s23] =	ssyncset.done $0x0  }
0xa5: {  	[sflag:s23] =	ssyncadd.s32 $0xFFFFFFFF  }
0xa6: {  	s6 =	sld [smem:$0x0]  }
0xa7: {  	s7 =	sand.u32 $0xFFFFFFFE, s1  }
0xa8: {  	p0 =	sne.s32 s1, s7  }
0xa9: {  	s7 =	sshll.u32 @p0 s7, $0xE  }
0xaa: {  	s7 =	sadd.s32 @p0 $0x11B8D, s7;
	s8 =	sshll.u32 @p0 s6, $0x11  }
0xab: {  	s7 =	sor.u32 @p0 s8, s7  }
0xac: {  	[sflag:s7] =	ssyncadd.remote.s32 @p0 $0x1;
	_ =	sdelay $0x1  }
0xad: {  	s7 =	simm.s32 @p0 $0x1B8D  }
0xae: {  	_ =	swait.eq @p0 [sflag:s7], $0x1  }
0xaf: {  	[sflag:s7] =	ssyncadd.s32 @p0 $0xFFFFFFFF  }
0xb0: {  	s8 =	sshll.u32 @!p0 s1, $0xE  }
0xb1: {  	s8 =	sor.u32 @!p0 $0x4000, s8;
	s7 =	simm.s32 @!p0 $0x1B8D  }
0xb2: {  	s6 =	sshll.u32 @!p0 s6, $0x11;
	s8 =	sadd.s32 @!p0 $0x11B8D, s8;
	_ =	swait.eq @!p0 [sflag:s7], $0x1  }
0xb3: {  	s6 =	sor.u32 @!p0 s6, s8;
	[sflag:s7] =	ssyncadd.s32 @!p0 $0xFFFFFFFF  }
0xb4: {  	s25 =	simm.s32 $0x1B8E;
	s24 =	sld [smem:$0x3FFE];
	[sflag:s6] =	ssyncadd.remote.s32 @!p0 $0x1  }
0xb5: {  	s26 =	simm.s32 $execute0_lowered;
	[smem:$0x3FD2] =	sst s25  }
0xb6: {  	s7 =	sshll.u32 s26, $0x1;
	_ =	strace $0x80000049;
	[dreg:$0x1] =	wrdreg $0xFFFFFFFF  }
0xb7: {  	s28 =	simm.s32 $_size_execute0_lowered;
	s5 =	sadd.s32 s5, s7;
	[dreg:$0x0] =	wrdreg $0x0  }
0xb8: {  	s7 =	sshll.u32 s28, $0x1;
	[dreg:$0x2] =	wrdreg s5  }
0xb9: {  	[dreg:$0x3] =	wrdreg s7  }
0xba: {  	[dreg:$0x4] =	wrdreg $0xC0  }
0xbb: {  	_ =	task [dreg:s22], $0x5FFFF  }
0xbc: {  	[dreg:$0x1] =	wrdreg $0xFFFFFFFF  }
0xbd: {  	[dreg:$0x0] =	wrdreg $0x60  }
0xbe: {  	[dreg:$0x2] =	wrdreg s4  }
0xbf: {  	[dreg:$0x3] =	wrdreg s18  }
0xc0: {  	[dreg:$0x4] =	wrdreg s24  }
0xc1: {  	[dreg:$0x5] =	wrdreg $0x42680  }
0xc2: {  	[dreg:$0x6] =	wrdreg $0x9  }
0xc3: {  	_ =	task.clear_ibuf [dreg:s22], $0x7FFFF;
	_ =	strace $0x90000049  }
0xc4: {  	s29 =	simm.s32 $0x9;
	_ =	strace $0x8000004B  }
0xc5: {  	_ =	swait.ge [sflag:s29], $0x1  }
0xc6: {  	[sflag:s29] =	ssyncadd.s32 $0xFFFFFFFF  }
0xc7: {  	_ =	strace $0x9000004B  }
0xc8: {  	_ =	sfence  }
0xc9: {  	s30 =	sld [smem:$0x0];
	_ =	sdelay $0x2  }
0xca: {  	s31 =	sshll.u32 s1, $0xD;
	s1 =	sshrl.u32 s1, $0x2  }
0xcb: {  	s4 =	sand.u32 $0x4000, s31;
	s1 =	sadd.s32 s1, s30  }
0xcc: {  	s0 =	sor.u32 s4, s0;
	s1 =	sshll.u32 s1, $0x11  }
0xcd: {  	s0 =	sor.u32 s1, s0  }
0xce: {  	s0 =	sadd.s32 $0x8F2B, s0  }
0xcf: {  	[sflag:s0] =	ssyncadd.remote.s32 $0x1  }
0xd0: {  	_ =	sfence.sel $0xFFFF  }
0xd1: {  	[dreg:$0x0] =	wrdreg $0xFFFFFFFF;
	(pc) =	sbr.abs _section_cstart, $3  }
0xd2: {  	[dreg:$0x1] =	wrdreg $0xFFFFFFFF  }
0xd3: {  	_ =	task.clear_ibuf [dreg:s22], $0x2FFFF;
	_ =	strace $0x9FFFFFFF  }
0xd4: {  	(tm) =	ssettm $0x7FFFFFFF  }
0xd5: {  	_ =	shalt  }
tec
execute0_lowered:
.L_overlay_start_1:
0x0: {  	(tag) =	ssettag $0x1  }
0x1: {  	s1 =	rddreg [dreg:$0x0]  }
0x2: {  	s9 =	rddreg [dreg:$0x1]  }
0x3: {  	s6 =	rddreg [dreg:$0x2]  }
0x4: {  	s3 =	rddreg [dreg:$0x3]  }
0x5: {  	s0 =	rddreg [dreg:$0x4]  }
0x6: {  	s5 =	srdreg.scid;
	s2 =	stileid.u32;
	s4 =	simm.s32 $0x0  }
0x7: {  	s13 =	simm.s32 $0x4;
	s14 =	simm.s32 $0x2;
	s7 =	smul.u32 $0x186A0, s2  }
0x8: {  	s15 =	simm.s32 $0x0;
	s5 =	sand.u32 $0x1, s5;
	s10 =	smul.u32 $0x30D40, s2  }
0x9: {  	[smem:$0x7FF] =	sst s4;
	s11 =	sshll.u32 s2, $0x6;
	s12 =	smul.u32 $0x186A, s2  }
0xa: {  	s8 =	sshll.u32 s5, $0x4;
	_ =	strace $0x8000004A;
	s30 =	ssub.s32 $0x2, s5  }
0xb: {  	s5 =	sadd.s32 $0x3DC00, s6;
	s7 =	sor.u32 s8, s7;
	s31 =	sshrl.u32 s30, $0x1  }
0xc: {  	s10 =	sshrl.u32 s10, $0x2;
	s9 =	sadd.s32 s12, s9;
	s12 =	simm.s32 $0x3E8  }
0xd: {  	s7 =	sshrl.u32 s7, $0x3;
	s8 =	ssub.s32 s30, s31;
	s10 =	sadd.s32 s10, s3  }
0xe: {  	s7 =	sadd.s32 s7, s6;
	s6 =	sor.u32 $0x1C01, s11;
	s8 =	smax.u32 s8, $0x1  }
0xf: {  	s10 =	sshrl.u32 s10, $0x3;
	s11 =	simm.s32 $0x1;
	s7 =	sadd.s32 $0x3F600, s7  }
.LBB2_1:
0x10: {  	[spmem:s10], [sflag:s6] =	dma.local [hbm:s5], $0x186A  }
0x11: {  	_ =	swait.ge [sflag:s11], $0x186A  }
0x12: {  	[sflag:s11] =	ssyncset.done $0x0  }
0x13: {  	[sflag:s11] =	ssyncadd.s32 $0xFFFFE796  }
0x14: {  	[tilespmem:s12], [sflag:$0x1] =	stream.linear.gather [hbm4b:s1+s4], $0x3E80, $0x38;
	[tilespmem:$0x105B8] =	vst v63  }
0x15: {  	_ =	swait.ge [sflag:s11], $0x3E80  }
0x16: {  	[sflag:s11] =	ssyncset.done $0x0  }
0x17: {  	[sflag:s11] =	ssyncadd.s32 $0xFFFFC180  }
0x18: {  	s16 =	sadd.s32 $0x0, s9;
	[bflag:$0x0] =	sbarrier.arrive $0xFFFF  }
0x19: {  	[tilespmem:s4], [sflag:$0x1] =	stream.linear.gather [hbm4b:s16+s4], $0x3E8, $0x38;
	[tilespmem:$0x105B8] =	vst v63  }
0x1a: {  	_ =	swait.ge [sflag:s11], $0x3E8  }
0x1b: {  	[sflag:s11] =	ssyncset.done $0x0  }
0x1c: {  	[sflag:s11] =	ssyncadd.s32 $0xFFFFFC18  }
0x1d: {  	[spmem:s3] =	stream.indirect.scatter.add.f32 [tilespmem:s12], [sflag:$0x1], $0x10, s4, s12, $0xb8;
	[tilespmem:$0x105B8] =	vst v63  }
0x1e: {  	_ =	swait.ge [sflag:s11], $0x3E80  }
0x1f: {  	s17 =	simm.s32 $0xFA;
	s16 =	simm.s32 $0x7D;
	[sflag:s11] =	ssyncset.done $0x0  }
.LBB2_2:
0x20: {  	s18 =	sadd.s32 s16, s9  }
0x21: {  	[sflag:s11] =	ssyncadd.s32 $0xFFFFC180;
	s16 =	smov.u32 s17;
	s19 =	sadd.s32 $0x7D, s17  }
0x22: {  	[tilespmem:s4], [sflag:$0x1] =	stream.linear.gather [hbm4b:s18+s4], $0x3E8, $0x38;
	[tilespmem:$0x105B8] =	vst v63  }
0x23: {  	p0 =	sne.s32 s17, $0x17ED;
	_ =	swait.ge [sflag:s11], $0x3E8  }
.Ltmp0:
0x24: {  	[sflag:s11] =	ssyncset.done $0x0;
	(pc) =	sbr.rel @p0 .LBB2_2-.Ltmp0, $4  }
0x25: {  	[sflag:s11] =	ssyncadd.s32 $0xFFFFFC18  }
0x26: {  	[spmem:s3] =	stream.indirect.scatter.add.f32 [tilespmem:s12], [sflag:$0x1], $0x10, s4, s12, $0xb8;
	[tilespmem:$0x105B8] =	vst v63  }
0x27: {  	_ =	swait.ge [sflag:s11], $0x3E80  }
0x28: {  	s17 =	smov.u32 s19;
	[sflag:s11] =	ssyncset.done $0x0  }
0x29: {  	s16 =	sadd.s32 s16, s9;
	[sflag:s11] =	ssyncadd.s32 $0xFFFFC180  }
0x2a: {  	[tilespmem:s4], [sflag:$0x1] =	stream.linear.gather [hbm4b:s16+s4], $0x3E8, $0x38;
	[tilespmem:$0x105B8] =	vst v63  }
0x2b: {  	_ =	swait.ge [sflag:s11], $0x3E8  }
0x2c: {  	[sflag:s11] =	ssyncset.done $0x0  }
0x2d: {  	[sflag:s11] =	ssyncadd.s32 $0xFFFFFC18  }
0x2e: {  	[spmem:s3] =	stream.indirect.scatter.add.f32 [tilespmem:s12], [sflag:$0x1], $0x10, s4, s12, $0xb8;
	[tilespmem:$0x105B8] =	vst v63  }
0x2f: {  	_ =	swait.ge [sflag:s11], $0x3E80  }
0x30: {  	s15 =	sadd.s32 $0x1, s15;
	[sflag:s11] =	ssyncset.done $0x0  }
0x31: {  	p0 =	sne.s32 s15, s8;
	[sflag:s11] =	ssyncadd.s32 $0xFFFFC180  }
.Ltmp1:
0x32: {  	[bflag:$0x0] =	sbarrier.arrive $0xFFFF;
	(pc) =	sbr.rel @p0 .LBB2_1-.Ltmp1, $4  }
0x33: {  	[hbm:s7@s13], [sflag:s6] =	dma.strided [spmem:s10@s14], $0x186A, s11, $0x2   }
0x34: {  	_ =	swait.ge [sflag:s11], $0x186A  }
0x35: {  	[sflag:s11] =	ssyncset.done $0x0  }
0x36: {  	[sflag:s11] =	ssyncadd.s32 $0xFFFFE796  }
0x37: {  	_ =	sfence.sel $0x180000  }
0x38: {  	[bflag:$0x0] =	sbarrier.arrive $0xFFFF  }
0x39: {  	p0 =	sne.s32 s2, $0x0;
	_ =	strace $0x9000004A  }
0x3a: {  	s0 =	sadd.s32 @!p0 $0x100000, s0;
	[bflag:$0x2] =	sbarrier.arrive $0xFFFF  }
0x3b: {  	[sflag:s0] =	ssyncadd.tile.s32 @!p0 $0x1;
	_ =	shalt  }
.Lfunc_end2:
_tile_overlayer_lowered:
.L_overlay_start_2:
0x3c: {  	(tag) =	ssettag $0x2  }
0x3d: {  	s0 =	rddreg [dreg:$0x0];
	s2 =	stileid.u32  }
0x3e: {  	s1 =	rddreg [dreg:$0x1];
	p0 =	sne.s32 s2, $0x0  }
0x3f: {  	s3 =	rddreg [dreg:$0x2];
	[bflag:$0x3] =	sbarrier.arrive $0xFFFF;
	s2 =	simm.s32 @!p0 $0x1C01  }
0x40: {  	[timem:s3], [sflag:s2] =	dma.local @!p0 [hbm:s0], s1  }
0x41: {  	s0 =	simm.s32 @!p0 $0x1  }
0x42: {  	_ =	swait.ge @!p0 [sflag:s0], s1  }
0x43: {  	s1 =	ssub.s32 @!p0 $0x0, s1;
	[sflag:s0] =	ssyncset.done @!p0 $0x0  }
0x44: {  	[sflag:s0] =	ssyncadd.s32 @!p0 s1  }
0x45: {  	[bflag:$0x3] =	sbarrier.arrive $0xFFFF  }
0x46: {  	_ =	shalt  }

// kernel: kernel.22.cloned.1.call-start
scs
__scs_entry_jumppad:
0x0: {  	(pc) =	sbr.rel $0x88, $3  }
0x1: {  	(tag) =	ssettag $0x0;
	lr =	simm.s32 $0x1  }
0x2: {  	[smem:$0x3F5B] =	sst lr;
	_ =	strace $0xD0000000  }
0x3: {  	_ = 	snop  }
0x4: {  	_ = 	snop  }
0x5: {  	_ = 	snop  }
0x6: {  	_ = 	snop  }
0x7: {  	_ = 	snop  }
__scs_overlays_trampoline_lowered:
0x8: {  	[smem:$0x3F6A] =	sst s0  }
0x9: {  	[smem:$0x3F6B] =	sst s1  }
0xa: {  	[smem:$0x3F6C] =	sst s2  }
0xb: {  	[smem:$0x3F6D] =	sst s3  }
0xc: {  	[smem:$0x3F6E] =	sst s4  }
0xd: {  	[smem:$0x3F6F] =	sst s5  }
0xe: {  	[smem:$0x3F70] =	sst s6  }
0xf: {  	[smem:$0x3F71] =	sst s7  }
0x10: {  	[smem:$0x3F72] =	sst s8  }
0x11: {  	[smem:$0x3F73] =	sst s9;
	s0 =	simm.s32 @!p0 $0x0  }
0x12: {  	s1 =	sld [smem:$0x3F59];
	s0 =	simm.s32 @p0 $0x1  }
0x13: {  	[smem:$0x3F74] =	sst s0;
	s0 =	simm.s32 @!p1 $0x0  }
0x14: {  	s2 =	sld [smem:$0x3F58];
	s0 =	simm.s32 @p1 $0x1  }
0x15: {  	[smem:$0x3F75] =	sst s0;
	s0 =	simm.s32 @!p2 $0x0  }
0x16: {  	s3 =	sld [smem:$0x3FDB];
	s0 =	simm.s32 @p2 $0x1  }
0x17: {  	s4 =	simm.s32 $0x1BF5;
	[smem:$0x3F77] =	sst s0  }
0x18: {  	s0 =	sld [smem:$0x3F5A];
	_ =	swait.ge [sflag:s4], $0x0  }
0x19: {  	s7 =	sld [smem:$0x3F5B]  }
0x1a: {  	s8 =	sadd.s32 $0xFFFFE003, lr  }
0x1b: {  	s9 =	sadd.s32 $0xFFFFFEF7, lr;
	s5 =	simm.s32 $0xFFFFFFFF;
	p2 =	slt.u32 s8, $0xFFFFF086  }
0x1c: {  	p1 =	slt.u32 s9, $0xF7A;
	s5 =	simm.s32 @!p2 $0x0  }
0x1d: {  	s5 =	simm.s32 @p1 $0x1;
	p0 =	seq.s32 s7, s2  }
0x1e: {  	s7 =	smul.u32 @!p0 $0xF7A, s2;
	p2 =	seq.s32 @!p0 s5, $0x0  }
0x1f: {  	s9 =	smul.u32 $0xF7A, s1;
	s8 =	simm.s32 @!p0 $0x1BF5;
	p2 =	por !p2, p0  }
0x20: {  	[sflag:s8] =	ssyncset.s32 @!p0 $0xFFFFF086;
	s6 =	sadd.s32 @!p0 s3, s7;
	s7 =	simm.s32 @!p0 $0x108  }
0x21: {  	s3 =	sadd.s32 s3, s9;
	s6 =	sadd.s32 @!p0 $0x88, s6;
	s7 =	simm.s32 @p2 $0x1082  }
0x22: {  	[simem:s7], [sflag:s8] =	dma.local @!p0 [hbm:s6], $0xF7A  }
0x23: {  	s9 =	sor.u32 $0xD0000000, s2;
	s6 =	simm.s32 $0x108;
	_ =	swait.ge @!p0 [sflag:s8], $0x0  }
0x24: {  	s3 =	sadd.s32 $0x88, s3;
	s6 =	simm.s32 @!p1 $0x1082;
	[sflag:s4] =	ssyncset.s32 $0xFFFFF086  }
0x25: {  	[simem:s6], [sflag:s4] =	dma.local [hbm:s3], $0xF7A  }
0x26: {  	[smem:$0x3F5B] =	sst s1;
	(tag) =	ssettag s2;
	_ =	strace s9  }
0x27: {  	s1 =	sld [smem:$0x3F6B]  }
0x28: {  	s2 =	sld [smem:$0x3F6C]  }
0x29: {  	s4 =	sld [smem:$0x3F6E]  }
0x2a: {  	p0 =	seq.s32 s5, $0x0;
	s5 =	sld [smem:$0x3F6F]  }
0x2b: {  	s6 =	sld [smem:$0x3F70]  }
0x2c: {  	s7 =	sld [smem:$0x3F71]  }
0x2d: {  	s3 =	simm.s32 $0x108;
	s8 =	sld [smem:$0x3F72]  }
0x2e: {  	s3 =	simm.s32 @!p0 $0x1082;
	s9 =	sld [smem:$0x3F73]  }
0x2f: {  	lr =	sadd.s32 s0, s3;
	s0 =	sld [smem:$0x3F6A]  }
0x30: {  	s3 =	sld [smem:$0x3F6D]  }
0x31: {  	[smem:$0x3F76] =	sst s10  }
0x32: {  	s10 =	sld [smem:$0x3F74];
	_ =	sdelay $0x3  }
0x33: {  	p0 =	seq.s32 s10, $0x1;
	s10 =	sld [smem:$0x3F76];
	_ =	sdelay $0x3  }
0x34: {  	[smem:$0x3F76] =	sst s10  }
0x35: {  	s10 =	sld [smem:$0x3F75];
	_ =	sdelay $0x3  }
0x36: {  	p1 =	seq.s32 s10, $0x1;
	s10 =	sld [smem:$0x3F76];
	_ =	sdelay $0x3  }
0x37: {  	[smem:$0x3F76] =	sst s10  }
0x38: {  	s10 =	sld [smem:$0x3F77]  }
0x39: {  	_ = 	snop;
	(pc) =	sbr.ind lr, $3  }
0x3a: {  	_ = 	snop  }
0x3b: {  	_ = 	snop  }
0x3c: {  	p2 =	seq.s32 s10, $0x1;
	s10 =	sld [smem:$0x3F76]  }
0x3d: {  	_ =	shalt  }
0x3e: {  	_ =	shalt  }
0x3f: {  	_ =	shalt  }
0x40: {  	_ =	shalt  }
0x41: {  	_ =	shalt  }
0x42: {  	_ =	shalt  }
0x43: {  	_ =	shalt  }
0x44: {  	_ =	shalt  }
0x45: {  	_ =	shalt  }
0x46: {  	_ =	shalt  }
0x47: {  	_ =	shalt  }
0x48: {  	_ =	shalt  }
0x49: {  	_ =	shalt  }
0x4a: {  	_ =	shalt  }
0x4b: {  	_ =	shalt  }
0x4c: {  	_ =	shalt  }
0x4d: {  	_ =	shalt  }
0x4e: {  	_ =	shalt  }
0x4f: {  	_ =	shalt  }
0x50: {  	_ =	shalt  }
0x51: {  	_ =	shalt  }
0x52: {  	_ =	shalt  }
0x53: {  	_ =	shalt  }
0x54: {  	_ =	shalt  }
0x55: {  	_ =	shalt  }
0x56: {  	_ =	shalt  }
0x57: {  	_ =	shalt  }
0x58: {  	_ =	shalt  }
0x59: {  	_ =	shalt  }
0x5a: {  	_ =	shalt  }
0x5b: {  	_ =	shalt  }
0x5c: {  	_ =	shalt  }
0x5d: {  	_ =	shalt  }
0x5e: {  	_ =	shalt  }
0x5f: {  	_ =	shalt  }
0x60: {  	_ =	shalt  }
0x61: {  	_ =	shalt  }
0x62: {  	_ =	shalt  }
0x63: {  	_ =	shalt  }
0x64: {  	_ =	shalt  }
0x65: {  	_ =	shalt  }
0x66: {  	_ =	shalt  }
0x67: {  	_ =	shalt  }
0x68: {  	_ =	shalt  }
0x69: {  	_ =	shalt  }
0x6a: {  	_ =	shalt  }
0x6b: {  	_ =	shalt  }
0x6c: {  	_ =	shalt  }
0x6d: {  	_ =	shalt  }
0x6e: {  	_ =	shalt  }
0x6f: {  	_ =	shalt  }
0x70: {  	_ =	shalt  }
0x71: {  	_ =	shalt  }
0x72: {  	_ =	shalt  }
0x73: {  	_ =	shalt  }
0x74: {  	_ =	shalt  }
0x75: {  	_ =	shalt  }
0x76: {  	_ =	shalt  }
0x77: {  	_ =	shalt  }
0x78: {  	_ =	shalt  }
0x79: {  	_ =	shalt  }
0x7a: {  	_ =	shalt  }
0x7b: {  	_ =	shalt  }
0x7c: {  	_ =	shalt  }
0x7d: {  	_ =	shalt  }
0x7e: {  	_ =	shalt  }
0x7f: {  	_ =	shalt  }
0x80: {  	_ =	shalt  }
0x81: {  	_ =	shalt  }
0x82: {  	_ =	shalt  }
0x83: {  	_ =	shalt  }
0x84: {  	_ =	shalt  }
0x85: {  	_ =	shalt  }
0x86: {  	_ =	shalt  }
0x87: {  	_ =	shalt  }
.Lfunc_end0:
.L_simem_size_0:
called_computation.1_lowered:
.L_overlay_start_0:
0x88: {  	s2 =	sld [smem:$0x3FD9]  }
0x89: {  	s3 =	sld [smem:$0x3FFE];
	_ =	sdelay $0x1  }
0x8a: {  	s1 =	srdreg.scid  }
0x8b: {  	s0 =	sand.u32 $0x1, s1  }
0x8c: {  	s17 =	sshll.u32 s0, $0xA;
	s2 =	sadd.s32 s3, s2  }
0x8d: {  	s2 =	sadd.s32 s2, s17  }
0x8e: {  	[smem:$0x3F82] =	sst s2  }
0x8f: {  	_ = 	snop  }
0x90: {  	s2 =	sld [smem:$0x3FC7]  }
0x91: {  	s18 =	sld [smem:$0x3FC6];
	(tm) =	ssettm $0x1  }
0x92: {  	s4 =	sld [smem:$0x3FFB];
	_ =	sdelay $0x3  }
0x93: {  	_ =	strace s4  }
0x94: {  	s4 =	sld [smem:$0x3FFC];
	_ =	sdelay $0x3  }
0x95: {  	_ =	strace s4  }
0x96: {  	s4 =	sld [smem:$0x3FFD];
	_ =	sdelay $0x3  }
0x97: {  	_ =	strace s4  }
0x98: {  	_ =	strace $0x8FFFFFFF  }
0x99: {  	s19 =	sld [smem:$0x3FDB];
	_ =	sdelay $0x1  }
0x9a: {  	s5 =	simm.s32 $_scs_section_size  }
0x9b: {  	s6 =	simm.s32 $_size__tile_overlayer_lowered;
	s7 =	simm.s32 $_tile_overlayer_lowered  }
0x9c: {  	s22 =	simm.s32 $0x1BFF;
	s21 =	sshll.u32 s7, $0x1;
	s4 =	sadd.s32 s5, s19  }
0x9d: {  	s8 =	simm.s32 $0x0;
	s20 =	sshll.u32 s6, $0x1;
	s6 =	sadd.s32 s21, s4  }
0x9e: {  	[timem:s8], [sflag:s22] =	dma.local [hbm:s6], s20  }
0x9f: {  	_ =	swait.ge [sflag:s22], s20  }
0xa0: {  	s5 =	ssub.s32 $0x0, s20;
	[sflag:s22] =	ssyncset.done $0x0  }
0xa1: {  	[sflag:s22] =	ssyncadd.s32 s5;
	_ =	sdelay $0x1  }
0xa2: {  	s23 =	simm.s32 $0x1B8B  }
0xa3: {  	_ =	swait.ge [sflag:s23], $0x1  }
0xa4: {  	[sflag:s23] =	ssyncset.done $0x0  }
0xa5: {  	s25 =	simm.s32 $0x1B8E;
	s24 =	sld [smem:$0x3FFE];
	[sflag:s23] =	ssyncadd.s32 $0xFFFFFFFF  }
0xa6: {  	s26 =	simm.s32 $execute0_lowered;
	[smem:$0x3FD2] =	sst s25  }
0xa7: {  	s6 =	sshll.u32 s26, $0x1;
	_ =	strace $0x80000046;
	[dreg:$0x1] =	wrdreg $0xFFFFFFFF  }
0xa8: {  	s28 =	simm.s32 $_size_execute0_lowered;
	s4 =	sadd.s32 s4, s6;
	[dreg:$0x0] =	wrdreg $0x0  }
0xa9: {  	s6 =	sshll.u32 s28, $0x1;
	[dreg:$0x2] =	wrdreg s4  }
0xaa: {  	[dreg:$0x3] =	wrdreg s6  }
0xab: {  	[dreg:$0x4] =	wrdreg $0xC0  }
0xac: {  	_ =	task [dreg:s8], $0x5FFFF  }
0xad: {  	[dreg:$0x1] =	wrdreg $0xFFFFFFFF  }
0xae: {  	[dreg:$0x0] =	wrdreg $0x60  }
0xaf: {  	[dreg:$0x2] =	wrdreg s24  }
0xb0: {  	[dreg:$0x3] =	wrdreg s2  }
0xb1: {  	[dreg:$0x4] =	wrdreg s18  }
0xb2: {  	[dreg:$0x5] =	wrdreg $0xA  }
0xb3: {  	_ =	task.clear_ibuf [dreg:s8], $0x6FFFF;
	_ =	strace $0x90000046  }
0xb4: {  	s29 =	simm.s32 $0xA;
	_ =	strace $0x80000048  }
0xb5: {  	_ =	swait.ge [sflag:s29], $0x1  }
0xb6: {  	[sflag:s29] =	ssyncadd.s32 $0xFFFFFFFF  }
0xb7: {  	_ =	strace $0x90000048  }
0xb8: {  	_ =	sfence  }
0xb9: {  	s30 =	sld [smem:$0x0];
	_ =	sdelay $0x2  }
0xba: {  	s31 =	sshll.u32 s1, $0xD;
	s1 =	sshrl.u32 s1, $0x2  }
0xbb: {  	s3 =	sand.u32 $0x4000, s31;
	s1 =	sadd.s32 s1, s30  }
0xbc: {  	s0 =	sor.u32 s3, s0;
	s1 =	sshll.u32 s1, $0x11  }
0xbd: {  	s0 =	sor.u32 s1, s0  }
0xbe: {  	s0 =	sadd.s32 $0x8F2B, s0  }
0xbf: {  	[sflag:s0] =	ssyncadd.remote.s32 $0x1  }
0xc0: {  	_ =	sfence.sel $0xFFFF  }
0xc1: {  	[dreg:$0x0] =	wrdreg $0xFFFFFFFF;
	(pc) =	sbr.abs _section_cstart, $3  }
0xc2: {  	[dreg:$0x1] =	wrdreg $0xFFFFFFFF  }
0xc3: {  	_ =	task.clear_ibuf [dreg:s8], $0x2FFFF;
	_ =	strace $0x9FFFFFFF  }
0xc4: {  	(tm) =	ssettm $0x7FFFFFFF  }
0xc5: {  	_ =	shalt  }
tec
execute0_lowered:
.L_overlay_start_1:
0x0: {  	(tag) =	ssettag $0x1  }
0x1: {  	s4 =	rddreg [dreg:$0x0]  }
0x2: {  	s8 =	rddreg [dreg:$0x1]  }
0x3: {  	s0 =	stileid.u32;
	s1 =	srdreg.scid  }
0x4: {  	s7 =	rddreg [dreg:$0x2];
	s2 =	simm.s32 $0x0;
	s5 =	smul.u32 $0x30D40, s0  }
0x5: {  	s3 =	sand.u32 $0x1, s1;
	s1 =	rddreg [dreg:$0x3];
	s10 =	smul.u32 $0xC350, s0  }
0x6: {  	[smem:$0x7FF] =	sst s2;
	s6 =	smul.u32 $0x186A0, s3;
	s9 =	ssub.s32 $0x2, s3  }
0x7: {  	_ =	strace $0x80000047;
	s12 =	smul.u32 $0x61A8, s3;
	s11 =	sshrl.u32 s9, $0x1  }
0x8: {  	s3 =	sadd.s32 $0xCE00, s4;
	s5 =	sadd.s32 s5, s4;
	s30 =	ssub.s32 s9, s11  }
0x9: {  	s6 =	sadd.s32 s6, s5;
	s31 =	sadd.s32 s12, s10;
	s10 =	simm.s32 $0x3E8  }
0xa: {  	s11 =	simm.s32 $0x1;
	s12 =	simm.s32 $0x0;
	s4 =	smax.u32 s30, $0x1  }
0xb: {  	s5 =	sadd.s32 $0x4A0E00, s6;
	s6 =	sadd.s32 $0x193A00, s6;
	s9 =	sshrl.u32 s31, $0x3  }
0xc: {  	s7 =	sadd.s32 s9, s7;
	s8 =	sadd.s32 s9, s8;
	s9 =	simm.s32 $0x2  }
.LBB2_1:
0xd: {  	s13 =	sadd.s32 $0x0, s8  }
0xe: {  	[tilespmem:s2], [sflag:$0x2] =	stream.linear.gather [hbm4b:s13+s2], $0x3E8, $0x38;
	[tilespmem:$0x80E8] =	vst v63  }
0xf: {  	_ =	swait.ge [sflag:s9], $0x3E8  }
0x10: {  	[sflag:s9] =	ssyncset.done $0x0  }
0x11: {  	[sflag:s9] =	ssyncadd.s32 $0xFFFFFC18  }
0x12: {  	[tilespmem:s10], [sflag:$0x1] =	stream.indirect.gather [hbm4b:s3+s10], $0x20, s2, s10, $0xb8;
	[tilespmem:$0x80E8] =	vst v63  }
0x13: {  	_ =	swait.ge [sflag:s11], $0x7D00  }
0x14: {  	[sflag:s11] =	ssyncset.done $0x0  }
0x15: {  	[sflag:s11] =	ssyncadd.s32 $0xFFFF8300  }
0x16: {  	[hbm4b:s6+s2] =	stream.linear.scatter [tilespmem:s10], [sflag:$0x2], $0x7D00, $0x38;
	[tilespmem:$0x80E8] =	vst v63  }
0x17: {  	_ =	swait.ge [sflag:s9], $0x7D00  }
0x18: {  	[sflag:s9] =	ssyncset.done $0x0  }
0x19: {  	s31 =	sadd.s32 $0x0, s7;
	[sflag:s9] =	ssyncadd.s32 $0xFFFF8300  }
0x1a: {  	[tilespmem:s2], [sflag:$0x2] =	stream.linear.gather [hbm4b:s31+s2], $0x3E8, $0x38;
	[tilespmem:$0x80E8] =	vst v63  }
0x1b: {  	_ =	swait.ge [sflag:s9], $0x3E8  }
0x1c: {  	[sflag:s9] =	ssyncset.done $0x0  }
0x1d: {  	[sflag:s9] =	ssyncadd.s32 $0xFFFFFC18  }
0x1e: {  	[tilespmem:s10], [sflag:$0x1] =	stream.indirect.gather [hbm4b:s3+s10], $0x20, s2, s10, $0xb8;
	[tilespmem:$0x80E8] =	vst v63  }
0x1f: {  	_ =	swait.ge [sflag:s11], $0x7D00  }
0x20: {  	[sflag:s11] =	ssyncset.done $0x0  }
0x21: {  	[sflag:s11] =	ssyncadd.s32 $0xFFFF8300  }
0x22: {  	[hbm4b:s5+s2] =	stream.linear.scatter [tilespmem:s10], [sflag:$0x2], $0x7D00, $0x38;
	[tilespmem:$0x80E8] =	vst v63  }
0x23: {  	s14 =	simm.s32 $0x7D;
	s16 =	simm.s32 $0xFA;
	_ =	swait.ge [sflag:s9], $0x7D00  }
0x24: {  	s15 =	sadd.s32 $0xFA0, s6;
	s13 =	sadd.s32 $0xFA0, s5;
	[sflag:s9] =	ssyncset.done $0x0  }
.LBB2_2:
0x25: {  	s17 =	sadd.s32 s14, s8  }
0x26: {  	[sflag:s9] =	ssyncadd.s32 $0xFFFF8300;
	s18 =	smov.u32 s16;
	s19 =	sadd.s32 $0x7D, s16  }
0x27: {  	[tilespmem:s2], [sflag:$0x2] =	stream.linear.gather [hbm4b:s17+s2], $0x3E8, $0x38;
	[tilespmem:$0x80E8] =	vst v63  }
0x28: {  	p0 =	sne.s32 s16, $0xBB8;
	_ =	swait.ge [sflag:s9], $0x3E8  }
0x29: {  	[sflag:s9] =	ssyncset.done $0x0  }
0x2a: {  	[sflag:s9] =	ssyncadd.s32 $0xFFFFFC18  }
0x2b: {  	[tilespmem:s10], [sflag:$0x1] =	stream.indirect.gather [hbm4b:s3+s10], $0x20, s2, s10, $0xb8;
	[tilespmem:$0x80E8] =	vst v63  }
0x2c: {  	_ =	swait.ge [sflag:s11], $0x7D00  }
0x2d: {  	[sflag:s11] =	ssyncset.done $0x0  }
0x2e: {  	[sflag:s11] =	ssyncadd.s32 $0xFFFF8300  }
0x2f: {  	[hbm4b:s15+s2] =	stream.linear.scatter [tilespmem:s10], [sflag:$0x2], $0x7D00, $0x38;
	[tilespmem:$0x80E8] =	vst v63  }
0x30: {  	_ =	swait.ge [sflag:s9], $0x7D00  }
0x31: {  	[sflag:s9] =	ssyncset.done $0x0  }
0x32: {  	s16 =	sadd.s32 s14, s7;
	s14 =	smov.u32 s18;
	[sflag:s9] =	ssyncadd.s32 $0xFFFF8300  }
0x33: {  	[tilespmem:s2], [sflag:$0x2] =	stream.linear.gather [hbm4b:s16+s2], $0x3E8, $0x38;
	[tilespmem:$0x80E8] =	vst v63  }
0x34: {  	_ =	swait.ge [sflag:s9], $0x3E8  }
0x35: {  	[sflag:s9] =	ssyncset.done $0x0  }
0x36: {  	[sflag:s9] =	ssyncadd.s32 $0xFFFFFC18  }
0x37: {  	[tilespmem:s10], [sflag:$0x1] =	stream.indirect.gather [hbm4b:s3+s10], $0x20, s2, s10, $0xb8;
	[tilespmem:$0x80E8] =	vst v63  }
0x38: {  	_ =	swait.ge [sflag:s11], $0x7D00  }
.Ltmp0:
0x39: {  	[sflag:s11] =	ssyncset.done $0x0;
	(pc) =	sbr.rel @p0 .LBB2_2-.Ltmp0, $4  }
0x3a: {  	[sflag:s11] =	ssyncadd.s32 $0xFFFF8300  }
0x3b: {  	[hbm4b:s13+s2] =	stream.linear.scatter [tilespmem:s10], [sflag:$0x2], $0x7D00, $0x38;
	[tilespmem:$0x80E8] =	vst v63  }
0x3c: {  	s15 =	sadd.s32 $0xFA0, s15;
	_ =	swait.ge [sflag:s9], $0x7D00  }
0x3d: {  	s16 =	smov.u32 s19;
	s13 =	sadd.s32 $0xFA0, s13;
	[sflag:s9] =	ssyncset.done $0x0  }
0x3e: {  	s16 =	sadd.s32 s14, s8;
	[sflag:s9] =	ssyncadd.s32 $0xFFFF8300  }
0x3f: {  	[tilespmem:s2], [sflag:$0x2] =	stream.linear.gather [hbm4b:s16+s2], $0x3E8, $0x38;
	[tilespmem:$0x80E8] =	vst v63  }
0x40: {  	_ =	swait.ge [sflag:s9], $0x3E8  }
0x41: {  	[sflag:s9] =	ssyncset.done $0x0  }
0x42: {  	[sflag:s9] =	ssyncadd.s32 $0xFFFFFC18  }
0x43: {  	[tilespmem:s10], [sflag:$0x1] =	stream.indirect.gather [hbm4b:s3+s10], $0x20, s2, s10, $0xb8;
	[tilespmem:$0x80E8] =	vst v63  }
0x44: {  	_ =	swait.ge [sflag:s11], $0x7D00  }
0x45: {  	[sflag:s11] =	ssyncset.done $0x0  }
0x46: {  	[sflag:s11] =	ssyncadd.s32 $0xFFFF8300  }
0x47: {  	[hbm4b:s15+s2] =	stream.linear.scatter [tilespmem:s10], [sflag:$0x2], $0x7D00, $0x38;
	[tilespmem:$0x80E8] =	vst v63  }
0x48: {  	_ =	swait.ge [sflag:s9], $0x7D00  }
0x49: {  	[sflag:s9] =	ssyncset.done $0x0  }
0x4a: {  	s31 =	sadd.s32 s14, s7;
	[sflag:s9] =	ssyncadd.s32 $0xFFFF8300  }
0x4b: {  	[tilespmem:s2], [sflag:$0x2] =	stream.linear.gather [hbm4b:s31+s2], $0x3E8, $0x38;
	[tilespmem:$0x80E8] =	vst v63  }
0x4c: {  	_ =	swait.ge [sflag:s9], $0x3E8  }
0x4d: {  	[sflag:s9] =	ssyncset.done $0x0  }
0x4e: {  	[sflag:s9] =	ssyncadd.s32 $0xFFFFFC18  }
0x4f: {  	[tilespmem:s10], [sflag:$0x1] =	stream.indirect.gather [hbm4b:s3+s10], $0x20, s2, s10, $0xb8;
	[tilespmem:$0x80E8] =	vst v63  }
0x50: {  	s12 =	sadd.s32 $0x1, s12;
	_ =	swait.ge [sflag:s11], $0x7D00  }
0x51: {  	p0 =	sne.s32 s12, s4;
	[sflag:s11] =	ssyncset.done $0x0  }
.Ltmp1:
0x52: {  	[sflag:s11] =	ssyncadd.s32 $0xFFFF8300;
	(pc) =	sbr.rel @p0 .LBB2_1-.Ltmp1, $4  }
0x53: {  	[hbm4b:s13+s2] =	stream.linear.scatter [tilespmem:s10], [sflag:$0x2], $0x7D00, $0x38;
	[tilespmem:$0x80E8] =	vst v63  }
0x54: {  	_ =	swait.ge [sflag:s9], $0x7D00  }
0x55: {  	[sflag:s9] =	ssyncset.done $0x0  }
0x56: {  	[sflag:s9] =	ssyncadd.s32 $0xFFFF8300  }
0x57: {  	_ =	sfence.sel $0x180000  }
0x58: {  	[bflag:$0x0] =	sbarrier.arrive $0xFFFF  }
0x59: {  	p0 =	sne.s32 s0, $0x0;
	_ =	strace $0x90000047  }
0x5a: {  	s0 =	sadd.s32 @!p0 $0x100000, s1;
	[bflag:$0x2] =	sbarrier.arrive $0xFFFF  }
0x5b: {  	[sflag:s0] =	ssyncadd.tile.s32 @!p0 $0x1;
	_ =	shalt  }
.Lfunc_end2:
_tile_overlayer_lowered:
.L_overlay_start_2:
0x5c: {  	(tag) =	ssettag $0x2  }
0x5d: {  	s0 =	rddreg [dreg:$0x0];
	s2 =	stileid.u32  }
0x5e: {  	s1 =	rddreg [dreg:$0x1];
	p0 =	sne.s32 s2, $0x0  }
0x5f: {  	s3 =	rddreg [dreg:$0x2];
	[bflag:$0x3] =	sbarrier.arrive $0xFFFF;
	s2 =	simm.s32 @!p0 $0x1C02  }
0x60: {  	[timem:s3], [sflag:s2] =	dma.local @!p0 [hbm:s0], s1  }
0x61: {  	s0 =	simm.s32 @!p0 $0x2  }
0x62: {  	_ =	swait.ge @!p0 [sflag:s0], s1  }
0x63: {  	s1 =	ssub.s32 @!p0 $0x0, s1;
	[sflag:s0] =	ssyncset.done @!p0 $0x0  }
0x64: {  	[sflag:s0] =	ssyncadd.s32 @!p0 s1  }
0x65: {  	[bflag:$0x3] =	sbarrier.arrive $0xFFFF  }
0x66: {  	_ =	shalt  }

// kernel: kernel.25.cloned.1.call-start
scs
__scs_entry_jumppad:
0x0: {  	(pc) =	sbr.rel $0x88, $3  }
0x1: {  	(tag) =	ssettag $0x0;
	lr =	simm.s32 $0x1  }
0x2: {  	[smem:$0x3F5B] =	sst lr;
	_ =	strace $0xD0000000  }
0x3: {  	_ = 	snop  }
0x4: {  	_ = 	snop  }
0x5: {  	_ = 	snop  }
0x6: {  	_ = 	snop  }
0x7: {  	_ = 	snop  }
__scs_overlays_trampoline_lowered:
0x8: {  	[smem:$0x3F6A] =	sst s0  }
0x9: {  	[smem:$0x3F6B] =	sst s1  }
0xa: {  	[smem:$0x3F6C] =	sst s2  }
0xb: {  	[smem:$0x3F6D] =	sst s3  }
0xc: {  	[smem:$0x3F6E] =	sst s4  }
0xd: {  	[smem:$0x3F6F] =	sst s5  }
0xe: {  	[smem:$0x3F70] =	sst s6  }
0xf: {  	[smem:$0x3F71] =	sst s7  }
0x10: {  	[smem:$0x3F72] =	sst s8  }
0x11: {  	[smem:$0x3F73] =	sst s9;
	s0 =	simm.s32 @!p0 $0x0  }
0x12: {  	s1 =	sld [smem:$0x3F59];
	s0 =	simm.s32 @p0 $0x1  }
0x13: {  	[smem:$0x3F74] =	sst s0;
	s0 =	simm.s32 @!p1 $0x0  }
0x14: {  	s2 =	sld [smem:$0x3F58];
	s0 =	simm.s32 @p1 $0x1  }
0x15: {  	[smem:$0x3F75] =	sst s0;
	s0 =	simm.s32 @!p2 $0x0  }
0x16: {  	s3 =	sld [smem:$0x3FDB];
	s0 =	simm.s32 @p2 $0x1  }
0x17: {  	s4 =	simm.s32 $0x1BF5;
	[smem:$0x3F77] =	sst s0  }
0x18: {  	s0 =	sld [smem:$0x3F5A];
	_ =	swait.ge [sflag:s4], $0x0  }
0x19: {  	s7 =	sld [smem:$0x3F5B]  }
0x1a: {  	s8 =	sadd.s32 $0xFFFFE003, lr  }
0x1b: {  	s9 =	sadd.s32 $0xFFFFFEF7, lr;
	s5 =	simm.s32 $0xFFFFFFFF;
	p2 =	slt.u32 s8, $0xFFFFF086  }
0x1c: {  	p1 =	slt.u32 s9, $0xF7A;
	s5 =	simm.s32 @!p2 $0x0  }
0x1d: {  	s5 =	simm.s32 @p1 $0x1;
	p0 =	seq.s32 s7, s2  }
0x1e: {  	s7 =	smul.u32 @!p0 $0xF7A, s2;
	p2 =	seq.s32 @!p0 s5, $0x0  }
0x1f: {  	s9 =	smul.u32 $0xF7A, s1;
	s8 =	simm.s32 @!p0 $0x1BF5;
	p2 =	por !p2, p0  }
0x20: {  	[sflag:s8] =	ssyncset.s32 @!p0 $0xFFFFF086;
	s6 =	sadd.s32 @!p0 s3, s7;
	s7 =	simm.s32 @!p0 $0x108  }
0x21: {  	s3 =	sadd.s32 s3, s9;
	s6 =	sadd.s32 @!p0 $0x88, s6;
	s7 =	simm.s32 @p2 $0x1082  }
0x22: {  	[simem:s7], [sflag:s8] =	dma.local @!p0 [hbm:s6], $0xF7A  }
0x23: {  	s9 =	sor.u32 $0xD0000000, s2;
	s6 =	simm.s32 $0x108;
	_ =	swait.ge @!p0 [sflag:s8], $0x0  }
0x24: {  	s3 =	sadd.s32 $0x88, s3;
	s6 =	simm.s32 @!p1 $0x1082;
	[sflag:s4] =	ssyncset.s32 $0xFFFFF086  }
0x25: {  	[simem:s6], [sflag:s4] =	dma.local [hbm:s3], $0xF7A  }
0x26: {  	[smem:$0x3F5B] =	sst s1;
	(tag) =	ssettag s2;
	_ =	strace s9  }
0x27: {  	s1 =	sld [smem:$0x3F6B]  }
0x28: {  	s2 =	sld [smem:$0x3F6C]  }
0x29: {  	s4 =	sld [smem:$0x3F6E]  }
0x2a: {  	p0 =	seq.s32 s5, $0x0;
	s5 =	sld [smem:$0x3F6F]  }
0x2b: {  	s6 =	sld [smem:$0x3F70]  }
0x2c: {  	s7 =	sld [smem:$0x3F71]  }
0x2d: {  	s3 =	simm.s32 $0x108;
	s8 =	sld [smem:$0x3F72]  }
0x2e: {  	s3 =	simm.s32 @!p0 $0x1082;
	s9 =	sld [smem:$0x3F73]  }
0x2f: {  	lr =	sadd.s32 s0, s3;
	s0 =	sld [smem:$0x3F6A]  }
0x30: {  	s3 =	sld [smem:$0x3F6D]  }
0x31: {  	[smem:$0x3F76] =	sst s10  }
0x32: {  	s10 =	sld [smem:$0x3F74];
	_ =	sdelay $0x3  }
0x33: {  	p0 =	seq.s32 s10, $0x1;
	s10 =	sld [smem:$0x3F76];
	_ =	sdelay $0x3  }
0x34: {  	[smem:$0x3F76] =	sst s10  }
0x35: {  	s10 =	sld [smem:$0x3F75];
	_ =	sdelay $0x3  }
0x36: {  	p1 =	seq.s32 s10, $0x1;
	s10 =	sld [smem:$0x3F76];
	_ =	sdelay $0x3  }
0x37: {  	[smem:$0x3F76] =	sst s10  }
0x38: {  	s10 =	sld [smem:$0x3F77]  }
0x39: {  	_ = 	snop;
	(pc) =	sbr.ind lr, $3  }
0x3a: {  	_ = 	snop  }
0x3b: {  	_ = 	snop  }
0x3c: {  	p2 =	seq.s32 s10, $0x1;
	s10 =	sld [smem:$0x3F76]  }
0x3d: {  	_ =	shalt  }
0x3e: {  	_ =	shalt  }
0x3f: {  	_ =	shalt  }
0x40: {  	_ =	shalt  }
0x41: {  	_ =	shalt  }
0x42: {  	_ =	shalt  }
0x43: {  	_ =	shalt  }
0x44: {  	_ =	shalt  }
0x45: {  	_ =	shalt  }
0x46: {  	_ =	shalt  }
0x47: {  	_ =	shalt  }
0x48: {  	_ =	shalt  }
0x49: {  	_ =	shalt  }
0x4a: {  	_ =	shalt  }
0x4b: {  	_ =	shalt  }
0x4c: {  	_ =	shalt  }
0x4d: {  	_ =	shalt  }
0x4e: {  	_ =	shalt  }
0x4f: {  	_ =	shalt  }
0x50: {  	_ =	shalt  }
0x51: {  	_ =	shalt  }
0x52: {  	_ =	shalt  }
0x53: {  	_ =	shalt  }
0x54: {  	_ =	shalt  }
0x55: {  	_ =	shalt  }
0x56: {  	_ =	shalt  }
0x57: {  	_ =	shalt  }
0x58: {  	_ =	shalt  }
0x59: {  	_ =	shalt  }
0x5a: {  	_ =	shalt  }
0x5b: {  	_ =	shalt  }
0x5c: {  	_ =	shalt  }
0x5d: {  	_ =	shalt  }
0x5e: {  	_ =	shalt  }
0x5f: {  	_ =	shalt  }
0x60: {  	_ =	shalt  }
0x61: {  	_ =	shalt  }
0x62: {  	_ =	shalt  }
0x63: {  	_ =	shalt  }
0x64: {  	_ =	shalt  }
0x65: {  	_ =	shalt  }
0x66: {  	_ =	shalt  }
0x67: {  	_ =	shalt  }
0x68: {  	_ =	shalt  }
0x69: {  	_ =	shalt  }
0x6a: {  	_ =	shalt  }
0x6b: {  	_ =	shalt  }
0x6c: {  	_ =	shalt  }
0x6d: {  	_ =	shalt  }
0x6e: {  	_ =	shalt  }
0x6f: {  	_ =	shalt  }
0x70: {  	_ =	shalt  }
0x71: {  	_ =	shalt  }
0x72: {  	_ =	shalt  }
0x73: {  	_ =	shalt  }
0x74: {  	_ =	shalt  }
0x75: {  	_ =	shalt  }
0x76: {  	_ =	shalt  }
0x77: {  	_ =	shalt  }
0x78: {  	_ =	shalt  }
0x79: {  	_ =	shalt  }
0x7a: {  	_ =	shalt  }
0x7b: {  	_ =	shalt  }
0x7c: {  	_ =	shalt  }
0x7d: {  	_ =	shalt  }
0x7e: {  	_ =	shalt  }
0x7f: {  	_ =	shalt  }
0x80: {  	_ =	shalt  }
0x81: {  	_ =	shalt  }
0x82: {  	_ =	shalt  }
0x83: {  	_ =	shalt  }
0x84: {  	_ =	shalt  }
0x85: {  	_ =	shalt  }
0x86: {  	_ =	shalt  }
0x87: {  	_ =	shalt  }
.Lfunc_end0:
.L_simem_size_0:
called_computation.2_lowered:
.L_overlay_start_0:
0x88: {  	s2 =	sld [smem:$0x3FD9]  }
0x89: {  	s3 =	sld [smem:$0x3FFE];
	_ =	sdelay $0x1  }
0x8a: {  	s1 =	srdreg.scid  }
0x8b: {  	s0 =	sand.u32 $0x1, s1  }
0x8c: {  	s17 =	sshll.u32 s0, $0xA;
	s2 =	sadd.s32 s3, s2  }
0x8d: {  	s2 =	sadd.s32 s2, s17  }
0x8e: {  	[smem:$0x3F82] =	sst s2  }
0x8f: {  	_ = 	snop  }
0x90: {  	s18 =	sld [smem:$0x3FC6];
	(tm) =	ssettm $0x1  }
0x91: {  	s19 =	sld [smem:$0x3FFB];
	_ =	sdelay $0x3  }
0x92: {  	_ =	strace s19  }
0x93: {  	s2 =	sld [smem:$0x3FFC];
	_ =	sdelay $0x3  }
0x94: {  	_ =	strace s2  }
0x95: {  	s2 =	sld [smem:$0x3FFD];
	_ =	sdelay $0x3  }
0x96: {  	_ =	strace s2  }
0x97: {  	_ =	strace $0x8FFFFFFF  }
0x98: {  	s20 =	sld [smem:$0x3FDB];
	_ =	sdelay $0x1  }
0x99: {  	s4 =	simm.s32 $_scs_section_size  }
0x9a: {  	s5 =	simm.s32 $_size__tile_overlayer_lowered;
	s6 =	simm.s32 $_tile_overlayer_lowered  }
0x9b: {  	s7 =	simm.s32 $0x1BFF;
	s21 =	sshll.u32 s6, $0x1;
	s4 =	sadd.s32 s4, s20  }
0x9c: {  	s22 =	simm.s32 $0x0;
	s5 =	sshll.u32 s5, $0x1;
	s6 =	sadd.s32 s21, s4  }
0x9d: {  	[timem:s22], [sflag:s7] =	dma.local [hbm:s6], s5  }
0x9e: {  	_ =	swait.ge [sflag:s7], s5  }
0x9f: {  	s5 =	ssub.s32 $0x0, s5;
	[sflag:s7] =	ssyncset.done $0x0  }
0xa0: {  	[sflag:s7] =	ssyncadd.s32 s5;
	_ =	sdelay $0x1  }
0xa1: {  	s23 =	simm.s32 $0x1B8B  }
0xa2: {  	_ =	swait.ge [sflag:s23], $0x1  }
0xa3: {  	[sflag:s23] =	ssyncset.done $0x0  }
0xa4: {  	[sflag:s23] =	ssyncadd.s32 $0xFFFFFFFF  }
0xa5: {  	s5 =	sld [smem:$0x0]  }
0xa6: {  	s6 =	sand.u32 $0xFFFFFFFE, s1  }
0xa7: {  	p0 =	sne.s32 s1, s6  }
0xa8: {  	s6 =	sshll.u32 @p0 s6, $0xE  }
0xa9: {  	s6 =	sadd.s32 @p0 $0x11B8D, s6;
	s7 =	sshll.u32 @p0 s5, $0x11  }
0xaa: {  	s6 =	sor.u32 @p0 s7, s6  }
0xab: {  	[sflag:s6] =	ssyncadd.remote.s32 @p0 $0x1;
	_ =	sdelay $0x1  }
0xac: {  	s6 =	simm.s32 @p0 $0x1B8D  }
0xad: {  	_ =	swait.eq @p0 [sflag:s6], $0x1  }
0xae: {  	[sflag:s6] =	ssyncadd.s32 @p0 $0xFFFFFFFF  }
0xaf: {  	s7 =	sshll.u32 @!p0 s1, $0xE  }
0xb0: {  	s7 =	sor.u32 @!p0 $0x4000, s7;
	s6 =	simm.s32 @!p0 $0x1B8D  }
0xb1: {  	s5 =	sshll.u32 @!p0 s5, $0x11;
	s7 =	sadd.s32 @!p0 $0x11B8D, s7;
	_ =	swait.eq @!p0 [sflag:s6], $0x1  }
0xb2: {  	s5 =	sor.u32 @!p0 s5, s7;
	[sflag:s6] =	ssyncadd.s32 @!p0 $0xFFFFFFFF  }
0xb3: {  	s25 =	simm.s32 $0x1B8E;
	s24 =	sld [smem:$0x3FFE];
	[sflag:s5] =	ssyncadd.remote.s32 @!p0 $0x1  }
0xb4: {  	s26 =	simm.s32 $execute0_lowered;
	[smem:$0x3FD2] =	sst s25  }
0xb5: {  	s6 =	sshll.u32 s26, $0x1;
	_ =	strace $0x8000004C;
	[dreg:$0x1] =	wrdreg $0xFFFFFFFF  }
0xb6: {  	s28 =	simm.s32 $_size_execute0_lowered;
	s4 =	sadd.s32 s4, s6;
	[dreg:$0x0] =	wrdreg $0x0  }
0xb7: {  	s6 =	sshll.u32 s28, $0x1;
	[dreg:$0x2] =	wrdreg s4  }
0xb8: {  	[dreg:$0x3] =	wrdreg s6  }
0xb9: {  	[dreg:$0x4] =	wrdreg $0xC0  }
0xba: {  	_ =	task [dreg:s22], $0x5FFFF  }
0xbb: {  	[dreg:$0x1] =	wrdreg $0xFFFFFFFF  }
0xbc: {  	[dreg:$0x0] =	wrdreg $0x60  }
0xbd: {  	[dreg:$0x2] =	wrdreg s24  }
0xbe: {  	[dreg:$0x3] =	wrdreg s18  }
0xbf: {  	[dreg:$0x4] =	wrdreg $0x42680  }
0xc0: {  	[dreg:$0x5] =	wrdreg $0xA  }
0xc1: {  	_ =	task.clear_ibuf [dreg:s22], $0x6FFFF;
	_ =	strace $0x9000004C  }
0xc2: {  	s29 =	simm.s32 $0xA;
	_ =	strace $0x8000004E  }
0xc3: {  	_ =	swait.ge [sflag:s29], $0x1  }
0xc4: {  	[sflag:s29] =	ssyncadd.s32 $0xFFFFFFFF  }
0xc5: {  	_ =	strace $0x9000004E  }
0xc6: {  	_ =	sfence  }
0xc7: {  	s30 =	sld [smem:$0x0];
	_ =	sdelay $0x2  }
0xc8: {  	s31 =	sshll.u32 s1, $0xD;
	s1 =	sshrl.u32 s1, $0x2  }
0xc9: {  	s4 =	sand.u32 $0x4000, s31;
	s1 =	sadd.s32 s1, s30  }
0xca: {  	s0 =	sor.u32 s4, s0;
	s1 =	sshll.u32 s1, $0x11  }
0xcb: {  	s0 =	sor.u32 s1, s0  }
0xcc: {  	s0 =	sadd.s32 $0x8F2B, s0  }
0xcd: {  	[sflag:s0] =	ssyncadd.remote.s32 $0x1  }
0xce: {  	_ =	sfence.sel $0xFFFF  }
0xcf: {  	[dreg:$0x0] =	wrdreg $0xFFFFFFFF;
	(pc) =	sbr.abs _section_cstart, $3  }
0xd0: {  	[dreg:$0x1] =	wrdreg $0xFFFFFFFF  }
0xd1: {  	_ =	task.clear_ibuf [dreg:s22], $0x2FFFF;
	_ =	strace $0x9FFFFFFF  }
0xd2: {  	(tm) =	ssettm $0x7FFFFFFF  }
0xd3: {  	_ =	shalt  }
tec
execute0_lowered:
.L_overlay_start_1:
0x0: {  	(tag) =	ssettag $0x1  }
0x1: {  	s5 =	rddreg [dreg:$0x0]  }
0x2: {  	s9 =	rddreg [dreg:$0x1]  }
0x3: {  	s2 =	rddreg [dreg:$0x2]  }
0x4: {  	s0 =	rddreg [dreg:$0x3]  }
0x5: {  	s1 =	stileid.u32;
	s3 =	simm.s32 $0x0;
	s4 =	srdreg.scid  }
0x6: {  	s14 =	simm.s32 $0x3E8;
	s15 =	simm.s32 $0x4;
	s16 =	simm.s32 $0x2  }
0x7: {  	s17 =	simm.s32 $0x0;
	s6 =	smul.u32 $0x30D40, s1;
	[smem:$0x7FF] =	sst s3  }
0x8: {  	s7 =	sand.u32 $0x1, s4;
	s26 =	smul.u32 $0x186A0, s1;
	s4 =	sadd.s32 $0x3DC00, s5  }
0x9: {  	s30 =	sshll.u32 s1, $0x6;
	s13 =	smul.u32 $0x186A, s1;
	_ =	strace $0x8000004D  }
0xa: {  	s8 =	sshll.u32 s7, $0x4;
	s11 =	ssub.s32 $0x2, s7;
	s31 =	sshll.u32 s7, $0x1  }
0xb: {  	s10 =	sadd.s32 s6, s5;
	s8 =	sor.u32 s8, s26;
	s12 =	sshrl.u32 s11, $0x1  }
0xc: {  	s28 =	sshrl.u32 s6, $0x2;
	s9 =	sadd.s32 s13, s9;
	s13 =	simm.s32 $0x20  }
0xd: {  	s8 =	sshrl.u32 s8, $0x3;
	s11 =	ssub.s32 s11, s12;
	s29 =	sadd.s32 s28, s2  }
0xe: {  	s10 =	sadd.s32 s31, s10;
	s12 =	simm.s32 $0x10;
	s8 =	sadd.s32 s8, s5  }
0xf: {  	s5 =	sor.u32 $0x1C01, s30;
	s7 =	smax.u32 s11, $0x1;
	s11 =	simm.s32 $0x1  }
0x10: {  	s6 =	sadd.s32 $0xCE00, s8;
	s8 =	sadd.s32 $0x7AE200, s10;
	s10 =	sshrl.u32 s29, $0x3  }
.LBB2_1:
0x11: {  	[spmem:s10], [sflag:s5] =	dma.local [hbm:s4], $0x186A  }
0x12: {  	_ =	swait.ge [sflag:s11], $0x186A  }
0x13: {  	[sflag:s11] =	ssyncset.done $0x0  }
0x14: {  	[sflag:s11] =	ssyncadd.s32 $0xFFFFE796  }
0x15: {  	s18 =	sadd.s32 $0x0, s9;
	[bflag:$0x0] =	sbarrier.arrive $0xFFFF  }
0x16: {  	[tilespmem:s3], [sflag:$0x1] =	stream.linear.gather [hbm4b:s18+s3], $0x3E8, $0x38;
	[tilespmem:$0x105B8] =	vst v63  }
0x17: {  	_ =	swait.ge [sflag:s11], $0x3E8  }
0x18: {  	[sflag:s11] =	ssyncset.done $0x0  }
0x19: {  	[sflag:s11] =	ssyncadd.s32 $0xFFFFFC18  }
0x1a: {  	[tilespmem:s14], [sflag:$0x1] =	stream.strided.gather [hbm4b:s8+s12], $0x3E80, s13, s12, $0x38;
	[tilespmem:$0x105B8] =	vst v63  }
0x1b: {  	_ =	swait.ge [sflag:s11], $0x3E80  }
0x1c: {  	[sflag:s11] =	ssyncset.done $0x0  }
0x1d: {  	[sflag:s11] =	ssyncadd.s32 $0xFFFFC180  }
0x1e: {  	[spmem:s2] =	stream.indirect.scatter.add.f32 [tilespmem:s14], [sflag:$0x1], $0x10, s3, s14, $0xb8;
	[tilespmem:$0x105B8] =	vst v63  }
0x1f: {  	s19 =	simm.s32 $0x7D;
	_ =	swait.ge [sflag:s11], $0x3E80  }
0x20: {  	s20 =	simm.s32 $0xFA;
	s18 =	sadd.s32 $0xFA0, s8;
	[sflag:s11] =	ssyncset.done $0x0  }
.LBB2_2:
0x21: {  	s21 =	sadd.s32 s19, s9  }
0x22: {  	[sflag:s11] =	ssyncadd.s32 $0xFFFFC180;
	s19 =	smov.u32 s20;
	s22 =	sadd.s32 $0x7D, s20  }
0x23: {  	[tilespmem:s3], [sflag:$0x1] =	stream.linear.gather [hbm4b:s21+s3], $0x3E8, $0x38;
	[tilespmem:$0x105B8] =	vst v63  }
0x24: {  	p0 =	sne.s32 s20, $0x17ED;
	_ =	swait.ge [sflag:s11], $0x3E8  }
0x25: {  	[sflag:s11] =	ssyncset.done $0x0  }
0x26: {  	[sflag:s11] =	ssyncadd.s32 $0xFFFFFC18  }
0x27: {  	[tilespmem:s14], [sflag:$0x1] =	stream.strided.gather [hbm4b:s18+s12], $0x3E80, s13, s12, $0x38;
	[tilespmem:$0x105B8] =	vst v63  }
0x28: {  	_ =	swait.ge [sflag:s11], $0x3E80  }
.Ltmp0:
0x29: {  	[sflag:s11] =	ssyncset.done $0x0;
	(pc) =	sbr.rel @p0 .LBB2_2-.Ltmp0, $4  }
0x2a: {  	[sflag:s11] =	ssyncadd.s32 $0xFFFFC180  }
0x2b: {  	[spmem:s2] =	stream.indirect.scatter.add.f32 [tilespmem:s14], [sflag:$0x1], $0x10, s3, s14, $0xb8;
	[tilespmem:$0x105B8] =	vst v63  }
0x2c: {  	_ =	swait.ge [sflag:s11], $0x3E80  }
0x2d: {  	s20 =	smov.u32 s22;
	s18 =	sadd.s32 $0xFA0, s18;
	[sflag:s11] =	ssyncset.done $0x0  }
0x2e: {  	s19 =	sadd.s32 s19, s9;
	[sflag:s11] =	ssyncadd.s32 $0xFFFFC180  }
0x2f: {  	[tilespmem:s3], [sflag:$0x1] =	stream.linear.gather [hbm4b:s19+s3], $0x3E8, $0x38;
	[tilespmem:$0x105B8] =	vst v63  }
0x30: {  	_ =	swait.ge [sflag:s11], $0x3E8  }
0x31: {  	[sflag:s11] =	ssyncset.done $0x0  }
0x32: {  	[sflag:s11] =	ssyncadd.s32 $0xFFFFFC18  }
0x33: {  	[tilespmem:s14], [sflag:$0x1] =	stream.strided.gather [hbm4b:s18+s12], $0x3E80, s13, s12, $0x38;
	[tilespmem:$0x105B8] =	vst v63  }
0x34: {  	_ =	swait.ge [sflag:s11], $0x3E80  }
0x35: {  	[sflag:s11] =	ssyncset.done $0x0  }
0x36: {  	[sflag:s11] =	ssyncadd.s32 $0xFFFFC180  }
0x37: {  	[spmem:s2] =	stream.indirect.scatter.add.f32 [tilespmem:s14], [sflag:$0x1], $0x10, s3, s14, $0xb8;
	[tilespmem:$0x105B8] =	vst v63  }
0x38: {  	_ =	swait.ge [sflag:s11], $0x3E80  }
0x39: {  	s17 =	sadd.s32 $0x1, s17;
	[sflag:s11] =	ssyncset.done $0x0  }
0x3a: {  	p0 =	sne.s32 s17, s7;
	[sflag:s11] =	ssyncadd.s32 $0xFFFFC180  }
.Ltmp1:
0x3b: {  	[bflag:$0x0] =	sbarrier.arrive $0xFFFF;
	(pc) =	sbr.rel @p0 .LBB2_1-.Ltmp1, $4  }
0x3c: {  	[hbm:s6@s15], [sflag:s5] =	dma.strided [spmem:s10@s16], $0x186A, s11, $0x2   }
0x3d: {  	_ =	swait.ge [sflag:s11], $0x186A  }
0x3e: {  	[sflag:s11] =	ssyncset.done $0x0  }
0x3f: {  	[sflag:s11] =	ssyncadd.s32 $0xFFFFE796  }
0x40: {  	_ =	sfence.sel $0x180000  }
0x41: {  	[bflag:$0x0] =	sbarrier.arrive $0xFFFF  }
0x42: {  	p0 =	sne.s32 s1, $0x0;
	_ =	strace $0x9000004D  }
0x43: {  	s0 =	sadd.s32 @!p0 $0x100000, s0;
	[bflag:$0x2] =	sbarrier.arrive $0xFFFF  }
0x44: {  	[sflag:s0] =	ssyncadd.tile.s32 @!p0 $0x1;
	_ =	shalt  }
.Lfunc_end2:
_tile_overlayer_lowered:
.L_overlay_start_2:
0x45: {  	(tag) =	ssettag $0x2  }
0x46: {  	s0 =	rddreg [dreg:$0x0];
	s2 =	stileid.u32  }
0x47: {  	s1 =	rddreg [dreg:$0x1];
	p0 =	sne.s32 s2, $0x0  }
0x48: {  	s3 =	rddreg [dreg:$0x2];
	[bflag:$0x3] =	sbarrier.arrive $0xFFFF;
	s2 =	simm.s32 @!p0 $0x1C01  }
0x49: {  	[timem:s3], [sflag:s2] =	dma.local @!p0 [hbm:s0], s1  }
0x4a: {  	s0 =	simm.s32 @!p0 $0x1  }
0x4b: {  	_ =	swait.ge @!p0 [sflag:s0], s1  }
0x4c: {  	s1 =	ssub.s32 @!p0 $0x0, s1;
	[sflag:s0] =	ssyncset.done @!p0 $0x0  }
0x4d: {  	[sflag:s0] =	ssyncadd.s32 @!p0 s1  }
0x4e: {  	[bflag:$0x3] =	sbarrier.arrive $0xFFFF  }
0x4f: {  	_ =	shalt  }

// kernel: kernel.28.cloned.1.call-start
scs
__scs_entry_jumppad:
0x0: {  	(pc) =	sbr.rel $0x88, $3  }
0x1: {  	(tag) =	ssettag $0x0;
	lr =	simm.s32 $0x1  }
0x2: {  	[smem:$0x3F5B] =	sst lr;
	_ =	strace $0xD0000000  }
0x3: {  	_ = 	snop  }
0x4: {  	_ = 	snop  }
0x5: {  	_ = 	snop  }
0x6: {  	_ = 	snop  }
0x7: {  	_ = 	snop  }
__scs_overlays_trampoline_lowered:
0x8: {  	[smem:$0x3F6A] =	sst s0  }
0x9: {  	[smem:$0x3F6B] =	sst s1  }
0xa: {  	[smem:$0x3F6C] =	sst s2  }
0xb: {  	[smem:$0x3F6D] =	sst s3  }
0xc: {  	[smem:$0x3F6E] =	sst s4  }
0xd: {  	[smem:$0x3F6F] =	sst s5  }
0xe: {  	[smem:$0x3F70] =	sst s6  }
0xf: {  	[smem:$0x3F71] =	sst s7  }
0x10: {  	[smem:$0x3F72] =	sst s8  }
0x11: {  	[smem:$0x3F73] =	sst s9;
	s0 =	simm.s32 @!p0 $0x0  }
0x12: {  	s1 =	sld [smem:$0x3F59];
	s0 =	simm.s32 @p0 $0x1  }
0x13: {  	[smem:$0x3F74] =	sst s0;
	s0 =	simm.s32 @!p1 $0x0  }
0x14: {  	s2 =	sld [smem:$0x3F58];
	s0 =	simm.s32 @p1 $0x1  }
0x15: {  	[smem:$0x3F75] =	sst s0;
	s0 =	simm.s32 @!p2 $0x0  }
0x16: {  	s3 =	sld [smem:$0x3FDB];
	s0 =	simm.s32 @p2 $0x1  }
0x17: {  	s4 =	simm.s32 $0x1BF5;
	[smem:$0x3F77] =	sst s0  }
0x18: {  	s0 =	sld [smem:$0x3F5A];
	_ =	swait.ge [sflag:s4], $0x0  }
0x19: {  	s7 =	sld [smem:$0x3F5B]  }
0x1a: {  	s8 =	sadd.s32 $0xFFFFE003, lr  }
0x1b: {  	s9 =	sadd.s32 $0xFFFFFEF7, lr;
	s5 =	simm.s32 $0xFFFFFFFF;
	p2 =	slt.u32 s8, $0xFFFFF086  }
0x1c: {  	p1 =	slt.u32 s9, $0xF7A;
	s5 =	simm.s32 @!p2 $0x0  }
0x1d: {  	s5 =	simm.s32 @p1 $0x1;
	p0 =	seq.s32 s7, s2  }
0x1e: {  	s7 =	smul.u32 @!p0 $0xF7A, s2;
	p2 =	seq.s32 @!p0 s5, $0x0  }
0x1f: {  	s9 =	smul.u32 $0xF7A, s1;
	s8 =	simm.s32 @!p0 $0x1BF5;
	p2 =	por !p2, p0  }
0x20: {  	[sflag:s8] =	ssyncset.s32 @!p0 $0xFFFFF086;
	s6 =	sadd.s32 @!p0 s3, s7;
	s7 =	simm.s32 @!p0 $0x108  }
0x21: {  	s3 =	sadd.s32 s3, s9;
	s6 =	sadd.s32 @!p0 $0x88, s6;
	s7 =	simm.s32 @p2 $0x1082  }
0x22: {  	[simem:s7], [sflag:s8] =	dma.local @!p0 [hbm:s6], $0xF7A  }
0x23: {  	s9 =	sor.u32 $0xD0000000, s2;
	s6 =	simm.s32 $0x108;
	_ =	swait.ge @!p0 [sflag:s8], $0x0  }
0x24: {  	s3 =	sadd.s32 $0x88, s3;
	s6 =	simm.s32 @!p1 $0x1082;
	[sflag:s4] =	ssyncset.s32 $0xFFFFF086  }
0x25: {  	[simem:s6], [sflag:s4] =	dma.local [hbm:s3], $0xF7A  }
0x26: {  	[smem:$0x3F5B] =	sst s1;
	(tag) =	ssettag s2;
	_ =	strace s9  }
0x27: {  	s1 =	sld [smem:$0x3F6B]  }
0x28: {  	s2 =	sld [smem:$0x3F6C]  }
0x29: {  	s4 =	sld [smem:$0x3F6E]  }
0x2a: {  	p0 =	seq.s32 s5, $0x0;
	s5 =	sld [smem:$0x3F6F]  }
0x2b: {  	s6 =	sld [smem:$0x3F70]  }
0x2c: {  	s7 =	sld [smem:$0x3F71]  }
0x2d: {  	s3 =	simm.s32 $0x108;
	s8 =	sld [smem:$0x3F72]  }
0x2e: {  	s3 =	simm.s32 @!p0 $0x1082;
	s9 =	sld [smem:$0x3F73]  }
0x2f: {  	lr =	sadd.s32 s0, s3;
	s0 =	sld [smem:$0x3F6A]  }
0x30: {  	s3 =	sld [smem:$0x3F6D]  }
0x31: {  	[smem:$0x3F76] =	sst s10  }
0x32: {  	s10 =	sld [smem:$0x3F74];
	_ =	sdelay $0x3  }
0x33: {  	p0 =	seq.s32 s10, $0x1;
	s10 =	sld [smem:$0x3F76];
	_ =	sdelay $0x3  }
0x34: {  	[smem:$0x3F76] =	sst s10  }
0x35: {  	s10 =	sld [smem:$0x3F75];
	_ =	sdelay $0x3  }
0x36: {  	p1 =	seq.s32 s10, $0x1;
	s10 =	sld [smem:$0x3F76];
	_ =	sdelay $0x3  }
0x37: {  	[smem:$0x3F76] =	sst s10  }
0x38: {  	s10 =	sld [smem:$0x3F77]  }
0x39: {  	_ = 	snop;
	(pc) =	sbr.ind lr, $3  }
0x3a: {  	_ = 	snop  }
0x3b: {  	_ = 	snop  }
0x3c: {  	p2 =	seq.s32 s10, $0x1;
	s10 =	sld [smem:$0x3F76]  }
0x3d: {  	_ =	shalt  }
0x3e: {  	_ =	shalt  }
0x3f: {  	_ =	shalt  }
0x40: {  	_ =	shalt  }
0x41: {  	_ =	shalt  }
0x42: {  	_ =	shalt  }
0x43: {  	_ =	shalt  }
0x44: {  	_ =	shalt  }
0x45: {  	_ =	shalt  }
0x46: {  	_ =	shalt  }
0x47: {  	_ =	shalt  }
0x48: {  	_ =	shalt  }
0x49: {  	_ =	shalt  }
0x4a: {  	_ =	shalt  }
0x4b: {  	_ =	shalt  }
0x4c: {  	_ =	shalt  }
0x4d: {  	_ =	shalt  }
0x4e: {  	_ =	shalt  }
0x4f: {  	_ =	shalt  }
0x50: {  	_ =	shalt  }
0x51: {  	_ =	shalt  }
0x52: {  	_ =	shalt  }
0x53: {  	_ =	shalt  }
0x54: {  	_ =	shalt  }
0x55: {  	_ =	shalt  }
0x56: {  	_ =	shalt  }
0x57: {  	_ =	shalt  }
0x58: {  	_ =	shalt  }
0x59: {  	_ =	shalt  }
0x5a: {  	_ =	shalt  }
0x5b: {  	_ =	shalt  }
0x5c: {  	_ =	shalt  }
0x5d: {  	_ =	shalt  }
0x5e: {  	_ =	shalt  }
0x5f: {  	_ =	shalt  }
0x60: {  	_ =	shalt  }
0x61: {  	_ =	shalt  }
0x62: {  	_ =	shalt  }
0x63: {  	_ =	shalt  }
0x64: {  	_ =	shalt  }
0x65: {  	_ =	shalt  }
0x66: {  	_ =	shalt  }
0x67: {  	_ =	shalt  }
0x68: {  	_ =	shalt  }
0x69: {  	_ =	shalt  }
0x6a: {  	_ =	shalt  }
0x6b: {  	_ =	shalt  }
0x6c: {  	_ =	shalt  }
0x6d: {  	_ =	shalt  }
0x6e: {  	_ =	shalt  }
0x6f: {  	_ =	shalt  }
0x70: {  	_ =	shalt  }
0x71: {  	_ =	shalt  }
0x72: {  	_ =	shalt  }
0x73: {  	_ =	shalt  }
0x74: {  	_ =	shalt  }
0x75: {  	_ =	shalt  }
0x76: {  	_ =	shalt  }
0x77: {  	_ =	shalt  }
0x78: {  	_ =	shalt  }
0x79: {  	_ =	shalt  }
0x7a: {  	_ =	shalt  }
0x7b: {  	_ =	shalt  }
0x7c: {  	_ =	shalt  }
0x7d: {  	_ =	shalt  }
0x7e: {  	_ =	shalt  }
0x7f: {  	_ =	shalt  }
0x80: {  	_ =	shalt  }
0x81: {  	_ =	shalt  }
0x82: {  	_ =	shalt  }
0x83: {  	_ =	shalt  }
0x84: {  	_ =	shalt  }
0x85: {  	_ =	shalt  }
0x86: {  	_ =	shalt  }
0x87: {  	_ =	shalt  }
.Lfunc_end0:
.L_simem_size_0:
called_computation.3_lowered:
.L_overlay_start_0:
0x88: {  	s2 =	sld [smem:$0x3FD9]  }
0x89: {  	s3 =	sld [smem:$0x3FFE];
	_ =	sdelay $0x1  }
0x8a: {  	s1 =	srdreg.scid  }
0x8b: {  	s0 =	sand.u32 $0x1, s1  }
0x8c: {  	s17 =	sshll.u32 s0, $0xA;
	s2 =	sadd.s32 s3, s2  }
0x8d: {  	s2 =	sadd.s32 s2, s17  }
0x8e: {  	[smem:$0x3F82] =	sst s2  }
0x8f: {  	_ = 	snop  }
0x90: {  	s2 =	sld [smem:$0x3FC7]  }
0x91: {  	s18 =	sld [smem:$0x3FC6];
	(tm) =	ssettm $0x1  }
0x92: {  	s4 =	sld [smem:$0x3FFB];
	_ =	sdelay $0x3  }
0x93: {  	_ =	strace s4  }
0x94: {  	s4 =	sld [smem:$0x3FFC];
	_ =	sdelay $0x3  }
0x95: {  	_ =	strace s4  }
0x96: {  	s4 =	sld [smem:$0x3FFD];
	_ =	sdelay $0x3  }
0x97: {  	_ =	strace s4  }
0x98: {  	_ =	strace $0x8FFFFFFF  }
0x99: {  	s19 =	sld [smem:$0x3FDB];
	_ =	sdelay $0x1  }
0x9a: {  	s5 =	simm.s32 $_scs_section_size  }
0x9b: {  	s6 =	simm.s32 $_size__tile_overlayer_lowered;
	s7 =	simm.s32 $_tile_overlayer_lowered  }
0x9c: {  	s22 =	simm.s32 $0x1BFF;
	s21 =	sshll.u32 s7, $0x1;
	s4 =	sadd.s32 s5, s19  }
0x9d: {  	s8 =	simm.s32 $0x0;
	s20 =	sshll.u32 s6, $0x1;
	s6 =	sadd.s32 s21, s4  }
0x9e: {  	[timem:s8], [sflag:s22] =	dma.local [hbm:s6], s20  }
0x9f: {  	_ =	swait.ge [sflag:s22], s20  }
0xa0: {  	s5 =	ssub.s32 $0x0, s20;
	[sflag:s22] =	ssyncset.done $0x0  }
0xa1: {  	[sflag:s22] =	ssyncadd.s32 s5;
	_ =	sdelay $0x1  }
0xa2: {  	s23 =	simm.s32 $0x1B8B  }
0xa3: {  	_ =	swait.ge [sflag:s23], $0x1  }
0xa4: {  	[sflag:s23] =	ssyncset.done $0x0  }
0xa5: {  	s25 =	simm.s32 $0x1B8E;
	s24 =	sld [smem:$0x3FFE];
	[sflag:s23] =	ssyncadd.s32 $0xFFFFFFFF  }
0xa6: {  	s26 =	simm.s32 $execute0_lowered;
	[smem:$0x3FD2] =	sst s25  }
0xa7: {  	s6 =	sshll.u32 s26, $0x1;
	_ =	strace $0x8000004F;
	[dreg:$0x1] =	wrdreg $0xFFFFFFFF  }
0xa8: {  	s28 =	simm.s32 $_size_execute0_lowered;
	s4 =	sadd.s32 s4, s6;
	[dreg:$0x0] =	wrdreg $0x0  }
0xa9: {  	s6 =	sshll.u32 s28, $0x1;
	[dreg:$0x2] =	wrdreg s4  }
0xaa: {  	[dreg:$0x3] =	wrdreg s6  }
0xab: {  	[dreg:$0x4] =	wrdreg $0xC0  }
0xac: {  	_ =	task [dreg:s8], $0x5FFFF  }
0xad: {  	[dreg:$0x1] =	wrdreg $0xFFFFFFFF  }
0xae: {  	[dreg:$0x0] =	wrdreg $0x60  }
0xaf: {  	[dreg:$0x2] =	wrdreg s24  }
0xb0: {  	[dreg:$0x3] =	wrdreg s2  }
0xb1: {  	[dreg:$0x4] =	wrdreg s18  }
0xb2: {  	[dreg:$0x5] =	wrdreg $0x9  }
0xb3: {  	_ =	task.clear_ibuf [dreg:s8], $0x6FFFF;
	_ =	strace $0x9000004F  }
0xb4: {  	s29 =	simm.s32 $0x9;
	_ =	strace $0x80000051  }
0xb5: {  	_ =	swait.ge [sflag:s29], $0x1  }
0xb6: {  	[sflag:s29] =	ssyncadd.s32 $0xFFFFFFFF  }
0xb7: {  	_ =	strace $0x90000051  }
0xb8: {  	_ =	sfence  }
0xb9: {  	s30 =	sld [smem:$0x0];
	_ =	sdelay $0x2  }
0xba: {  	s31 =	sshll.u32 s1, $0xD;
	s1 =	sshrl.u32 s1, $0x2  }
0xbb: {  	s3 =	sand.u32 $0x4000, s31;
	s1 =	sadd.s32 s1, s30  }
0xbc: {  	s0 =	sor.u32 s3, s0;
	s1 =	sshll.u32 s1, $0x11  }
0xbd: {  	s0 =	sor.u32 s1, s0  }
0xbe: {  	s0 =	sadd.s32 $0x8F2B, s0  }
0xbf: {  	[sflag:s0] =	ssyncadd.remote.s32 $0x1  }
0xc0: {  	_ =	sfence.sel $0xFFFF  }
0xc1: {  	[dreg:$0x0] =	wrdreg $0xFFFFFFFF;
	(pc) =	sbr.abs _section_cstart, $3  }
0xc2: {  	[dreg:$0x1] =	wrdreg $0xFFFFFFFF  }
0xc3: {  	_ =	task.clear_ibuf [dreg:s8], $0x2FFFF;
	_ =	strace $0x9FFFFFFF  }
0xc4: {  	(tm) =	ssettm $0x7FFFFFFF  }
0xc5: {  	_ =	shalt  }
tec
execute0_lowered:
.L_overlay_start_1:
0x0: {  	(tag) =	ssettag $0x1  }
0x1: {  	s4 =	rddreg [dreg:$0x0]  }
0x2: {  	s8 =	rddreg [dreg:$0x1]  }
0x3: {  	s0 =	stileid.u32;
	s1 =	srdreg.scid  }
0x4: {  	s7 =	rddreg [dreg:$0x2];
	s2 =	simm.s32 $0x0;
	s5 =	smul.u32 $0x30D40, s0  }
0x5: {  	s3 =	sand.u32 $0x1, s1;
	s1 =	rddreg [dreg:$0x3];
	s10 =	smul.u32 $0xC350, s0  }
0x6: {  	[smem:$0x7FF] =	sst s2;
	s6 =	smul.u32 $0x186A0, s3;
	s9 =	ssub.s32 $0x2, s3  }
0x7: {  	_ =	strace $0x80000050;
	s12 =	smul.u32 $0x61A8, s3;
	s11 =	sshrl.u32 s9, $0x1  }
0x8: {  	s3 =	sadd.s32 $0xCE00, s4;
	s5 =	sadd.s32 s5, s4;
	s30 =	ssub.s32 s9, s11  }
0x9: {  	s6 =	sadd.s32 s6, s5;
	s31 =	sadd.s32 s12, s10;
	s10 =	simm.s32 $0x3E8  }
0xa: {  	s11 =	simm.s32 $0x1;
	s12 =	simm.s32 $0x0;
	s4 =	smax.u32 s30, $0x1  }
0xb: {  	s5 =	sadd.s32 $0x6EB000, s6;
	s6 =	sadd.s32 $0x3DDC00, s6;
	s9 =	sshrl.u32 s31, $0x3  }
0xc: {  	s7 =	sadd.s32 s9, s7;
	s8 =	sadd.s32 s9, s8;
	s9 =	simm.s32 $0x2  }
.LBB2_1:
0xd: {  	s13 =	sadd.s32 $0x0, s8  }
0xe: {  	[tilespmem:s2], [sflag:$0x2] =	stream.linear.gather [hbm4b:s13+s2], $0x3E8, $0x38;
	[tilespmem:$0x80E8] =	vst v63  }
0xf: {  	_ =	swait.ge [sflag:s9], $0x3E8  }
0x10: {  	[sflag:s9] =	ssyncset.done $0x0  }
0x11: {  	[sflag:s9] =	ssyncadd.s32 $0xFFFFFC18  }
0x12: {  	[tilespmem:s10], [sflag:$0x1] =	stream.indirect.gather [hbm4b:s3+s10], $0x20, s2, s10, $0xb8;
	[tilespmem:$0x80E8] =	vst v63  }
0x13: {  	_ =	swait.ge [sflag:s11], $0x7D00  }
0x14: {  	[sflag:s11] =	ssyncset.done $0x0  }
0x15: {  	[sflag:s11] =	ssyncadd.s32 $0xFFFF8300  }
0x16: {  	[hbm4b:s6+s2] =	stream.linear.scatter [tilespmem:s10], [sflag:$0x2], $0x7D00, $0x38;
	[tilespmem:$0x80E8] =	vst v63  }
0x17: {  	_ =	swait.ge [sflag:s9], $0x7D00  }
0x18: {  	[sflag:s9] =	ssyncset.done $0x0  }
0x19: {  	s31 =	sadd.s32 $0x0, s7;
	[sflag:s9] =	ssyncadd.s32 $0xFFFF8300  }
0x1a: {  	[tilespmem:s2], [sflag:$0x2] =	stream.linear.gather [hbm4b:s31+s2], $0x3E8, $0x38;
	[tilespmem:$0x80E8] =	vst v63  }
0x1b: {  	_ =	swait.ge [sflag:s9], $0x3E8  }
0x1c: {  	[sflag:s9] =	ssyncset.done $0x0  }
0x1d: {  	[sflag:s9] =	ssyncadd.s32 $0xFFFFFC18  }
0x1e: {  	[tilespmem:s10], [sflag:$0x1] =	stream.indirect.gather [hbm4b:s3+s10], $0x20, s2, s10, $0xb8;
	[tilespmem:$0x80E8] =	vst v63  }
0x1f: {  	_ =	swait.ge [sflag:s11], $0x7D00  }
0x20: {  	[sflag:s11] =	ssyncset.done $0x0  }
0x21: {  	[sflag:s11] =	ssyncadd.s32 $0xFFFF8300  }
0x22: {  	[hbm4b:s5+s2] =	stream.linear.scatter [tilespmem:s10], [sflag:$0x2], $0x7D00, $0x38;
	[tilespmem:$0x80E8] =	vst v63  }
0x23: {  	s14 =	simm.s32 $0x7D;
	s16 =	simm.s32 $0xFA;
	_ =	swait.ge [sflag:s9], $0x7D00  }
0x24: {  	s15 =	sadd.s32 $0xFA0, s6;
	s13 =	sadd.s32 $0xFA0, s5;
	[sflag:s9] =	ssyncset.done $0x0  }
.LBB2_2:
0x25: {  	s17 =	sadd.s32 s14, s8  }
0x26: {  	[sflag:s9] =	ssyncadd.s32 $0xFFFF8300;
	s18 =	smov.u32 s16;
	s19 =	sadd.s32 $0x7D, s16  }
0x27: {  	[tilespmem:s2], [sflag:$0x2] =	stream.linear.gather [hbm4b:s17+s2], $0x3E8, $0x38;
	[tilespmem:$0x80E8] =	vst v63  }
0x28: {  	p0 =	sne.s32 s16, $0xBB8;
	_ =	swait.ge [sflag:s9], $0x3E8  }
0x29: {  	[sflag:s9] =	ssyncset.done $0x0  }
0x2a: {  	[sflag:s9] =	ssyncadd.s32 $0xFFFFFC18  }
0x2b: {  	[tilespmem:s10], [sflag:$0x1] =	stream.indirect.gather [hbm4b:s3+s10], $0x20, s2, s10, $0xb8;
	[tilespmem:$0x80E8] =	vst v63  }
0x2c: {  	_ =	swait.ge [sflag:s11], $0x7D00  }
0x2d: {  	[sflag:s11] =	ssyncset.done $0x0  }
0x2e: {  	[sflag:s11] =	ssyncadd.s32 $0xFFFF8300  }
0x2f: {  	[hbm4b:s15+s2] =	stream.linear.scatter [tilespmem:s10], [sflag:$0x2], $0x7D00, $0x38;
	[tilespmem:$0x80E8] =	vst v63  }
0x30: {  	_ =	swait.ge [sflag:s9], $0x7D00  }
0x31: {  	[sflag:s9] =	ssyncset.done $0x0  }
0x32: {  	s16 =	sadd.s32 s14, s7;
	s14 =	smov.u32 s18;
	[sflag:s9] =	ssyncadd.s32 $0xFFFF8300  }
0x33: {  	[tilespmem:s2], [sflag:$0x2] =	stream.linear.gather [hbm4b:s16+s2], $0x3E8, $0x38;
	[tilespmem:$0x80E8] =	vst v63  }
0x34: {  	_ =	swait.ge [sflag:s9], $0x3E8  }
0x35: {  	[sflag:s9] =	ssyncset.done $0x0  }
0x36: {  	[sflag:s9] =	ssyncadd.s32 $0xFFFFFC18  }
0x37: {  	[tilespmem:s10], [sflag:$0x1] =	stream.indirect.gather [hbm4b:s3+s10], $0x20, s2, s10, $0xb8;
	[tilespmem:$0x80E8] =	vst v63  }
0x38: {  	_ =	swait.ge [sflag:s11], $0x7D00  }
.Ltmp0:
0x39: {  	[sflag:s11] =	ssyncset.done $0x0;
	(pc) =	sbr.rel @p0 .LBB2_2-.Ltmp0, $4  }
0x3a: {  	[sflag:s11] =	ssyncadd.s32 $0xFFFF8300  }
0x3b: {  	[hbm4b:s13+s2] =	stream.linear.scatter [tilespmem:s10], [sflag:$0x2], $0x7D00, $0x38;
	[tilespmem:$0x80E8] =	vst v63  }
0x3c: {  	s15 =	sadd.s32 $0xFA0, s15;
	_ =	swait.ge [sflag:s9], $0x7D00  }
0x3d: {  	s16 =	smov.u32 s19;
	s13 =	sadd.s32 $0xFA0, s13;
	[sflag:s9] =	ssyncset.done $0x0  }
0x3e: {  	s16 =	sadd.s32 s14, s8;
	[sflag:s9] =	ssyncadd.s32 $0xFFFF8300  }
0x3f: {  	[tilespmem:s2], [sflag:$0x2] =	stream.linear.gather [hbm4b:s16+s2], $0x3E8, $0x38;
	[tilespmem:$0x80E8] =	vst v63  }
0x40: {  	_ =	swait.ge [sflag:s9], $0x3E8  }
0x41: {  	[sflag:s9] =	ssyncset.done $0x0  }
0x42: {  	[sflag:s9] =	ssyncadd.s32 $0xFFFFFC18  }
0x43: {  	[tilespmem:s10], [sflag:$0x1] =	stream.indirect.gather [hbm4b:s3+s10], $0x20, s2, s10, $0xb8;
	[tilespmem:$0x80E8] =	vst v63  }
0x44: {  	_ =	swait.ge [sflag:s11], $0x7D00  }
0x45: {  	[sflag:s11] =	ssyncset.done $0x0  }
0x46: {  	[sflag:s11] =	ssyncadd.s32 $0xFFFF8300  }
0x47: {  	[hbm4b:s15+s2] =	stream.linear.scatter [tilespmem:s10], [sflag:$0x2], $0x7D00, $0x38;
	[tilespmem:$0x80E8] =	vst v63  }
0x48: {  	_ =	swait.ge [sflag:s9], $0x7D00  }
0x49: {  	[sflag:s9] =	ssyncset.done $0x0  }
0x4a: {  	s31 =	sadd.s32 s14, s7;
	[sflag:s9] =	ssyncadd.s32 $0xFFFF8300  }
0x4b: {  	[tilespmem:s2], [sflag:$0x2] =	stream.linear.gather [hbm4b:s31+s2], $0x3E8, $0x38;
	[tilespmem:$0x80E8] =	vst v63  }
0x4c: {  	_ =	swait.ge [sflag:s9], $0x3E8  }
0x4d: {  	[sflag:s9] =	ssyncset.done $0x0  }
0x4e: {  	[sflag:s9] =	ssyncadd.s32 $0xFFFFFC18  }
0x4f: {  	[tilespmem:s10], [sflag:$0x1] =	stream.indirect.gather [hbm4b:s3+s10], $0x20, s2, s10, $0xb8;
	[tilespmem:$0x80E8] =	vst v63  }
0x50: {  	s12 =	sadd.s32 $0x1, s12;
	_ =	swait.ge [sflag:s11], $0x7D00  }
0x51: {  	p0 =	sne.s32 s12, s4;
	[sflag:s11] =	ssyncset.done $0x0  }
.Ltmp1:
0x52: {  	[sflag:s11] =	ssyncadd.s32 $0xFFFF8300;
	(pc) =	sbr.rel @p0 .LBB2_1-.Ltmp1, $4  }
0x53: {  	[hbm4b:s13+s2] =	stream.linear.scatter [tilespmem:s10], [sflag:$0x2], $0x7D00, $0x38;
	[tilespmem:$0x80E8] =	vst v63  }
0x54: {  	_ =	swait.ge [sflag:s9], $0x7D00  }
0x55: {  	[sflag:s9] =	ssyncset.done $0x0  }
0x56: {  	[sflag:s9] =	ssyncadd.s32 $0xFFFF8300  }
0x57: {  	_ =	sfence.sel $0x180000  }
0x58: {  	[bflag:$0x0] =	sbarrier.arrive $0xFFFF  }
0x59: {  	p0 =	sne.s32 s0, $0x0;
	_ =	strace $0x90000050  }
0x5a: {  	s0 =	sadd.s32 @!p0 $0x100000, s1;
	[bflag:$0x2] =	sbarrier.arrive $0xFFFF  }
0x5b: {  	[sflag:s0] =	ssyncadd.tile.s32 @!p0 $0x1;
	_ =	shalt  }
.Lfunc_end2:
_tile_overlayer_lowered:
.L_overlay_start_2:
0x5c: {  	(tag) =	ssettag $0x2  }
0x5d: {  	s0 =	rddreg [dreg:$0x0];
	s2 =	stileid.u32  }
0x5e: {  	s1 =	rddreg [dreg:$0x1];
	p0 =	sne.s32 s2, $0x0  }
0x5f: {  	s3 =	rddreg [dreg:$0x2];
	[bflag:$0x3] =	sbarrier.arrive $0xFFFF;
	s2 =	simm.s32 @!p0 $0x1C02  }
0x60: {  	[timem:s3], [sflag:s2] =	dma.local @!p0 [hbm:s0], s1  }
0x61: {  	s0 =	simm.s32 @!p0 $0x2  }
0x62: {  	_ =	swait.ge @!p0 [sflag:s0], s1  }
0x63: {  	s1 =	ssub.s32 @!p0 $0x0, s1;
	[sflag:s0] =	ssyncset.done @!p0 $0x0  }
0x64: {  	[sflag:s0] =	ssyncadd.s32 @!p0 s1  }
0x65: {  	[bflag:$0x3] =	sbarrier.arrive $0xFFFF  }
0x66: {  	_ =	shalt  }

// kernel: kernel.31.cloned.1.call-start
scs
__scs_entry_jumppad:
0x0: {  	(pc) =	sbr.rel $0x88, $3  }
0x1: {  	(tag) =	ssettag $0x0;
	lr =	simm.s32 $0x1  }
0x2: {  	[smem:$0x3F5B] =	sst lr;
	_ =	strace $0xD0000000  }
0x3: {  	_ = 	snop  }
0x4: {  	_ = 	snop  }
0x5: {  	_ = 	snop  }
0x6: {  	_ = 	snop  }
0x7: {  	_ = 	snop  }
__scs_overlays_trampoline_lowered:
0x8: {  	[smem:$0x3F6A] =	sst s0  }
0x9: {  	[smem:$0x3F6B] =	sst s1  }
0xa: {  	[smem:$0x3F6C] =	sst s2  }
0xb: {  	[smem:$0x3F6D] =	sst s3  }
0xc: {  	[smem:$0x3F6E] =	sst s4  }
0xd: {  	[smem:$0x3F6F] =	sst s5  }
0xe: {  	[smem:$0x3F70] =	sst s6  }
0xf: {  	[smem:$0x3F71] =	sst s7  }
0x10: {  	[smem:$0x3F72] =	sst s8  }
0x11: {  	[smem:$0x3F73] =	sst s9;
	s0 =	simm.s32 @!p0 $0x0  }
0x12: {  	s1 =	sld [smem:$0x3F59];
	s0 =	simm.s32 @p0 $0x1  }
0x13: {  	[smem:$0x3F74] =	sst s0;
	s0 =	simm.s32 @!p1 $0x0  }
0x14: {  	s2 =	sld [smem:$0x3F58];
	s0 =	simm.s32 @p1 $0x1  }
0x15: {  	[smem:$0x3F75] =	sst s0;
	s0 =	simm.s32 @!p2 $0x0  }
0x16: {  	s3 =	sld [smem:$0x3FDB];
	s0 =	simm.s32 @p2 $0x1  }
0x17: {  	s4 =	simm.s32 $0x1BF5;
	[smem:$0x3F77] =	sst s0  }
0x18: {  	s0 =	sld [smem:$0x3F5A];
	_ =	swait.ge [sflag:s4], $0x0  }
0x19: {  	s7 =	sld [smem:$0x3F5B]  }
0x1a: {  	s8 =	sadd.s32 $0xFFFFE003, lr  }
0x1b: {  	s9 =	sadd.s32 $0xFFFFFEF7, lr;
	s5 =	simm.s32 $0xFFFFFFFF;
	p2 =	slt.u32 s8, $0xFFFFF086  }
0x1c: {  	p1 =	slt.u32 s9, $0xF7A;
	s5 =	simm.s32 @!p2 $0x0  }
0x1d: {  	s5 =	simm.s32 @p1 $0x1;
	p0 =	seq.s32 s7, s2  }
0x1e: {  	s7 =	smul.u32 @!p0 $0xF7A, s2;
	p2 =	seq.s32 @!p0 s5, $0x0  }
0x1f: {  	s9 =	smul.u32 $0xF7A, s1;
	s8 =	simm.s32 @!p0 $0x1BF5;
	p2 =	por !p2, p0  }
0x20: {  	[sflag:s8] =	ssyncset.s32 @!p0 $0xFFFFF086;
	s6 =	sadd.s32 @!p0 s3, s7;
	s7 =	simm.s32 @!p0 $0x108  }
0x21: {  	s3 =	sadd.s32 s3, s9;
	s6 =	sadd.s32 @!p0 $0x88, s6;
	s7 =	simm.s32 @p2 $0x1082  }
0x22: {  	[simem:s7], [sflag:s8] =	dma.local @!p0 [hbm:s6], $0xF7A  }
0x23: {  	s9 =	sor.u32 $0xD0000000, s2;
	s6 =	simm.s32 $0x108;
	_ =	swait.ge @!p0 [sflag:s8], $0x0  }
0x24: {  	s3 =	sadd.s32 $0x88, s3;
	s6 =	simm.s32 @!p1 $0x1082;
	[sflag:s4] =	ssyncset.s32 $0xFFFFF086  }
0x25: {  	[simem:s6], [sflag:s4] =	dma.local [hbm:s3], $0xF7A  }
0x26: {  	[smem:$0x3F5B] =	sst s1;
	(tag) =	ssettag s2;
	_ =	strace s9  }
0x27: {  	s1 =	sld [smem:$0x3F6B]  }
0x28: {  	s2 =	sld [smem:$0x3F6C]  }
0x29: {  	s4 =	sld [smem:$0x3F6E]  }
0x2a: {  	p0 =	seq.s32 s5, $0x0;
	s5 =	sld [smem:$0x3F6F]  }
0x2b: {  	s6 =	sld [smem:$0x3F70]  }
0x2c: {  	s7 =	sld [smem:$0x3F71]  }
0x2d: {  	s3 =	simm.s32 $0x108;
	s8 =	sld [smem:$0x3F72]  }
0x2e: {  	s3 =	simm.s32 @!p0 $0x1082;
	s9 =	sld [smem:$0x3F73]  }
0x2f: {  	lr =	sadd.s32 s0, s3;
	s0 =	sld [smem:$0x3F6A]  }
0x30: {  	s3 =	sld [smem:$0x3F6D]  }
0x31: {  	[smem:$0x3F76] =	sst s10  }
0x32: {  	s10 =	sld [smem:$0x3F74];
	_ =	sdelay $0x3  }
0x33: {  	p0 =	seq.s32 s10, $0x1;
	s10 =	sld [smem:$0x3F76];
	_ =	sdelay $0x3  }
0x34: {  	[smem:$0x3F76] =	sst s10  }
0x35: {  	s10 =	sld [smem:$0x3F75];
	_ =	sdelay $0x3  }
0x36: {  	p1 =	seq.s32 s10, $0x1;
	s10 =	sld [smem:$0x3F76];
	_ =	sdelay $0x3  }
0x37: {  	[smem:$0x3F76] =	sst s10  }
0x38: {  	s10 =	sld [smem:$0x3F77]  }
0x39: {  	_ = 	snop;
	(pc) =	sbr.ind lr, $3  }
0x3a: {  	_ = 	snop  }
0x3b: {  	_ = 	snop  }
0x3c: {  	p2 =	seq.s32 s10, $0x1;
	s10 =	sld [smem:$0x3F76]  }
0x3d: {  	_ =	shalt  }
0x3e: {  	_ =	shalt  }
0x3f: {  	_ =	shalt  }
0x40: {  	_ =	shalt  }
0x41: {  	_ =	shalt  }
0x42: {  	_ =	shalt  }
0x43: {  	_ =	shalt  }
0x44: {  	_ =	shalt  }
0x45: {  	_ =	shalt  }
0x46: {  	_ =	shalt  }
0x47: {  	_ =	shalt  }
0x48: {  	_ =	shalt  }
0x49: {  	_ =	shalt  }
0x4a: {  	_ =	shalt  }
0x4b: {  	_ =	shalt  }
0x4c: {  	_ =	shalt  }
0x4d: {  	_ =	shalt  }
0x4e: {  	_ =	shalt  }
0x4f: {  	_ =	shalt  }
0x50: {  	_ =	shalt  }
0x51: {  	_ =	shalt  }
0x52: {  	_ =	shalt  }
0x53: {  	_ =	shalt  }
0x54: {  	_ =	shalt  }
0x55: {  	_ =	shalt  }
0x56: {  	_ =	shalt  }
0x57: {  	_ =	shalt  }
0x58: {  	_ =	shalt  }
0x59: {  	_ =	shalt  }
0x5a: {  	_ =	shalt  }
0x5b: {  	_ =	shalt  }
0x5c: {  	_ =	shalt  }
0x5d: {  	_ =	shalt  }
0x5e: {  	_ =	shalt  }
0x5f: {  	_ =	shalt  }
0x60: {  	_ =	shalt  }
0x61: {  	_ =	shalt  }
0x62: {  	_ =	shalt  }
0x63: {  	_ =	shalt  }
0x64: {  	_ =	shalt  }
0x65: {  	_ =	shalt  }
0x66: {  	_ =	shalt  }
0x67: {  	_ =	shalt  }
0x68: {  	_ =	shalt  }
0x69: {  	_ =	shalt  }
0x6a: {  	_ =	shalt  }
0x6b: {  	_ =	shalt  }
0x6c: {  	_ =	shalt  }
0x6d: {  	_ =	shalt  }
0x6e: {  	_ =	shalt  }
0x6f: {  	_ =	shalt  }
0x70: {  	_ =	shalt  }
0x71: {  	_ =	shalt  }
0x72: {  	_ =	shalt  }
0x73: {  	_ =	shalt  }
0x74: {  	_ =	shalt  }
0x75: {  	_ =	shalt  }
0x76: {  	_ =	shalt  }
0x77: {  	_ =	shalt  }
0x78: {  	_ =	shalt  }
0x79: {  	_ =	shalt  }
0x7a: {  	_ =	shalt  }
0x7b: {  	_ =	shalt  }
0x7c: {  	_ =	shalt  }
0x7d: {  	_ =	shalt  }
0x7e: {  	_ =	shalt  }
0x7f: {  	_ =	shalt  }
0x80: {  	_ =	shalt  }
0x81: {  	_ =	shalt  }
0x82: {  	_ =	shalt  }
0x83: {  	_ =	shalt  }
0x84: {  	_ =	shalt  }
0x85: {  	_ =	shalt  }
0x86: {  	_ =	shalt  }
0x87: {  	_ =	shalt  }
.Lfunc_end0:
.L_simem_size_0:
called_computation.4_lowered:
.L_overlay_start_0:
0x88: {  	s2 =	sld [smem:$0x3FD9]  }
0x89: {  	s3 =	sld [smem:$0x3FFE];
	_ =	sdelay $0x1  }
0x8a: {  	s1 =	srdreg.scid  }
0x8b: {  	s0 =	sand.u32 $0x1, s1  }
0x8c: {  	s17 =	sshll.u32 s0, $0xA;
	s2 =	sadd.s32 s3, s2  }
0x8d: {  	s2 =	sadd.s32 s2, s17  }
0x8e: {  	[smem:$0x3F82] =	sst s2  }
0x8f: {  	_ = 	snop  }
0x90: {  	s2 =	sld [smem:$0x3FC6];
	(tm) =	ssettm $0x1  }
0x91: {  	s18 =	sld [smem:$0x3FFB];
	_ =	sdelay $0x3  }
0x92: {  	_ =	strace s18  }
0x93: {  	s3 =	sld [smem:$0x3FFC];
	_ =	sdelay $0x3  }
0x94: {  	_ =	strace s3  }
0x95: {  	s3 =	sld [smem:$0x3FFD];
	_ =	sdelay $0x3  }
0x96: {  	_ =	strace s3  }
0x97: {  	_ =	strace $0x8FFFFFFF  }
0x98: {  	s19 =	sld [smem:$0x3FDB];
	_ =	sdelay $0x1  }
0x99: {  	s4 =	simm.s32 $_scs_section_size  }
0x9a: {  	s5 =	simm.s32 $_size__tile_overlayer_lowered;
	s6 =	simm.s32 $_tile_overlayer_lowered  }
0x9b: {  	s22 =	simm.s32 $0x1BFF;
	s21 =	sshll.u32 s6, $0x1;
	s3 =	sadd.s32 s4, s19  }
0x9c: {  	s7 =	simm.s32 $0x0;
	s20 =	sshll.u32 s5, $0x1;
	s5 =	sadd.s32 s21, s3  }
0x9d: {  	[timem:s7], [sflag:s22] =	dma.local [hbm:s5], s20  }
0x9e: {  	_ =	swait.ge [sflag:s22], s20  }
0x9f: {  	s4 =	ssub.s32 $0x0, s20;
	[sflag:s22] =	ssyncset.done $0x0  }
0xa0: {  	[sflag:s22] =	ssyncadd.s32 s4;
	_ =	sdelay $0x1  }
0xa1: {  	s23 =	simm.s32 $0x1B8B  }
0xa2: {  	_ =	swait.ge [sflag:s23], $0x1  }
0xa3: {  	[sflag:s23] =	ssyncset.done $0x0  }
0xa4: {  	s25 =	simm.s32 $0x1B8E;
	s24 =	sld [smem:$0x3FFE];
	[sflag:s23] =	ssyncadd.s32 $0xFFFFFFFF  }
0xa5: {  	s26 =	simm.s32 $execute0_lowered;
	[smem:$0x3FD2] =	sst s25  }
0xa6: {  	s5 =	sshll.u32 s26, $0x1;
	_ =	strace $0x80000052;
	[dreg:$0x1] =	wrdreg $0xFFFFFFFF  }
0xa7: {  	s28 =	simm.s32 $_size_execute0_lowered;
	s3 =	sadd.s32 s3, s5;
	[dreg:$0x0] =	wrdreg $0x0  }
0xa8: {  	s5 =	sshll.u32 s28, $0x1;
	[dreg:$0x2] =	wrdreg s3  }
0xa9: {  	[dreg:$0x3] =	wrdreg s5  }
0xaa: {  	[dreg:$0x4] =	wrdreg $0xC0  }
0xab: {  	_ =	task [dreg:s7], $0x5FFFF  }
0xac: {  	[dreg:$0x1] =	wrdreg $0xFFFFFFFF  }
0xad: {  	[dreg:$0x0] =	wrdreg $0x60  }
0xae: {  	[dreg:$0x2] =	wrdreg s24  }
0xaf: {  	[dreg:$0x3] =	wrdreg s2  }
0xb0: {  	[dreg:$0x4] =	wrdreg $0x42680  }
0xb1: {  	[dreg:$0x5] =	wrdreg $0x9  }
0xb2: {  	_ =	task.clear_ibuf [dreg:s7], $0x6FFFF;
	_ =	strace $0x90000052  }
0xb3: {  	s29 =	simm.s32 $0x9;
	_ =	strace $0x80000054  }
0xb4: {  	_ =	swait.ge [sflag:s29], $0x1  }
0xb5: {  	[sflag:s29] =	ssyncadd.s32 $0xFFFFFFFF  }
0xb6: {  	_ =	strace $0x90000054  }
0xb7: {  	_ =	sfence  }
0xb8: {  	s30 =	sld [smem:$0x0];
	_ =	sdelay $0x2  }
0xb9: {  	s31 =	sshll.u32 s1, $0xD;
	s1 =	sshrl.u32 s1, $0x2  }
0xba: {  	s3 =	sand.u32 $0x4000, s31;
	s1 =	sadd.s32 s1, s30  }
0xbb: {  	s0 =	sor.u32 s3, s0;
	s1 =	sshll.u32 s1, $0x11  }
0xbc: {  	s0 =	sor.u32 s1, s0  }
0xbd: {  	s0 =	sadd.s32 $0x8F2B, s0  }
0xbe: {  	[sflag:s0] =	ssyncadd.remote.s32 $0x1  }
0xbf: {  	_ =	sfence.sel $0xFFFF  }
0xc0: {  	[dreg:$0x0] =	wrdreg $0xFFFFFFFF;
	(pc) =	sbr.abs _section_cstart, $3  }
0xc1: {  	[dreg:$0x1] =	wrdreg $0xFFFFFFFF  }
0xc2: {  	_ =	task.clear_ibuf [dreg:s7], $0x2FFFF;
	_ =	strace $0x9FFFFFFF  }
0xc3: {  	(tm) =	ssettm $0x7FFFFFFF  }
tec
execute0_lowered:
.L_overlay_start_1:
0x0: {  	(tag) =	ssettag $0x1  }
0x1: {  	s5 =	rddreg [dreg:$0x0]  }
0x2: {  	s9 =	rddreg [dreg:$0x1]  }
0x3: {  	s2 =	rddreg [dreg:$0x2]  }
0x4: {  	s0 =	rddreg [dreg:$0x3]  }
0x5: {  	s1 =	stileid.u32;
	s3 =	simm.s32 $0x0;
	s4 =	srdreg.scid  }
0x6: {  	s14 =	simm.s32 $0x3E8;
	s15 =	simm.s32 $0x4;
	s16 =	simm.s32 $0x2  }
0x7: {  	s17 =	simm.s32 $0x0;
	s6 =	smul.u32 $0x30D40, s1;
	[smem:$0x7FF] =	sst s3  }
0x8: {  	s7 =	sand.u32 $0x1, s4;
	s26 =	smul.u32 $0x186A0, s1;
	s4 =	sadd.s32 $0x3DC00, s5  }
0x9: {  	s30 =	sshll.u32 s1, $0x6;
	s13 =	smul.u32 $0x186A, s1;
	_ =	strace $0x80000053  }
0xa: {  	s8 =	sshll.u32 s7, $0x4;
	s11 =	ssub.s32 $0x2, s7;
	s31 =	sshll.u32 s7, $0x1  }
0xb: {  	s10 =	sadd.s32 s6, s5;
	s8 =	sor.u32 s8, s26;
	s12 =	sshrl.u32 s11, $0x1  }
0xc: {  	s28 =	sshrl.u32 s6, $0x2;
	s9 =	sadd.s32 s13, s9;
	s13 =	simm.s32 $0x20  }
0xd: {  	s8 =	sshrl.u32 s8, $0x3;
	s11 =	ssub.s32 s11, s12;
	s29 =	sadd.s32 s28, s2  }
0xe: {  	s10 =	sadd.s32 s31, s10;
	s12 =	simm.s32 $0x10;
	s8 =	sadd.s32 s8, s5  }
0xf: {  	s5 =	sor.u32 $0x1C01, s30;
	s7 =	smax.u32 s11, $0x1;
	s11 =	simm.s32 $0x1  }
0x10: {  	s6 =	sadd.s32 $0xCE00, s8;
	s8 =	sadd.s32 $0xDC8A00, s10;
	s10 =	sshrl.u32 s29, $0x3  }
.LBB2_1:
0x11: {  	[spmem:s10], [sflag:s5] =	dma.local [hbm:s4], $0x186A  }
0x12: {  	_ =	swait.ge [sflag:s11], $0x186A  }
0x13: {  	[sflag:s11] =	ssyncset.done $0x0  }
0x14: {  	[sflag:s11] =	ssyncadd.s32 $0xFFFFE796  }
0x15: {  	s18 =	sadd.s32 $0x0, s9;
	[bflag:$0x0] =	sbarrier.arrive $0xFFFF  }
0x16: {  	[tilespmem:s3], [sflag:$0x1] =	stream.linear.gather [hbm4b:s18+s3], $0x3E8, $0x38;
	[tilespmem:$0x105B8] =	vst v63  }
0x17: {  	_ =	swait.ge [sflag:s11], $0x3E8  }
0x18: {  	[sflag:s11] =	ssyncset.done $0x0  }
0x19: {  	[sflag:s11] =	ssyncadd.s32 $0xFFFFFC18  }
0x1a: {  	[tilespmem:s14], [sflag:$0x1] =	stream.strided.gather [hbm4b:s8+s12], $0x3E80, s13, s12, $0x38;
	[tilespmem:$0x105B8] =	vst v63  }
0x1b: {  	_ =	swait.ge [sflag:s11], $0x3E80  }
0x1c: {  	[sflag:s11] =	ssyncset.done $0x0  }
0x1d: {  	[sflag:s11] =	ssyncadd.s32 $0xFFFFC180  }
0x1e: {  	[spmem:s2] =	stream.indirect.scatter.add.f32 [tilespmem:s14], [sflag:$0x1], $0x10, s3, s14, $0xb8;
	[tilespmem:$0x105B8] =	vst v63  }
0x1f: {  	s19 =	simm.s32 $0x7D;
	_ =	swait.ge [sflag:s11], $0x3E80  }
0x20: {  	s20 =	simm.s32 $0xFA;
	s18 =	sadd.s32 $0xFA0, s8;
	[sflag:s11] =	ssyncset.done $0x0  }
.LBB2_2:
0x21: {  	s21 =	sadd.s32 s19, s9  }
0x22: {  	[sflag:s11] =	ssyncadd.s32 $0xFFFFC180;
	s19 =	smov.u32 s20;
	s22 =	sadd.s32 $0x7D, s20  }
0x23: {  	[tilespmem:s3], [sflag:$0x1] =	stream.linear.gather [hbm4b:s21+s3], $0x3E8, $0x38;
	[tilespmem:$0x105B8] =	vst v63  }
0x24: {  	p0 =	sne.s32 s20, $0x17ED;
	_ =	swait.ge [sflag:s11], $0x3E8  }
0x25: {  	[sflag:s11] =	ssyncset.done $0x0  }
0x26: {  	[sflag:s11] =	ssyncadd.s32 $0xFFFFFC18  }
0x27: {  	[tilespmem:s14], [sflag:$0x1] =	stream.strided.gather [hbm4b:s18+s12], $0x3E80, s13, s12, $0x38;
	[tilespmem:$0x105B8] =	vst v63  }
0x28: {  	_ =	swait.ge [sflag:s11], $0x3E80  }
.Ltmp0:
0x29: {  	[sflag:s11] =	ssyncset.done $0x0;
	(pc) =	sbr.rel @p0 .LBB2_2-.Ltmp0, $4  }
0x2a: {  	[sflag:s11] =	ssyncadd.s32 $0xFFFFC180  }
0x2b: {  	[spmem:s2] =	stream.indirect.scatter.add.f32 [tilespmem:s14], [sflag:$0x1], $0x10, s3, s14, $0xb8;
	[tilespmem:$0x105B8] =	vst v63  }
0x2c: {  	_ =	swait.ge [sflag:s11], $0x3E80  }
0x2d: {  	s20 =	smov.u32 s22;
	s18 =	sadd.s32 $0xFA0, s18;
	[sflag:s11] =	ssyncset.done $0x0  }
0x2e: {  	s19 =	sadd.s32 s19, s9;
	[sflag:s11] =	ssyncadd.s32 $0xFFFFC180  }
0x2f: {  	[tilespmem:s3], [sflag:$0x1] =	stream.linear.gather [hbm4b:s19+s3], $0x3E8, $0x38;
	[tilespmem:$0x105B8] =	vst v63  }
0x30: {  	_ =	swait.ge [sflag:s11], $0x3E8  }
0x31: {  	[sflag:s11] =	ssyncset.done $0x0  }
0x32: {  	[sflag:s11] =	ssyncadd.s32 $0xFFFFFC18  }
0x33: {  	[tilespmem:s14], [sflag:$0x1] =	stream.strided.gather [hbm4b:s18+s12], $0x3E80, s13, s12, $0x38;
	[tilespmem:$0x105B8] =	vst v63  }
0x34: {  	_ =	swait.ge [sflag:s11], $0x3E80  }
0x35: {  	[sflag:s11] =	ssyncset.done $0x0  }
0x36: {  	[sflag:s11] =	ssyncadd.s32 $0xFFFFC180  }
0x37: {  	[spmem:s2] =	stream.indirect.scatter.add.f32 [tilespmem:s14], [sflag:$0x1], $0x10, s3, s14, $0xb8;
	[tilespmem:$0x105B8] =	vst v63  }
0x38: {  	_ =	swait.ge [sflag:s11], $0x3E80  }
0x39: {  	s17 =	sadd.s32 $0x1, s17;
	[sflag:s11] =	ssyncset.done $0x0  }
0x3a: {  	p0 =	sne.s32 s17, s7;
	[sflag:s11] =	ssyncadd.s32 $0xFFFFC180  }
.Ltmp1:
0x3b: {  	[bflag:$0x0] =	sbarrier.arrive $0xFFFF;
	(pc) =	sbr.rel @p0 .LBB2_1-.Ltmp1, $4  }
0x3c: {  	[hbm:s6@s15], [sflag:s5] =	dma.strided [spmem:s10@s16], $0x186A, s11, $0x2   }
0x3d: {  	_ =	swait.ge [sflag:s11], $0x186A  }
0x3e: {  	[sflag:s11] =	ssyncset.done $0x0  }
0x3f: {  	[sflag:s11] =	ssyncadd.s32 $0xFFFFE796  }
0x40: {  	_ =	sfence.sel $0x180000  }
0x41: {  	[bflag:$0x0] =	sbarrier.arrive $0xFFFF  }
0x42: {  	p0 =	sne.s32 s1, $0x0;
	_ =	strace $0x90000053  }
0x43: {  	s0 =	sadd.s32 @!p0 $0x100000, s0;
	[bflag:$0x2] =	sbarrier.arrive $0xFFFF  }
0x44: {  	[sflag:s0] =	ssyncadd.tile.s32 @!p0 $0x1;
	_ =	shalt  }
.Lfunc_end2:
_tile_overlayer_lowered:
.L_overlay_start_2:
0x45: {  	(tag) =	ssettag $0x2  }
0x46: {  	s0 =	rddreg [dreg:$0x0];
	s2 =	stileid.u32  }
0x47: {  	s1 =	rddreg [dreg:$0x1];
	p0 =	sne.s32 s2, $0x0  }
0x48: {  	s3 =	rddreg [dreg:$0x2];
	[bflag:$0x3] =	sbarrier.arrive $0xFFFF;
	s2 =	simm.s32 @!p0 $0x1C01  }
0x49: {  	[timem:s3], [sflag:s2] =	dma.local @!p0 [hbm:s0], s1  }
0x4a: {  	s0 =	simm.s32 @!p0 $0x1  }
0x4b: {  	_ =	swait.ge @!p0 [sflag:s0], s1  }
0x4c: {  	s1 =	ssub.s32 @!p0 $0x0, s1;
	[sflag:s0] =	ssyncset.done @!p0 $0x0  }
0x4d: {  	[sflag:s0] =	ssyncadd.s32 @!p0 s1  }
0x4e: {  	[bflag:$0x3] =	sbarrier.arrive $0xFFFF  }
0x4f: {  	_ =	shalt  }

// kernel: kernel.34.cloned.1.call-start
scs
__scs_entry_jumppad:
0x0: {  	(pc) =	sbr.rel $0x88, $3  }
0x1: {  	(tag) =	ssettag $0x0;
	lr =	simm.s32 $0x1  }
0x2: {  	[smem:$0x3F5B] =	sst lr;
	_ =	strace $0xD0000000  }
0x3: {  	_ = 	snop  }
0x4: {  	_ = 	snop  }
0x5: {  	_ = 	snop  }
0x6: {  	_ = 	snop  }
0x7: {  	_ = 	snop  }
__scs_overlays_trampoline_lowered:
0x8: {  	[smem:$0x3F6A] =	sst s0  }
0x9: {  	[smem:$0x3F6B] =	sst s1  }
0xa: {  	[smem:$0x3F6C] =	sst s2  }
0xb: {  	[smem:$0x3F6D] =	sst s3  }
0xc: {  	[smem:$0x3F6E] =	sst s4  }
0xd: {  	[smem:$0x3F6F] =	sst s5  }
0xe: {  	[smem:$0x3F70] =	sst s6  }
0xf: {  	[smem:$0x3F71] =	sst s7  }
0x10: {  	[smem:$0x3F72] =	sst s8  }
0x11: {  	[smem:$0x3F73] =	sst s9;
	s0 =	simm.s32 @!p0 $0x0  }
0x12: {  	s1 =	sld [smem:$0x3F59];
	s0 =	simm.s32 @p0 $0x1  }
0x13: {  	[smem:$0x3F74] =	sst s0;
	s0 =	simm.s32 @!p1 $0x0  }
0x14: {  	s2 =	sld [smem:$0x3F58];
	s0 =	simm.s32 @p1 $0x1  }
0x15: {  	[smem:$0x3F75] =	sst s0;
	s0 =	simm.s32 @!p2 $0x0  }
0x16: {  	s3 =	sld [smem:$0x3FDB];
	s0 =	simm.s32 @p2 $0x1  }
0x17: {  	s4 =	simm.s32 $0x1BF5;
	[smem:$0x3F77] =	sst s0  }
0x18: {  	s0 =	sld [smem:$0x3F5A];
	_ =	swait.ge [sflag:s4], $0x0  }
0x19: {  	s7 =	sld [smem:$0x3F5B]  }
0x1a: {  	s8 =	sadd.s32 $0xFFFFE003, lr  }
0x1b: {  	s9 =	sadd.s32 $0xFFFFFEF7, lr;
	s5 =	simm.s32 $0xFFFFFFFF;
	p2 =	slt.u32 s8, $0xFFFFF086  }
0x1c: {  	p1 =	slt.u32 s9, $0xF7A;
	s5 =	simm.s32 @!p2 $0x0  }
0x1d: {  	s5 =	simm.s32 @p1 $0x1;
	p0 =	seq.s32 s7, s2  }
0x1e: {  	s7 =	smul.u32 @!p0 $0xF7A, s2;
	p2 =	seq.s32 @!p0 s5, $0x0  }
0x1f: {  	s9 =	smul.u32 $0xF7A, s1;
	s8 =	simm.s32 @!p0 $0x1BF5;
	p2 =	por !p2, p0  }
0x20: {  	[sflag:s8] =	ssyncset.s32 @!p0 $0xFFFFF086;
	s6 =	sadd.s32 @!p0 s3, s7;
	s7 =	simm.s32 @!p0 $0x108  }
0x21: {  	s3 =	sadd.s32 s3, s9;
	s6 =	sadd.s32 @!p0 $0x88, s6;
	s7 =	simm.s32 @p2 $0x1082  }
0x22: {  	[simem:s7], [sflag:s8] =	dma.local @!p0 [hbm:s6], $0xF7A  }
0x23: {  	s9 =	sor.u32 $0xD0000000, s2;
	s6 =	simm.s32 $0x108;
	_ =	swait.ge @!p0 [sflag:s8], $0x0  }
0x24: {  	s3 =	sadd.s32 $0x88, s3;
	s6 =	simm.s32 @!p1 $0x1082;
	[sflag:s4] =	ssyncset.s32 $0xFFFFF086  }
0x25: {  	[simem:s6], [sflag:s4] =	dma.local [hbm:s3], $0xF7A  }
0x26: {  	[smem:$0x3F5B] =	sst s1;
	(tag) =	ssettag s2;
	_ =	strace s9  }
0x27: {  	s1 =	sld [smem:$0x3F6B]  }
0x28: {  	s2 =	sld [smem:$0x3F6C]  }
0x29: {  	s4 =	sld [smem:$0x3F6E]  }
0x2a: {  	p0 =	seq.s32 s5, $0x0;
	s5 =	sld [smem:$0x3F6F]  }
0x2b: {  	s6 =	sld [smem:$0x3F70]  }
0x2c: {  	s7 =	sld [smem:$0x3F71]  }
0x2d: {  	s3 =	simm.s32 $0x108;
	s8 =	sld [smem:$0x3F72]  }
0x2e: {  	s3 =	simm.s32 @!p0 $0x1082;
	s9 =	sld [smem:$0x3F73]  }
0x2f: {  	lr =	sadd.s32 s0, s3;
	s0 =	sld [smem:$0x3F6A]  }
0x30: {  	s3 =	sld [smem:$0x3F6D]  }
0x31: {  	[smem:$0x3F76] =	sst s10  }
0x32: {  	s10 =	sld [smem:$0x3F74];
	_ =	sdelay $0x3  }
0x33: {  	p0 =	seq.s32 s10, $0x1;
	s10 =	sld [smem:$0x3F76];
	_ =	sdelay $0x3  }
0x34: {  	[smem:$0x3F76] =	sst s10  }
0x35: {  	s10 =	sld [smem:$0x3F75];
	_ =	sdelay $0x3  }
0x36: {  	p1 =	seq.s32 s10, $0x1;
	s10 =	sld [smem:$0x3F76];
	_ =	sdelay $0x3  }
0x37: {  	[smem:$0x3F76] =	sst s10  }
0x38: {  	s10 =	sld [smem:$0x3F77]  }
0x39: {  	_ = 	snop;
	(pc) =	sbr.ind lr, $3  }
0x3a: {  	_ = 	snop  }
0x3b: {  	_ = 	snop  }
0x3c: {  	p2 =	seq.s32 s10, $0x1;
	s10 =	sld [smem:$0x3F76]  }
0x3d: {  	_ =	shalt  }
0x3e: {  	_ =	shalt  }
0x3f: {  	_ =	shalt  }
0x40: {  	_ =	shalt  }
0x41: {  	_ =	shalt  }
0x42: {  	_ =	shalt  }
0x43: {  	_ =	shalt  }
0x44: {  	_ =	shalt  }
0x45: {  	_ =	shalt  }
0x46: {  	_ =	shalt  }
0x47: {  	_ =	shalt  }
0x48: {  	_ =	shalt  }
0x49: {  	_ =	shalt  }
0x4a: {  	_ =	shalt  }
0x4b: {  	_ =	shalt  }
0x4c: {  	_ =	shalt  }
0x4d: {  	_ =	shalt  }
0x4e: {  	_ =	shalt  }
0x4f: {  	_ =	shalt  }
0x50: {  	_ =	shalt  }
0x51: {  	_ =	shalt  }
0x52: {  	_ =	shalt  }
0x53: {  	_ =	shalt  }
0x54: {  	_ =	shalt  }
0x55: {  	_ =	shalt  }
0x56: {  	_ =	shalt  }
0x57: {  	_ =	shalt  }
0x58: {  	_ =	shalt  }
0x59: {  	_ =	shalt  }
0x5a: {  	_ =	shalt  }
0x5b: {  	_ =	shalt  }
0x5c: {  	_ =	shalt  }
0x5d: {  	_ =	shalt  }
0x5e: {  	_ =	shalt  }
0x5f: {  	_ =	shalt  }
0x60: {  	_ =	shalt  }
0x61: {  	_ =	shalt  }
0x62: {  	_ =	shalt  }
0x63: {  	_ =	shalt  }
0x64: {  	_ =	shalt  }
0x65: {  	_ =	shalt  }
0x66: {  	_ =	shalt  }
0x67: {  	_ =	shalt  }
0x68: {  	_ =	shalt  }
0x69: {  	_ =	shalt  }
0x6a: {  	_ =	shalt  }
0x6b: {  	_ =	shalt  }
0x6c: {  	_ =	shalt  }
0x6d: {  	_ =	shalt  }
0x6e: {  	_ =	shalt  }
0x6f: {  	_ =	shalt  }
0x70: {  	_ =	shalt  }
0x71: {  	_ =	shalt  }
0x72: {  	_ =	shalt  }
0x73: {  	_ =	shalt  }
0x74: {  	_ =	shalt  }
0x75: {  	_ =	shalt  }
0x76: {  	_ =	shalt  }
0x77: {  	_ =	shalt  }
0x78: {  	_ =	shalt  }
0x79: {  	_ =	shalt  }
0x7a: {  	_ =	shalt  }
0x7b: {  	_ =	shalt  }
0x7c: {  	_ =	shalt  }
0x7d: {  	_ =	shalt  }
0x7e: {  	_ =	shalt  }
0x7f: {  	_ =	shalt  }
0x80: {  	_ =	shalt  }
0x81: {  	_ =	shalt  }
0x82: {  	_ =	shalt  }
0x83: {  	_ =	shalt  }
0x84: {  	_ =	shalt  }
0x85: {  	_ =	shalt  }
0x86: {  	_ =	shalt  }
0x87: {  	_ =	shalt  }
.Lfunc_end0:
.L_simem_size_0:
called_computation.5_lowered:
.L_overlay_start_0:
0x88: {  	s2 =	sld [smem:$0x3FD9]  }
0x89: {  	s3 =	sld [smem:$0x3FFE];
	_ =	sdelay $0x1  }
0x8a: {  	s1 =	srdreg.scid  }
0x8b: {  	s0 =	sand.u32 $0x1, s1  }
0x8c: {  	s17 =	sshll.u32 s0, $0xA;
	s2 =	sadd.s32 s3, s2  }
0x8d: {  	s2 =	sadd.s32 s2, s17  }
0x8e: {  	[smem:$0x3F82] =	sst s2  }
0x8f: {  	_ = 	snop  }
0x90: {  	s2 =	sld [smem:$0x3FC7]  }
0x91: {  	s18 =	sld [smem:$0x3FC6];
	(tm) =	ssettm $0x1  }
0x92: {  	s4 =	sld [smem:$0x3FFB];
	_ =	sdelay $0x3  }
0x93: {  	_ =	strace s4  }
0x94: {  	s4 =	sld [smem:$0x3FFC];
	_ =	sdelay $0x3  }
0x95: {  	_ =	strace s4  }
0x96: {  	s4 =	sld [smem:$0x3FFD];
	_ =	sdelay $0x3  }
0x97: {  	_ =	strace s4  }
0x98: {  	_ =	strace $0x8FFFFFFF  }
0x99: {  	s19 =	sld [smem:$0x3FDB];
	_ =	sdelay $0x1  }
0x9a: {  	s5 =	simm.s32 $_scs_section_size  }
0x9b: {  	s6 =	simm.s32 $_size__tile_overlayer_lowered;
	s7 =	simm.s32 $_tile_overlayer_lowered  }
0x9c: {  	s22 =	simm.s32 $0x1BFF;
	s21 =	sshll.u32 s7, $0x1;
	s4 =	sadd.s32 s5, s19  }
0x9d: {  	s8 =	simm.s32 $0x0;
	s20 =	sshll.u32 s6, $0x1;
	s6 =	sadd.s32 s21, s4  }
0x9e: {  	[timem:s8], [sflag:s22] =	dma.local [hbm:s6], s20  }
0x9f: {  	_ =	swait.ge [sflag:s22], s20  }
0xa0: {  	s5 =	ssub.s32 $0x0, s20;
	[sflag:s22] =	ssyncset.done $0x0  }
0xa1: {  	[sflag:s22] =	ssyncadd.s32 s5;
	_ =	sdelay $0x1  }
0xa2: {  	s23 =	simm.s32 $0x1B8B  }
0xa3: {  	_ =	swait.ge [sflag:s23], $0x1  }
0xa4: {  	[sflag:s23] =	ssyncset.done $0x0  }
0xa5: {  	s25 =	simm.s32 $0x1B8E;
	s24 =	sld [smem:$0x3FFE];
	[sflag:s23] =	ssyncadd.s32 $0xFFFFFFFF  }
0xa6: {  	s26 =	simm.s32 $execute0_lowered;
	[smem:$0x3FD2] =	sst s25  }
0xa7: {  	s6 =	sshll.u32 s26, $0x1;
	_ =	strace $0x80000055;
	[dreg:$0x1] =	wrdreg $0xFFFFFFFF  }
0xa8: {  	s28 =	simm.s32 $_size_execute0_lowered;
	s4 =	sadd.s32 s4, s6;
	[dreg:$0x0] =	wrdreg $0x0  }
0xa9: {  	s6 =	sshll.u32 s28, $0x1;
	[dreg:$0x2] =	wrdreg s4  }
0xaa: {  	[dreg:$0x3] =	wrdreg s6  }
0xab: {  	[dreg:$0x4] =	wrdreg $0xC0  }
0xac: {  	_ =	task [dreg:s8], $0x5FFFF  }
0xad: {  	[dreg:$0x1] =	wrdreg $0xFFFFFFFF  }
0xae: {  	[dreg:$0x0] =	wrdreg $0x60  }
0xaf: {  	[dreg:$0x2] =	wrdreg s24  }
0xb0: {  	[dreg:$0x3] =	wrdreg s2  }
0xb1: {  	[dreg:$0x4] =	wrdreg s18  }
0xb2: {  	[dreg:$0x5] =	wrdreg $0x9  }
0xb3: {  	_ =	task.clear_ibuf [dreg:s8], $0x6FFFF;
	_ =	strace $0x90000055  }
0xb4: {  	s29 =	simm.s32 $0x9;
	_ =	strace $0x80000057  }
0xb5: {  	_ =	swait.ge [sflag:s29], $0x1  }
0xb6: {  	[sflag:s29] =	ssyncadd.s32 $0xFFFFFFFF  }
0xb7: {  	_ =	strace $0x90000057  }
0xb8: {  	_ =	sfence  }
0xb9: {  	s30 =	sld [smem:$0x0];
	_ =	sdelay $0x2  }
0xba: {  	s31 =	sshll.u32 s1, $0xD;
	s1 =	sshrl.u32 s1, $0x2  }
0xbb: {  	s3 =	sand.u32 $0x4000, s31;
	s1 =	sadd.s32 s1, s30  }
0xbc: {  	s0 =	sor.u32 s3, s0;
	s1 =	sshll.u32 s1, $0x11  }
0xbd: {  	s0 =	sor.u32 s1, s0  }
0xbe: {  	s0 =	sadd.s32 $0x8F2B, s0  }
0xbf: {  	[sflag:s0] =	ssyncadd.remote.s32 $0x1  }
0xc0: {  	_ =	sfence.sel $0xFFFF  }
0xc1: {  	[dreg:$0x0] =	wrdreg $0xFFFFFFFF;
	(pc) =	sbr.abs _section_cstart, $3  }
0xc2: {  	[dreg:$0x1] =	wrdreg $0xFFFFFFFF  }
0xc3: {  	_ =	task.clear_ibuf [dreg:s8], $0x2FFFF;
	_ =	strace $0x9FFFFFFF  }
0xc4: {  	(tm) =	ssettm $0x7FFFFFFF  }
0xc5: {  	_ =	shalt  }
tec
execute0_lowered:
.L_overlay_start_1:
0x0: {  	(tag) =	ssettag $0x1  }
0x1: {  	s4 =	rddreg [dreg:$0x0]  }
0x2: {  	s8 =	rddreg [dreg:$0x1]  }
0x3: {  	s0 =	stileid.u32;
	s1 =	srdreg.scid  }
0x4: {  	s7 =	rddreg [dreg:$0x2];
	s2 =	simm.s32 $0x0;
	s5 =	smul.u32 $0x30D40, s0  }
0x5: {  	s3 =	sand.u32 $0x1, s1;
	s1 =	rddreg [dreg:$0x3];
	s10 =	smul.u32 $0xC350, s0  }
0x6: {  	[smem:$0x7FF] =	sst s2;
	s6 =	smul.u32 $0x186A0, s3;
	s9 =	ssub.s32 $0x2, s3  }
0x7: {  	_ =	strace $0x80000056;
	s12 =	smul.u32 $0x61A8, s3;
	s11 =	sshrl.u32 s9, $0x1  }
0x8: {  	s3 =	sadd.s32 $0xCE00, s4;
	s5 =	sadd.s32 s5, s4;
	s30 =	ssub.s32 s9, s11  }
0x9: {  	s6 =	sadd.s32 s6, s5;
	s31 =	sadd.s32 s12, s10;
	s10 =	simm.s32 $0x3E8  }
0xa: {  	s11 =	simm.s32 $0x1;
	s12 =	simm.s32 $0x0;
	s4 =	smax.u32 s30, $0x1  }
0xb: {  	s5 =	sadd.s32 $0x7AE600, s6;
	s6 =	sadd.s32 $0x4A1200, s6;
	s9 =	sshrl.u32 s31, $0x3  }
0xc: {  	s7 =	sadd.s32 s9, s7;
	s8 =	sadd.s32 s9, s8;
	s9 =	simm.s32 $0x2  }
.LBB2_1:
0xd: {  	s13 =	sadd.s32 $0x0, s8  }
0xe: {  	[tilespmem:s2], [sflag:$0x2] =	stream.linear.gather [hbm4b:s13+s2], $0x3E8, $0x38;
	[tilespmem:$0x80E8] =	vst v63  }
0xf: {  	_ =	swait.ge [sflag:s9], $0x3E8  }
0x10: {  	[sflag:s9] =	ssyncset.done $0x0  }
0x11: {  	[sflag:s9] =	ssyncadd.s32 $0xFFFFFC18  }
0x12: {  	[tilespmem:s10], [sflag:$0x1] =	stream.indirect.gather [hbm4b:s3+s10], $0x20, s2, s10, $0xb8;
	[tilespmem:$0x80E8] =	vst v63  }
0x13: {  	_ =	swait.ge [sflag:s11], $0x7D00  }
0x14: {  	[sflag:s11] =	ssyncset.done $0x0  }
0x15: {  	[sflag:s11] =	ssyncadd.s32 $0xFFFF8300  }
0x16: {  	[hbm4b:s6+s2] =	stream.linear.scatter [tilespmem:s10], [sflag:$0x2], $0x7D00, $0x38;
	[tilespmem:$0x80E8] =	vst v63  }
0x17: {  	_ =	swait.ge [sflag:s9], $0x7D00  }
0x18: {  	[sflag:s9] =	ssyncset.done $0x0  }
0x19: {  	s31 =	sadd.s32 $0x0, s7;
	[sflag:s9] =	ssyncadd.s32 $0xFFFF8300  }
0x1a: {  	[tilespmem:s2], [sflag:$0x2] =	stream.linear.gather [hbm4b:s31+s2], $0x3E8, $0x38;
	[tilespmem:$0x80E8] =	vst v63  }
0x1b: {  	_ =	swait.ge [sflag:s9], $0x3E8  }
0x1c: {  	[sflag:s9] =	ssyncset.done $0x0  }
0x1d: {  	[sflag:s9] =	ssyncadd.s32 $0xFFFFFC18  }
0x1e: {  	[tilespmem:s10], [sflag:$0x1] =	stream.indirect.gather [hbm4b:s3+s10], $0x20, s2, s10, $0xb8;
	[tilespmem:$0x80E8] =	vst v63  }
0x1f: {  	_ =	swait.ge [sflag:s11], $0x7D00  }
0x20: {  	[sflag:s11] =	ssyncset.done $0x0  }
0x21: {  	[sflag:s11] =	ssyncadd.s32 $0xFFFF8300  }
0x22: {  	[hbm4b:s5+s2] =	stream.linear.scatter [tilespmem:s10], [sflag:$0x2], $0x7D00, $0x38;
	[tilespmem:$0x80E8] =	vst v63  }
0x23: {  	s14 =	simm.s32 $0x7D;
	s16 =	simm.s32 $0xFA;
	_ =	swait.ge [sflag:s9], $0x7D00  }
0x24: {  	s15 =	sadd.s32 $0xFA0, s6;
	s13 =	sadd.s32 $0xFA0, s5;
	[sflag:s9] =	ssyncset.done $0x0  }
.LBB2_2:
0x25: {  	s17 =	sadd.s32 s14, s8  }
0x26: {  	[sflag:s9] =	ssyncadd.s32 $0xFFFF8300;
	s18 =	smov.u32 s16;
	s19 =	sadd.s32 $0x7D, s16  }
0x27: {  	[tilespmem:s2], [sflag:$0x2] =	stream.linear.gather [hbm4b:s17+s2], $0x3E8, $0x38;
	[tilespmem:$0x80E8] =	vst v63  }
0x28: {  	p0 =	sne.s32 s16, $0xBB8;
	_ =	swait.ge [sflag:s9], $0x3E8  }
0x29: {  	[sflag:s9] =	ssyncset.done $0x0  }
0x2a: {  	[sflag:s9] =	ssyncadd.s32 $0xFFFFFC18  }
0x2b: {  	[tilespmem:s10], [sflag:$0x1] =	stream.indirect.gather [hbm4b:s3+s10], $0x20, s2, s10, $0xb8;
	[tilespmem:$0x80E8] =	vst v63  }
0x2c: {  	_ =	swait.ge [sflag:s11], $0x7D00  }
0x2d: {  	[sflag:s11] =	ssyncset.done $0x0  }
0x2e: {  	[sflag:s11] =	ssyncadd.s32 $0xFFFF8300  }
0x2f: {  	[hbm4b:s15+s2] =	stream.linear.scatter [tilespmem:s10], [sflag:$0x2], $0x7D00, $0x38;
	[tilespmem:$0x80E8] =	vst v63  }
0x30: {  	_ =	swait.ge [sflag:s9], $0x7D00  }
0x31: {  	[sflag:s9] =	ssyncset.done $0x0  }
0x32: {  	s16 =	sadd.s32 s14, s7;
	s14 =	smov.u32 s18;
	[sflag:s9] =	ssyncadd.s32 $0xFFFF8300  }
0x33: {  	[tilespmem:s2], [sflag:$0x2] =	stream.linear.gather [hbm4b:s16+s2], $0x3E8, $0x38;
	[tilespmem:$0x80E8] =	vst v63  }
0x34: {  	_ =	swait.ge [sflag:s9], $0x3E8  }
0x35: {  	[sflag:s9] =	ssyncset.done $0x0  }
0x36: {  	[sflag:s9] =	ssyncadd.s32 $0xFFFFFC18  }
0x37: {  	[tilespmem:s10], [sflag:$0x1] =	stream.indirect.gather [hbm4b:s3+s10], $0x20, s2, s10, $0xb8;
	[tilespmem:$0x80E8] =	vst v63  }
0x38: {  	_ =	swait.ge [sflag:s11], $0x7D00  }
.Ltmp0:
0x39: {  	[sflag:s11] =	ssyncset.done $0x0;
	(pc) =	sbr.rel @p0 .LBB2_2-.Ltmp0, $4  }
0x3a: {  	[sflag:s11] =	ssyncadd.s32 $0xFFFF8300  }
0x3b: {  	[hbm4b:s13+s2] =	stream.linear.scatter [tilespmem:s10], [sflag:$0x2], $0x7D00, $0x38;
	[tilespmem:$0x80E8] =	vst v63  }
0x3c: {  	s15 =	sadd.s32 $0xFA0, s15;
	_ =	swait.ge [sflag:s9], $0x7D00  }
0x3d: {  	s16 =	smov.u32 s19;
	s13 =	sadd.s32 $0xFA0, s13;
	[sflag:s9] =	ssyncset.done $0x0  }
0x3e: {  	s16 =	sadd.s32 s14, s8;
	[sflag:s9] =	ssyncadd.s32 $0xFFFF8300  }
0x3f: {  	[tilespmem:s2], [sflag:$0x2] =	stream.linear.gather [hbm4b:s16+s2], $0x3E8, $0x38;
	[tilespmem:$0x80E8] =	vst v63  }
0x40: {  	_ =	swait.ge [sflag:s9], $0x3E8  }
0x41: {  	[sflag:s9] =	ssyncset.done $0x0  }
0x42: {  	[sflag:s9] =	ssyncadd.s32 $0xFFFFFC18  }
0x43: {  	[tilespmem:s10], [sflag:$0x1] =	stream.indirect.gather [hbm4b:s3+s10], $0x20, s2, s10, $0xb8;
	[tilespmem:$0x80E8] =	vst v63  }
0x44: {  	_ =	swait.ge [sflag:s11], $0x7D00  }
0x45: {  	[sflag:s11] =	ssyncset.done $0x0  }
0x46: {  	[sflag:s11] =	ssyncadd.s32 $0xFFFF8300  }
0x47: {  	[hbm4b:s15+s2] =	stream.linear.scatter [tilespmem:s10], [sflag:$0x2], $0x7D00, $0x38;
	[tilespmem:$0x80E8] =	vst v63  }
0x48: {  	_ =	swait.ge [sflag:s9], $0x7D00  }
0x49: {  	[sflag:s9] =	ssyncset.done $0x0  }
0x4a: {  	s31 =	sadd.s32 s14, s7;
	[sflag:s9] =	ssyncadd.s32 $0xFFFF8300  }
0x4b: {  	[tilespmem:s2], [sflag:$0x2] =	stream.linear.gather [hbm4b:s31+s2], $0x3E8, $0x38;
	[tilespmem:$0x80E8] =	vst v63  }
0x4c: {  	_ =	swait.ge [sflag:s9], $0x3E8  }
0x4d: {  	[sflag:s9] =	ssyncset.done $0x0  }
0x4e: {  	[sflag:s9] =	ssyncadd.s32 $0xFFFFFC18  }
0x4f: {  	[tilespmem:s10], [sflag:$0x1] =	stream.indirect.gather [hbm4b:s3+s10], $0x20, s2, s10, $0xb8;
	[tilespmem:$0x80E8] =	vst v63  }
0x50: {  	s12 =	sadd.s32 $0x1, s12;
	_ =	swait.ge [sflag:s11], $0x7D00  }
0x51: {  	p0 =	sne.s32 s12, s4;
	[sflag:s11] =	ssyncset.done $0x0  }
.Ltmp1:
0x52: {  	[sflag:s11] =	ssyncadd.s32 $0xFFFF8300;
	(pc) =	sbr.rel @p0 .LBB2_1-.Ltmp1, $4  }
0x53: {  	[hbm4b:s13+s2] =	stream.linear.scatter [tilespmem:s10], [sflag:$0x2], $0x7D00, $0x38;
	[tilespmem:$0x80E8] =	vst v63  }
0x54: {  	_ =	swait.ge [sflag:s9], $0x7D00  }
0x55: {  	[sflag:s9] =	ssyncset.done $0x0  }
0x56: {  	[sflag:s9] =	ssyncadd.s32 $0xFFFF8300  }
0x57: {  	_ =	sfence.sel $0x180000  }
0x58: {  	[bflag:$0x0] =	sbarrier.arrive $0xFFFF  }
0x59: {  	p0 =	sne.s32 s0, $0x0;
	_ =	strace $0x90000056  }
0x5a: {  	s0 =	sadd.s32 @!p0 $0x100000, s1;
	[bflag:$0x2] =	sbarrier.arrive $0xFFFF  }
0x5b: {  	[sflag:s0] =	ssyncadd.tile.s32 @!p0 $0x1;
	_ =	shalt  }
.Lfunc_end2:
_tile_overlayer_lowered:
.L_overlay_start_2:
0x5c: {  	(tag) =	ssettag $0x2  }
0x5d: {  	s0 =	rddreg [dreg:$0x0];
	s2 =	stileid.u32  }
0x5e: {  	s1 =	rddreg [dreg:$0x1];
	p0 =	sne.s32 s2, $0x0  }
0x5f: {  	s3 =	rddreg [dreg:$0x2];
	[bflag:$0x3] =	sbarrier.arrive $0xFFFF;
	s2 =	simm.s32 @!p0 $0x1C02  }
0x60: {  	[timem:s3], [sflag:s2] =	dma.local @!p0 [hbm:s0], s1  }
0x61: {  	s0 =	simm.s32 @!p0 $0x2  }
0x62: {  	_ =	swait.ge @!p0 [sflag:s0], s1  }
0x63: {  	s1 =	ssub.s32 @!p0 $0x0, s1;
	[sflag:s0] =	ssyncset.done @!p0 $0x0  }
0x64: {  	[sflag:s0] =	ssyncadd.s32 @!p0 s1  }
0x65: {  	[bflag:$0x3] =	sbarrier.arrive $0xFFFF  }
0x66: {  	_ =	shalt  }

// kernel: kernel.37.cloned.1.call-start
scs
__scs_entry_jumppad:
0x0: {  	(pc) =	sbr.rel $0x88, $3  }
0x1: {  	(tag) =	ssettag $0x0;
	lr =	simm.s32 $0x1  }
0x2: {  	[smem:$0x3F5B] =	sst lr;
	_ =	strace $0xD0000000  }
0x3: {  	_ = 	snop  }
0x4: {  	_ = 	snop  }
0x5: {  	_ = 	snop  }
0x6: {  	_ = 	snop  }
0x7: {  	_ = 	snop  }
__scs_overlays_trampoline_lowered:
0x8: {  	[smem:$0x3F6A] =	sst s0  }
0x9: {  	[smem:$0x3F6B] =	sst s1  }
0xa: {  	[smem:$0x3F6C] =	sst s2  }
0xb: {  	[smem:$0x3F6D] =	sst s3  }
0xc: {  	[smem:$0x3F6E] =	sst s4  }
0xd: {  	[smem:$0x3F6F] =	sst s5  }
0xe: {  	[smem:$0x3F70] =	sst s6  }
0xf: {  	[smem:$0x3F71] =	sst s7  }
0x10: {  	[smem:$0x3F72] =	sst s8  }
0x11: {  	[smem:$0x3F73] =	sst s9;
	s0 =	simm.s32 @!p0 $0x0  }
0x12: {  	s1 =	sld [smem:$0x3F59];
	s0 =	simm.s32 @p0 $0x1  }
0x13: {  	[smem:$0x3F74] =	sst s0;
	s0 =	simm.s32 @!p1 $0x0  }
0x14: {  	s2 =	sld [smem:$0x3F58];
	s0 =	simm.s32 @p1 $0x1  }
0x15: {  	[smem:$0x3F75] =	sst s0;
	s0 =	simm.s32 @!p2 $0x0  }
0x16: {  	s3 =	sld [smem:$0x3FDB];
	s0 =	simm.s32 @p2 $0x1  }
0x17: {  	s4 =	simm.s32 $0x1BF5;
	[smem:$0x3F77] =	sst s0  }
0x18: {  	s0 =	sld [smem:$0x3F5A];
	_ =	swait.ge [sflag:s4], $0x0  }
0x19: {  	s7 =	sld [smem:$0x3F5B]  }
0x1a: {  	s8 =	sadd.s32 $0xFFFFE003, lr  }
0x1b: {  	s9 =	sadd.s32 $0xFFFFFEF7, lr;
	s5 =	simm.s32 $0xFFFFFFFF;
	p2 =	slt.u32 s8, $0xFFFFF086  }
0x1c: {  	p1 =	slt.u32 s9, $0xF7A;
	s5 =	simm.s32 @!p2 $0x0  }
0x1d: {  	s5 =	simm.s32 @p1 $0x1;
	p0 =	seq.s32 s7, s2  }
0x1e: {  	s7 =	smul.u32 @!p0 $0xF7A, s2;
	p2 =	seq.s32 @!p0 s5, $0x0  }
0x1f: {  	s9 =	smul.u32 $0xF7A, s1;
	s8 =	simm.s32 @!p0 $0x1BF5;
	p2 =	por !p2, p0  }
0x20: {  	[sflag:s8] =	ssyncset.s32 @!p0 $0xFFFFF086;
	s6 =	sadd.s32 @!p0 s3, s7;
	s7 =	simm.s32 @!p0 $0x108  }
0x21: {  	s3 =	sadd.s32 s3, s9;
	s6 =	sadd.s32 @!p0 $0x88, s6;
	s7 =	simm.s32 @p2 $0x1082  }
0x22: {  	[simem:s7], [sflag:s8] =	dma.local @!p0 [hbm:s6], $0xF7A  }
0x23: {  	s9 =	sor.u32 $0xD0000000, s2;
	s6 =	simm.s32 $0x108;
	_ =	swait.ge @!p0 [sflag:s8], $0x0  }
0x24: {  	s3 =	sadd.s32 $0x88, s3;
	s6 =	simm.s32 @!p1 $0x1082;
	[sflag:s4] =	ssyncset.s32 $0xFFFFF086  }
0x25: {  	[simem:s6], [sflag:s4] =	dma.local [hbm:s3], $0xF7A  }
0x26: {  	[smem:$0x3F5B] =	sst s1;
	(tag) =	ssettag s2;
	_ =	strace s9  }
0x27: {  	s1 =	sld [smem:$0x3F6B]  }
0x28: {  	s2 =	sld [smem:$0x3F6C]  }
0x29: {  	s4 =	sld [smem:$0x3F6E]  }
0x2a: {  	p0 =	seq.s32 s5, $0x0;
	s5 =	sld [smem:$0x3F6F]  }
0x2b: {  	s6 =	sld [smem:$0x3F70]  }
0x2c: {  	s7 =	sld [smem:$0x3F71]  }
0x2d: {  	s3 =	simm.s32 $0x108;
	s8 =	sld [smem:$0x3F72]  }
0x2e: {  	s3 =	simm.s32 @!p0 $0x1082;
	s9 =	sld [smem:$0x3F73]  }
0x2f: {  	lr =	sadd.s32 s0, s3;
	s0 =	sld [smem:$0x3F6A]  }
0x30: {  	s3 =	sld [smem:$0x3F6D]  }
0x31: {  	[smem:$0x3F76] =	sst s10  }
0x32: {  	s10 =	sld [smem:$0x3F74];
	_ =	sdelay $0x3  }
0x33: {  	p0 =	seq.s32 s10, $0x1;
	s10 =	sld [smem:$0x3F76];
	_ =	sdelay $0x3  }
0x34: {  	[smem:$0x3F76] =	sst s10  }
0x35: {  	s10 =	sld [smem:$0x3F75];
	_ =	sdelay $0x3  }
0x36: {  	p1 =	seq.s32 s10, $0x1;
	s10 =	sld [smem:$0x3F76];
	_ =	sdelay $0x3  }
0x37: {  	[smem:$0x3F76] =	sst s10  }
0x38: {  	s10 =	sld [smem:$0x3F77]  }
0x39: {  	_ = 	snop;
	(pc) =	sbr.ind lr, $3  }
0x3a: {  	_ = 	snop  }
0x3b: {  	_ = 	snop  }
0x3c: {  	p2 =	seq.s32 s10, $0x1;
	s10 =	sld [smem:$0x3F76]  }
0x3d: {  	_ =	shalt  }
0x3e: {  	_ =	shalt  }
0x3f: {  	_ =	shalt  }
0x40: {  	_ =	shalt  }
0x41: {  	_ =	shalt  }
0x42: {  	_ =	shalt  }
0x43: {  	_ =	shalt  }
0x44: {  	_ =	shalt  }
0x45: {  	_ =	shalt  }
0x46: {  	_ =	shalt  }
0x47: {  	_ =	shalt  }
0x48: {  	_ =	shalt  }
0x49: {  	_ =	shalt  }
0x4a: {  	_ =	shalt  }
0x4b: {  	_ =	shalt  }
0x4c: {  	_ =	shalt  }
0x4d: {  	_ =	shalt  }
0x4e: {  	_ =	shalt  }
0x4f: {  	_ =	shalt  }
0x50: {  	_ =	shalt  }
0x51: {  	_ =	shalt  }
0x52: {  	_ =	shalt  }
0x53: {  	_ =	shalt  }
0x54: {  	_ =	shalt  }
0x55: {  	_ =	shalt  }
0x56: {  	_ =	shalt  }
0x57: {  	_ =	shalt  }
0x58: {  	_ =	shalt  }
0x59: {  	_ =	shalt  }
0x5a: {  	_ =	shalt  }
0x5b: {  	_ =	shalt  }
0x5c: {  	_ =	shalt  }
0x5d: {  	_ =	shalt  }
0x5e: {  	_ =	shalt  }
0x5f: {  	_ =	shalt  }
0x60: {  	_ =	shalt  }
0x61: {  	_ =	shalt  }
0x62: {  	_ =	shalt  }
0x63: {  	_ =	shalt  }
0x64: {  	_ =	shalt  }
0x65: {  	_ =	shalt  }
0x66: {  	_ =	shalt  }
0x67: {  	_ =	shalt  }
0x68: {  	_ =	shalt  }
0x69: {  	_ =	shalt  }
0x6a: {  	_ =	shalt  }
0x6b: {  	_ =	shalt  }
0x6c: {  	_ =	shalt  }
0x6d: {  	_ =	shalt  }
0x6e: {  	_ =	shalt  }
0x6f: {  	_ =	shalt  }
0x70: {  	_ =	shalt  }
0x71: {  	_ =	shalt  }
0x72: {  	_ =	shalt  }
0x73: {  	_ =	shalt  }
0x74: {  	_ =	shalt  }
0x75: {  	_ =	shalt  }
0x76: {  	_ =	shalt  }
0x77: {  	_ =	shalt  }
0x78: {  	_ =	shalt  }
0x79: {  	_ =	shalt  }
0x7a: {  	_ =	shalt  }
0x7b: {  	_ =	shalt  }
0x7c: {  	_ =	shalt  }
0x7d: {  	_ =	shalt  }
0x7e: {  	_ =	shalt  }
0x7f: {  	_ =	shalt  }
0x80: {  	_ =	shalt  }
0x81: {  	_ =	shalt  }
0x82: {  	_ =	shalt  }
0x83: {  	_ =	shalt  }
0x84: {  	_ =	shalt  }
0x85: {  	_ =	shalt  }
0x86: {  	_ =	shalt  }
0x87: {  	_ =	shalt  }
.Lfunc_end0:
.L_simem_size_0:
called_computation.6_lowered:
.L_overlay_start_0:
0x88: {  	s2 =	sld [smem:$0x3FD9]  }
0x89: {  	s3 =	sld [smem:$0x3FFE];
	_ =	sdelay $0x1  }
0x8a: {  	s1 =	srdreg.scid  }
0x8b: {  	s0 =	sand.u32 $0x1, s1  }
0x8c: {  	s17 =	sshll.u32 s0, $0xA;
	s2 =	sadd.s32 s3, s2  }
0x8d: {  	s2 =	sadd.s32 s2, s17  }
0x8e: {  	[smem:$0x3F82] =	sst s2  }
0x8f: {  	_ = 	snop  }
0x90: {  	s2 =	sld [smem:$0x3FC6];
	(tm) =	ssettm $0x1  }
0x91: {  	s18 =	sld [smem:$0x3FFB];
	_ =	sdelay $0x3  }
0x92: {  	_ =	strace s18  }
0x93: {  	s3 =	sld [smem:$0x3FFC];
	_ =	sdelay $0x3  }
0x94: {  	_ =	strace s3  }
0x95: {  	s3 =	sld [smem:$0x3FFD];
	_ =	sdelay $0x3  }
0x96: {  	_ =	strace s3  }
0x97: {  	_ =	strace $0x8FFFFFFF  }
0x98: {  	s19 =	sld [smem:$0x3FDB];
	_ =	sdelay $0x1  }
0x99: {  	s4 =	simm.s32 $_scs_section_size  }
0x9a: {  	s5 =	simm.s32 $_size__tile_overlayer_lowered;
	s6 =	simm.s32 $_tile_overlayer_lowered  }
0x9b: {  	s22 =	simm.s32 $0x1BFF;
	s21 =	sshll.u32 s6, $0x1;
	s3 =	sadd.s32 s4, s19  }
0x9c: {  	s7 =	simm.s32 $0x0;
	s20 =	sshll.u32 s5, $0x1;
	s5 =	sadd.s32 s21, s3  }
0x9d: {  	[timem:s7], [sflag:s22] =	dma.local [hbm:s5], s20  }
0x9e: {  	_ =	swait.ge [sflag:s22], s20  }
0x9f: {  	s4 =	ssub.s32 $0x0, s20;
	[sflag:s22] =	ssyncset.done $0x0  }
0xa0: {  	[sflag:s22] =	ssyncadd.s32 s4;
	_ =	sdelay $0x1  }
0xa1: {  	s23 =	simm.s32 $0x1B8B  }
0xa2: {  	_ =	swait.ge [sflag:s23], $0x1  }
0xa3: {  	[sflag:s23] =	ssyncset.done $0x0  }
0xa4: {  	s25 =	simm.s32 $0x1B8E;
	s24 =	sld [smem:$0x3FFE];
	[sflag:s23] =	ssyncadd.s32 $0xFFFFFFFF  }
0xa5: {  	s26 =	simm.s32 $execute0_lowered;
	[smem:$0x3FD2] =	sst s25  }
0xa6: {  	s5 =	sshll.u32 s26, $0x1;
	_ =	strace $0x80000058;
	[dreg:$0x1] =	wrdreg $0xFFFFFFFF  }
0xa7: {  	s28 =	simm.s32 $_size_execute0_lowered;
	s3 =	sadd.s32 s3, s5;
	[dreg:$0x0] =	wrdreg $0x0  }
0xa8: {  	s5 =	sshll.u32 s28, $0x1;
	[dreg:$0x2] =	wrdreg s3  }
0xa9: {  	[dreg:$0x3] =	wrdreg s5  }
0xaa: {  	[dreg:$0x4] =	wrdreg $0xC0  }
0xab: {  	_ =	task [dreg:s7], $0x5FFFF  }
0xac: {  	[dreg:$0x1] =	wrdreg $0xFFFFFFFF  }
0xad: {  	[dreg:$0x0] =	wrdreg $0x60  }
0xae: {  	[dreg:$0x2] =	wrdreg s24  }
0xaf: {  	[dreg:$0x3] =	wrdreg s2  }
0xb0: {  	[dreg:$0x4] =	wrdreg $0x42680  }
0xb1: {  	[dreg:$0x5] =	wrdreg $0x9  }
0xb2: {  	_ =	task.clear_ibuf [dreg:s7], $0x6FFFF;
	_ =	strace $0x90000058  }
0xb3: {  	s29 =	simm.s32 $0x9;
	_ =	strace $0x8000005A  }
0xb4: {  	_ =	swait.ge [sflag:s29], $0x1  }
0xb5: {  	[sflag:s29] =	ssyncadd.s32 $0xFFFFFFFF  }
0xb6: {  	_ =	strace $0x9000005A  }
0xb7: {  	_ =	sfence  }
0xb8: {  	s30 =	sld [smem:$0x0];
	_ =	sdelay $0x2  }
0xb9: {  	s31 =	sshll.u32 s1, $0xD;
	s1 =	sshrl.u32 s1, $0x2  }
0xba: {  	s3 =	sand.u32 $0x4000, s31;
	s1 =	sadd.s32 s1, s30  }
0xbb: {  	s0 =	sor.u32 s3, s0;
	s1 =	sshll.u32 s1, $0x11  }
0xbc: {  	s0 =	sor.u32 s1, s0  }
0xbd: {  	s0 =	sadd.s32 $0x8F2B, s0  }
0xbe: {  	[sflag:s0] =	ssyncadd.remote.s32 $0x1  }
0xbf: {  	_ =	sfence.sel $0xFFFF  }
0xc0: {  	[dreg:$0x0] =	wrdreg $0xFFFFFFFF;
	(pc) =	sbr.abs _section_cstart, $3  }
0xc1: {  	[dreg:$0x1] =	wrdreg $0xFFFFFFFF  }
0xc2: {  	_ =	task.clear_ibuf [dreg:s7], $0x2FFFF;
	_ =	strace $0x9FFFFFFF  }
0xc3: {  	(tm) =	ssettm $0x7FFFFFFF  }
tec
execute0_lowered:
.L_overlay_start_1:
0x0: {  	(tag) =	ssettag $0x1  }
0x1: {  	s5 =	rddreg [dreg:$0x0]  }
0x2: {  	s9 =	rddreg [dreg:$0x1]  }
0x3: {  	s2 =	rddreg [dreg:$0x2]  }
0x4: {  	s0 =	rddreg [dreg:$0x3]  }
0x5: {  	s1 =	stileid.u32;
	s3 =	simm.s32 $0x0;
	s4 =	srdreg.scid  }
0x6: {  	s14 =	simm.s32 $0x3E8;
	s15 =	simm.s32 $0x4;
	s16 =	simm.s32 $0x2  }
0x7: {  	s17 =	simm.s32 $0x0;
	s6 =	smul.u32 $0x30D40, s1;
	[smem:$0x7FF] =	sst s3  }
0x8: {  	s7 =	sand.u32 $0x1, s4;
	s26 =	smul.u32 $0x186A0, s1;
	s4 =	sadd.s32 $0x3DC00, s5  }
0x9: {  	s30 =	sshll.u32 s1, $0x6;
	s13 =	smul.u32 $0x186A, s1;
	_ =	strace $0x80000059  }
0xa: {  	s8 =	sshll.u32 s7, $0x4;
	s11 =	ssub.s32 $0x2, s7;
	s31 =	sshll.u32 s7, $0x1  }
0xb: {  	s10 =	sadd.s32 s6, s5;
	s8 =	sor.u32 s8, s26;
	s12 =	sshrl.u32 s11, $0x1  }
0xc: {  	s28 =	sshrl.u32 s6, $0x2;
	s9 =	sadd.s32 s13, s9;
	s13 =	simm.s32 $0x20  }
0xd: {  	s8 =	sshrl.u32 s8, $0x3;
	s11 =	ssub.s32 s11, s12;
	s29 =	sadd.s32 s28, s2  }
0xe: {  	s10 =	sadd.s32 s31, s10;
	s12 =	simm.s32 $0x10;
	s8 =	sadd.s32 s8, s5  }
0xf: {  	s5 =	sor.u32 $0x1C01, s30;
	s7 =	smax.u32 s11, $0x1;
	s11 =	simm.s32 $0x1  }
0x10: {  	s6 =	sadd.s32 $0xCE00, s8;
	s8 =	sadd.s32 $0x13E3200, s10;
	s10 =	sshrl.u32 s29, $0x3  }
.LBB2_1:
0x11: {  	[spmem:s10], [sflag:s5] =	dma.local [hbm:s4], $0x186A  }
0x12: {  	_ =	swait.ge [sflag:s11], $0x186A  }
0x13: {  	[sflag:s11] =	ssyncset.done $0x0  }
0x14: {  	[sflag:s11] =	ssyncadd.s32 $0xFFFFE796  }
0x15: {  	s18 =	sadd.s32 $0x0, s9;
	[bflag:$0x0] =	sbarrier.arrive $0xFFFF  }
0x16: {  	[tilespmem:s3], [sflag:$0x1] =	stream.linear.gather [hbm4b:s18+s3], $0x3E8, $0x38;
	[tilespmem:$0x105B8] =	vst v63  }
0x17: {  	_ =	swait.ge [sflag:s11], $0x3E8  }
0x18: {  	[sflag:s11] =	ssyncset.done $0x0  }
0x19: {  	[sflag:s11] =	ssyncadd.s32 $0xFFFFFC18  }
0x1a: {  	[tilespmem:s14], [sflag:$0x1] =	stream.strided.gather [hbm4b:s8+s12], $0x3E80, s13, s12, $0x38;
	[tilespmem:$0x105B8] =	vst v63  }
0x1b: {  	_ =	swait.ge [sflag:s11], $0x3E80  }
0x1c: {  	[sflag:s11] =	ssyncset.done $0x0  }
0x1d: {  	[sflag:s11] =	ssyncadd.s32 $0xFFFFC180  }
0x1e: {  	[spmem:s2] =	stream.indirect.scatter.add.f32 [tilespmem:s14], [sflag:$0x1], $0x10, s3, s14, $0xb8;
	[tilespmem:$0x105B8] =	vst v63  }
0x1f: {  	s19 =	simm.s32 $0x7D;
	_ =	swait.ge [sflag:s11], $0x3E80  }
0x20: {  	s20 =	simm.s32 $0xFA;
	s18 =	sadd.s32 $0xFA0, s8;
	[sflag:s11] =	ssyncset.done $0x0  }
.LBB2_2:
0x21: {  	s21 =	sadd.s32 s19, s9  }
0x22: {  	[sflag:s11] =	ssyncadd.s32 $0xFFFFC180;
	s19 =	smov.u32 s20;
	s22 =	sadd.s32 $0x7D, s20  }
0x23: {  	[tilespmem:s3], [sflag:$0x1] =	stream.linear.gather [hbm4b:s21+s3], $0x3E8, $0x38;
	[tilespmem:$0x105B8] =	vst v63  }
0x24: {  	p0 =	sne.s32 s20, $0x17ED;
	_ =	swait.ge [sflag:s11], $0x3E8  }
0x25: {  	[sflag:s11] =	ssyncset.done $0x0  }
0x26: {  	[sflag:s11] =	ssyncadd.s32 $0xFFFFFC18  }
0x27: {  	[tilespmem:s14], [sflag:$0x1] =	stream.strided.gather [hbm4b:s18+s12], $0x3E80, s13, s12, $0x38;
	[tilespmem:$0x105B8] =	vst v63  }
0x28: {  	_ =	swait.ge [sflag:s11], $0x3E80  }
.Ltmp0:
0x29: {  	[sflag:s11] =	ssyncset.done $0x0;
	(pc) =	sbr.rel @p0 .LBB2_2-.Ltmp0, $4  }
0x2a: {  	[sflag:s11] =	ssyncadd.s32 $0xFFFFC180  }
0x2b: {  	[spmem:s2] =	stream.indirect.scatter.add.f32 [tilespmem:s14], [sflag:$0x1], $0x10, s3, s14, $0xb8;
	[tilespmem:$0x105B8] =	vst v63  }
0x2c: {  	_ =	swait.ge [sflag:s11], $0x3E80  }
0x2d: {  	s20 =	smov.u32 s22;
	s18 =	sadd.s32 $0xFA0, s18;
	[sflag:s11] =	ssyncset.done $0x0  }
0x2e: {  	s19 =	sadd.s32 s19, s9;
	[sflag:s11] =	ssyncadd.s32 $0xFFFFC180  }
0x2f: {  	[tilespmem:s3], [sflag:$0x1] =	stream.linear.gather [hbm4b:s19+s3], $0x3E8, $0x38;
	[tilespmem:$0x105B8] =	vst v63  }
0x30: {  	_ =	swait.ge [sflag:s11], $0x3E8  }
0x31: {  	[sflag:s11] =	ssyncset.done $0x0  }
0x32: {  	[sflag:s11] =	ssyncadd.s32 $0xFFFFFC18  }
0x33: {  	[tilespmem:s14], [sflag:$0x1] =	stream.strided.gather [hbm4b:s18+s12], $0x3E80, s13, s12, $0x38;
	[tilespmem:$0x105B8] =	vst v63  }
0x34: {  	_ =	swait.ge [sflag:s11], $0x3E80  }
0x35: {  	[sflag:s11] =	ssyncset.done $0x0  }
0x36: {  	[sflag:s11] =	ssyncadd.s32 $0xFFFFC180  }
0x37: {  	[spmem:s2] =	stream.indirect.scatter.add.f32 [tilespmem:s14], [sflag:$0x1], $0x10, s3, s14, $0xb8;
	[tilespmem:$0x105B8] =	vst v63  }
0x38: {  	_ =	swait.ge [sflag:s11], $0x3E80  }
0x39: {  	s17 =	sadd.s32 $0x1, s17;
	[sflag:s11] =	ssyncset.done $0x0  }
0x3a: {  	p0 =	sne.s32 s17, s7;
	[sflag:s11] =	ssyncadd.s32 $0xFFFFC180  }
.Ltmp1:
0x3b: {  	[bflag:$0x0] =	sbarrier.arrive $0xFFFF;
	(pc) =	sbr.rel @p0 .LBB2_1-.Ltmp1, $4  }
0x3c: {  	[hbm:s6@s15], [sflag:s5] =	dma.strided [spmem:s10@s16], $0x186A, s11, $0x2   }
0x3d: {  	_ =	swait.ge [sflag:s11], $0x186A  }
0x3e: {  	[sflag:s11] =	ssyncset.done $0x0  }
0x3f: {  	[sflag:s11] =	ssyncadd.s32 $0xFFFFE796  }
0x40: {  	_ =	sfence.sel $0x180000  }
0x41: {  	[bflag:$0x0] =	sbarrier.arrive $0xFFFF  }
0x42: {  	p0 =	sne.s32 s1, $0x0;
	_ =	strace $0x90000059  }
0x43: {  	s0 =	sadd.s32 @!p0 $0x100000, s0;
	[bflag:$0x2] =	sbarrier.arrive $0xFFFF  }
0x44: {  	[sflag:s0] =	ssyncadd.tile.s32 @!p0 $0x1;
	_ =	shalt  }
.Lfunc_end2:
_tile_overlayer_lowered:
.L_overlay_start_2:
0x45: {  	(tag) =	ssettag $0x2  }
0x46: {  	s0 =	rddreg [dreg:$0x0];
	s2 =	stileid.u32  }
0x47: {  	s1 =	rddreg [dreg:$0x1];
	p0 =	sne.s32 s2, $0x0  }
0x48: {  	s3 =	rddreg [dreg:$0x2];
	[bflag:$0x3] =	sbarrier.arrive $0xFFFF;
	s2 =	simm.s32 @!p0 $0x1C01  }
0x49: {  	[timem:s3], [sflag:s2] =	dma.local @!p0 [hbm:s0], s1  }
0x4a: {  	s0 =	simm.s32 @!p0 $0x1  }
0x4b: {  	_ =	swait.ge @!p0 [sflag:s0], s1  }
0x4c: {  	s1 =	ssub.s32 @!p0 $0x0, s1;
	[sflag:s0] =	ssyncset.done @!p0 $0x0  }
0x4d: {  	[sflag:s0] =	ssyncadd.s32 @!p0 s1  }
0x4e: {  	[bflag:$0x3] =	sbarrier.arrive $0xFFFF  }
0x4f: {  	_ =	shalt  }

</sc_bundles>
